<compile_context>
chip_gen: v7x
topology: tpu7x:2x2x1
jax: 0.10.2.dev20260603
libtpu: 0.0.44.dev20260713+nightly
codegen_flags: <defaults>
</compile_context>

<pallas_src>
import functools

import jax
import jax.numpy as jnp
from jax import lax
from jax.experimental import pallas as pl
from jax.experimental.pallas import tpu as pltpu
from jax.experimental.pallas import tpu_sc as plsc

_NC = 2
_NS = 16
_NW = _NC * _NS
_CHUNK = 128


def _proj_body(af_ref, bf_ref, anl_ref, bnl_ref, waT_ref, wbT_ref, watT_ref,
               bn_ref, ba_ref, ap_ref, bp_ref, apre_ref, ast_ref, ia_ref,
               ib_ref, *, A, NB, rows_per_b):
    i = pl.program_id(0)
    af = af_ref[...]
    ap_ref[...] = jnp.dot(af, waT_ref[...], precision=lax.Precision.HIGHEST)
    bp_ref[...] = (jnp.dot(bf_ref[...], wbT_ref[...],
                           precision=lax.Precision.HIGHEST)
                   + bn_ref[0, :][None, :])
    apre = (jnp.dot(af, watT_ref[...], precision=lax.Precision.HIGHEST)
            + ba_ref[0, :][None, :])
    apre_ref[...] = apre

    nrow = anl_ref.shape[0]
    r = lax.broadcasted_iota(jnp.int32, (nrow, anl_ref.shape[1]), 0)
    b = i * (nrow // rows_per_b) + r // rows_per_b
    ia_ref[...] = anl_ref[...] + b * A
    ib_ref[...] = bnl_ref[...] + b * NB

    @pl.when(i == 0)
    def _():
        ast_ref[...] = jnp.zeros_like(ast_ref)

    s = jnp.sum(apre, axis=0)
    q = jnp.sum(apre * apre, axis=0)
    pad = jnp.zeros((6, s.shape[0]), jnp.float32)
    ast_ref[...] += jnp.concatenate([s[None], q[None], pad], axis=0)


def _sc_gather_body(ap_hbm, bp_hbm, ia_hbm, ib_hbm, out_hbm, st_hbm,
                    idxa, idxb, y0, y1, y2, y3, bo0, bo1, stv,
                    sa0, sa1, sa2, sa3, sw0, sw1):
    wid = lax.axis_index("s") * _NC + lax.axis_index("c")
    rows_total = ia_hbm.shape[0]
    rpw = rows_total // _NW
    nchunk = rpw // _CHUNK
    base_w = wid * rpw

    pltpu.sync_copy(ia_hbm.at[pl.ds(base_w, rpw)], idxa)
    pltpu.sync_copy(ib_hbm.at[pl.ds(base_w, rpw)], idxb)

    bufsets = ((y0, y1, bo0, sa0, sa1, sw0), (y2, y3, bo1, sa2, sa3, sw1))

    def start_gather(g, ba, bb, sga, sgb):
        off = g * _CHUNK
        pltpu.async_copy(ap_hbm.at[idxa.at[pl.ds(off, _CHUNK)]], ba, sga)
        pltpu.async_copy(bp_hbm.at[idxb.at[pl.ds(off, _CHUNK)]], bb, sgb)

    def wait_gather(g, ba, bb, sga, sgb):
        off = g * _CHUNK
        pltpu.make_async_copy(ap_hbm.at[idxa.at[pl.ds(off, _CHUNK)]],
                              ba, sga).wait()
        pltpu.make_async_copy(bp_hbm.at[idxb.at[pl.ds(off, _CHUNK)]],
                              bb, sgb).wait()

    def out_slice(g):
        return out_hbm.at[pl.ds(wid * (rpw // 2) + g * (_CHUNK // 2),
                                _CHUNK // 2)]

    start_gather(0, y0, y1, sa0, sa1)
    start_gather(1, y2, y3, sa2, sa3)

    zero = jnp.zeros((16,), jnp.float32)
    acc0 = (zero,) * 8 + (zero,) * 8

    def super_chunk(h, acc):
        for p, (ba, bb, bo, sga, sgb, sw) in enumerate(bufsets):
            g = 2 * h + p
            wait_gather(g, ba, bb, sga, sgb)

            @pl.when(g >= 2)
            def _():
                pltpu.make_async_copy(bo, out_slice(g - 2), sw).wait()

            def rows2(r, acc_in):
                ya, yb = [], []
                for j in range(8):
                    sl = pl.ds(j * 16, 16)
                    ya.append(ba[r, sl] + bb[r, sl])
                    yb.append(ba[r + 64, sl] + bb[r + 64, sl])
                for j in range(8):
                    z = plsc.pack(ya[j], yb[j],
                                  format=plsc.PackFormat.INTERLEAVED)
                    bo[r, pl.ds(j * 16, 16)] = plsc.bitcast(z, jnp.int32)
                return (tuple(acc_in[j] + ya[j] + yb[j] for j in range(8))
                        + tuple(acc_in[8 + j] + ya[j] * ya[j]
                                + yb[j] * yb[j] for j in range(8)))

            acc = lax.fori_loop(0, _CHUNK // 2, rows2, acc)

            @pl.when(g + 2 < nchunk)
            def _():
                start_gather(g + 2, ba, bb, sga, sgb)

            pltpu.async_copy(bo, out_slice(g), sw)
        return acc

    acc = lax.fori_loop(0, nchunk // 2, super_chunk, acc0)
    pltpu.make_async_copy(bo0, out_slice(nchunk - 2), sw0).wait()
    pltpu.make_async_copy(bo1, out_slice(nchunk - 1), sw1).wait()
    for j in range(16):
        stv[pl.ds(j * 16, 16)] = acc[j]
    pltpu.sync_copy(stv, st_hbm.at[wid])


def _nei_norm_body(x_ref, st_ref, g_ref, b_ref, o_ref, *, nrows):
    st = st_ref[...]
    fp = g_ref.shape[1]
    s = jnp.sum(st[:, :fp], axis=0)
    q = jnp.sum(st[:, fp:], axis=0)
    mean = s / nrows
    var = q / nrows - mean * mean
    scl_v = g_ref[0, :] * lax.rsqrt(var + 1e-6)
    sht_v = b_ref[0, :] - mean * scl_v
    scl = scl_v[None, :]
    sht = sht_v[None, :]

    ngrp = x_ref.shape[0] // 64
    for q2 in range(ngrp):
        x = x_ref[pl.ds(q2 * 64, 64), :]
        lo = lax.bitcast_convert_type(x << 16, jnp.float32)
        hi = lax.bitcast_convert_type(x & jnp.int32(-65536), jnp.float32)
        y1 = lo * scl + sht
        y2 = hi * scl + sht
        o_ref[pl.ds(q2 * 128, 64), :] = jnp.where(y1 >= 0, y1, 0.01 * y1)
        o_ref[pl.ds(q2 * 128 + 64, 64), :] = jnp.where(y2 >= 0, y2, 0.01 * y2)


def _atom_norm_body(x_ref, st_ref, g_ref, b_ref, o_ref, *, nrows):
    st = st_ref[...]
    mean = st[0, :] / nrows
    var = st[1, :] / nrows - mean * mean
    scl = g_ref[0, :] * lax.rsqrt(var + 1e-6)
    sht = b_ref[0, :] - mean * scl
    y = x_ref[...] * scl[None, :] + sht[None, :]
    o_ref[...] = jnp.where(y >= 0, y, 0.01 * y)


def kernel(atom_features, bond_features, atom_neighbor_list,
           bond_neighbor_list, W_atom, b_atom, gamma_atom, beta_atom,
           W_nei, b_nei, gamma_nei, beta_nei):
    B, A, AF = atom_features.shape
    NB, BF = bond_features.shape[1], bond_features.shape[2]
    K = atom_neighbor_list.shape[2]
    FP = W_atom.shape[0]
    NA = B * A
    NBR = B * NB
    ROWS = B * A * K

    af2 = atom_features.reshape(NA, AF)
    bf2 = bond_features.reshape(NBR, BF)
    anl2 = atom_neighbor_list.astype(jnp.int32).reshape(ROWS // 128, 128)
    bnl2 = bond_neighbor_list.astype(jnp.int32).reshape(ROWS // 128, 128)

    waT = W_nei[:, :AF].T
    wbT = W_nei[:, AF:].T
    watT = W_atom.T
    bn8 = jnp.broadcast_to(b_nei[None, :], (8, FP))
    ba8 = jnp.broadcast_to(b_atom[None, :], (8, FP))

    G1 = 16
    ca, cb = NA // G1, NBR // G1
    ci = (ROWS // 128) // G1
    rows_per_b = (A * K) // 128
    ap, bp, apre, astats, ia2, ib2 = pl.pallas_call(
        functools.partial(_proj_body, A=A, NB=NB, rows_per_b=rows_per_b),
        grid=(G1,),
        in_specs=[
            pl.BlockSpec((ca, AF), lambda i: (i, 0)),
            pl.BlockSpec((cb, BF), lambda i: (i, 0)),
            pl.BlockSpec((ci, 128), lambda i: (i, 0)),
            pl.BlockSpec((ci, 128), lambda i: (i, 0)),
            pl.BlockSpec((AF, FP), lambda i: (0, 0)),
            pl.BlockSpec((BF, FP), lambda i: (0, 0)),
            pl.BlockSpec((AF, FP), lambda i: (0, 0)),
            pl.BlockSpec((8, FP), lambda i: (0, 0)),
            pl.BlockSpec((8, FP), lambda i: (0, 0)),
        ],
        out_specs=[
            pl.BlockSpec((ca, FP), lambda i: (i, 0)),
            pl.BlockSpec((cb, FP), lambda i: (i, 0)),
            pl.BlockSpec((ca, FP), lambda i: (i, 0)),
            pl.BlockSpec((8, FP), lambda i: (0, 0)),
            pl.BlockSpec((ci, 128), lambda i: (i, 0)),
            pl.BlockSpec((ci, 128), lambda i: (i, 0)),
        ],
        out_shape=[
            jax.ShapeDtypeStruct((NA, FP), jnp.float32),
            jax.ShapeDtypeStruct((NBR, FP), jnp.float32),
            jax.ShapeDtypeStruct((NA, FP), jnp.float32),
            jax.ShapeDtypeStruct((8, FP), jnp.float32),
            jax.ShapeDtypeStruct((ROWS // 128, 128), jnp.int32),
            jax.ShapeDtypeStruct((ROWS // 128, 128), jnp.int32),
        ],
    )(af2, bf2, anl2, bnl2, waT, wbT, watT, bn8, ba8)
    ia = ia2.reshape(ROWS)
    ib = ib2.reshape(ROWS)

    rpw = ROWS // _NW
    mesh = plsc.VectorSubcoreMesh(core_axis_name="c", subcore_axis_name="s")
    sc_call = functools.partial(
        pl.kernel,
        mesh=mesh,
        compiler_params=pltpu.CompilerParams(needs_layout_passes=False),
        out_type=[
            jax.ShapeDtypeStruct((ROWS // 2, FP), jnp.int32),
            jax.ShapeDtypeStruct((_NW, 2 * FP), jnp.float32),
        ],
        scratch_types=[
            pltpu.VMEM((rpw,), jnp.int32),
            pltpu.VMEM((rpw,), jnp.int32),
            pltpu.VMEM((_CHUNK, FP), jnp.float32),
            pltpu.VMEM((_CHUNK, FP), jnp.float32),
            pltpu.VMEM((_CHUNK, FP), jnp.float32),
            pltpu.VMEM((_CHUNK, FP), jnp.float32),
            pltpu.VMEM((_CHUNK // 2, FP), jnp.int32),
            pltpu.VMEM((_CHUNK // 2, FP), jnp.int32),
            pltpu.VMEM((2 * FP,), jnp.float32),
            pltpu.SemaphoreType.DMA,
            pltpu.SemaphoreType.DMA,
            pltpu.SemaphoreType.DMA,
            pltpu.SemaphoreType.DMA,
            pltpu.SemaphoreType.DMA,
            pltpu.SemaphoreType.DMA,
        ],
    )
    nei_pre, nstats = sc_call(_sc_gather_body)(ap, bp, ia, ib)

    gn8 = jnp.broadcast_to(gamma_nei[None, :], (8, FP))
    be8 = jnp.broadcast_to(beta_nei[None, :], (8, FP))
    ga8 = jnp.broadcast_to(gamma_atom[None, :], (8, FP))
    bt8 = jnp.broadcast_to(beta_atom[None, :], (8, FP))

    G3 = 64
    cn = ROWS // G3
    nei_fp = pl.pallas_call(
        functools.partial(_nei_norm_body, nrows=ROWS),
        grid=(G3,),
        in_specs=[
            pl.BlockSpec((cn // 2, FP), lambda i: (i, 0)),
            pl.BlockSpec((_NW, 2 * FP), lambda i: (0, 0)),
            pl.BlockSpec((8, FP), lambda i: (0, 0)),
            pl.BlockSpec((8, FP), lambda i: (0, 0)),
        ],
        out_specs=pl.BlockSpec((cn, FP), lambda i: (i, 0)),
        out_shape=jax.ShapeDtypeStruct((ROWS, FP), jnp.float32),
    )(nei_pre, nstats, gn8, be8)

    G4 = 4
    cn4 = NA // G4
    atom_fp = pl.pallas_call(
        functools.partial(_atom_norm_body, nrows=NA),
        grid=(G4,),
        in_specs=[
            pl.BlockSpec((cn4, FP), lambda i: (i, 0)),
            pl.BlockSpec((8, FP), lambda i: (0, 0)),
            pl.BlockSpec((8, FP), lambda i: (0, 0)),
            pl.BlockSpec((8, FP), lambda i: (0, 0)),
        ],
        out_specs=pl.BlockSpec((cn4, FP), lambda i: (i, 0)),
        out_shape=jax.ShapeDtypeStruct((NA, FP), jnp.float32),
    )(apre, astats, ga8, bt8)

    return (atom_fp.reshape(B, A, FP), nei_fp.reshape(B, A, K, FP))

# --- scband reference (transcript-rebuilt; emitter-appended) ---
"""Pipeline reference for scband-fpinitializer-20469814133046 (READ-ONLY COPY).

The authoritative reference and input builder live on the scoring server;
editing this copy changes nothing except your own understanding.
"""

import jax, jax.numpy as jnp
import numpy as np


def leaky_relu(x):
    return jnp.where(x >= 0, x, 0.01 * x)


def linear_bn(x, W, b, gamma, beta):
    # nn.Linear
    y = x @ W.T + b
    # BatchNorm1d over all leading dims (training-mode batch stats), eps=1e-6
    C = y.shape[-1]
    flat = y.reshape(-1, C)
    mean = flat.mean(axis=0)
    var = flat.var(axis=0)  # biased variance, matches torch BN normalization
    return (y - mean) / jnp.sqrt(var + 1e-6) * gamma + beta


def setup_inputs(seed: int = 0) -> dict:
    key = jax.random.key(seed)
    ks = jax.random.split(key, 12)
    B, A, NB, K = 64, 256, 512, 16
    AF, BF, FP = 128, 16, 128
    atom_features = jax.random.normal(ks[0], (B, A, AF), dtype=jnp.float32)
    bond_features = jax.random.normal(ks[1], (B, NB, BF), dtype=jnp.float32)
    atom_neighbor_list = jax.random.randint(ks[2], (B, A, K), 0, A, dtype=jnp.int64 if jax.config.jax_enable_x64 else jnp.int32)
    bond_neighbor_list = jax.random.randint(ks[3], (B, A, K), 0, NB, dtype=jnp.int64 if jax.config.jax_enable_x64 else jnp.int32)
    # atom_fc params
    W_atom = jax.random.normal(ks[4], (FP, AF), dtype=jnp.float32) * (1.0 / np.sqrt(AF))
    b_atom = jnp.zeros((FP,), dtype=jnp.float32)
    gamma_atom = jnp.ones((FP,), dtype=jnp.float32)
    beta_atom = jnp.zeros((FP,), dtype=jnp.float32)
    # nei_fc params
    W_nei = jax.random.normal(ks[5], (FP, AF + BF), dtype=jnp.float32) * (1.0 / np.sqrt(AF + BF))
    b_nei = jnp.zeros((FP,), dtype=jnp.float32)
    gamma_nei = jnp.ones((FP,), dtype=jnp.float32)
    beta_nei = jnp.zeros((FP,), dtype=jnp.float32)
    return {
        'atom_features': atom_features,
        'bond_features': bond_features,
        'atom_neighbor_list': atom_neighbor_list,
        'bond_neighbor_list': bond_neighbor_list,
        'W_atom': W_atom, 'b_atom': b_atom, 'gamma_atom': gamma_atom, 'beta_atom': beta_atom,
        'W_nei': W_nei, 'b_nei': b_nei, 'gamma_nei': gamma_nei, 'beta_nei': beta_nei,
    }


def reference(atom_features, bond_features, atom_neighbor_list, bond_neighbor_list,
              W_atom, b_atom, gamma_atom, beta_atom,
              W_nei, b_nei, gamma_nei, beta_nei):
    B = atom_features.shape[0]
    bidx = jnp.arange(B)[:, None, None]
    # per-batch gather: atom_features[i][atom_neighbor_list[i]]
    atom_neighbor_features = atom_features[bidx, atom_neighbor_list]  # [B, A, K, AF]
    bond_neighbor_features = bond_features[bidx, bond_neighbor_list]  # [B, A, K, BF]
    neighbor_FP = jnp.concatenate([atom_neighbor_features, bond_neighbor_features], axis=-1)
    neighbor_FP = linear_bn(neighbor_FP, W_nei, b_nei, gamma_nei, beta_nei)
    neighbor_FP = leaky_relu(neighbor_FP)
    atom_FP = linear_bn(atom_features, W_atom, b_atom, gamma_atom, beta_atom)
    atom_FP = leaky_relu(atom_FP)
    return (atom_FP, neighbor_FP)

if __name__ == "__main__":
    import jax
    _d = setup_inputs()
    print(jax.jit(kernel)(*tuple(_d.values())))

</pallas_src>

<mosaic_0001>
#map = affine_map<(d0, d1) -> (0, 0)>
#map1 = affine_map<(d0, d1) -> (0)>
module attributes {stable_mosaic.version = 14 : i64} {
  func.func @_sc_gather_body(%arg0: i32, %arg1: i32, %arg2: memref<16384x128xf32, #tpu.memory_space<hbm>>, %arg3: memref<32768x128xf32, #tpu.memory_space<hbm>>, %arg4: memref<262144xi32, #tpu.memory_space<hbm>>, %arg5: memref<262144xi32, #tpu.memory_space<hbm>>, %arg6: memref<131072x128xi32, #tpu.memory_space<hbm>>, %arg7: memref<32x256xf32, #tpu.memory_space<hbm>>, %arg8: memref<8192xi32, #tpu.memory_space<vmem>>, %arg9: memref<8192xi32, #tpu.memory_space<vmem>>, %arg10: memref<128x128xf32, #tpu.memory_space<vmem>>, %arg11: memref<128x128xf32, #tpu.memory_space<vmem>>, %arg12: memref<128x128xf32, #tpu.memory_space<vmem>>, %arg13: memref<128x128xf32, #tpu.memory_space<vmem>>, %arg14: memref<64x128xi32, #tpu.memory_space<vmem>>, %arg15: memref<64x128xi32, #tpu.memory_space<vmem>>, %arg16: memref<256xf32, #tpu.memory_space<vmem>>, %arg17: memref<!tpu.dma_semaphore, #tpu.memory_space<semaphore_mem>>, %arg18: memref<!tpu.dma_semaphore, #tpu.memory_space<semaphore_mem>>, %arg19: memref<!tpu.dma_semaphore, #tpu.memory_space<semaphore_mem>>, %arg20: memref<!tpu.dma_semaphore, #tpu.memory_space<semaphore_mem>>, %arg21: memref<!tpu.dma_semaphore, #tpu.memory_space<semaphore_mem>>, %arg22: memref<!tpu.dma_semaphore, #tpu.memory_space<semaphore_mem>>) attributes {dimension_semantics = [#tpu.dimension_semantics<core_parallel>, #tpu.dimension_semantics<subcore_parallel>], iteration_bounds = array<i64: 2, 16>, scalar_prefetch = 0 : i64, scratch_operands = 15 : i64, tpu.core_type = #tpu.core_type<sc_vector_subcore>, window_params = [{transform_indices = #map}, {transform_indices = #map}, {transform_indices = #map1}, {transform_indices = #map1}, {transform_indices = #map}, {transform_indices = #map}]} {
    %mul3A = arith.constant 2 : i32
    %mul3A_0 = arith.muli %arg1, %mul3A : i32
    %add3A = arith.addi %mul3A_0, %arg0 : i32
    %mul3A_1 = arith.constant 8192 : i32
    %mul3A_2 = arith.muli %add3A, %mul3A_1 : i32
    "tpu.region"() ({
      %run_scoped3A = tpu.sem_alloc : memref<!tpu.dma_semaphore, #tpu.memory_space<semaphore_mem>>
      %dma_start3A_74 = tpu.memref_slice %arg4[%mul3A_2] : memref<262144xi32, #tpu.memory_space<hbm>> -> memref<8192xi32, #tpu.memory_space<hbm>>
      %dma_start3A_75 = tpu.memref_slice %arg4[%mul3A_2] : memref<262144xi32, #tpu.memory_space<hbm>> -> memref<8192xi32, #tpu.memory_space<hbm>>
      tpu.enqueue_dma source(%dma_start3A_75 : memref<8192xi32, #tpu.memory_space<hbm>>) target(%arg8 : memref<8192xi32, #tpu.memory_space<vmem>>) target_semaphore(%run_scoped3A : memref<!tpu.dma_semaphore, #tpu.memory_space<semaphore_mem>>)
      %dma_wait3A_76 = tpu.memref_slice %arg4[%mul3A_2] : memref<262144xi32, #tpu.memory_space<hbm>> -> memref<8192xi32, #tpu.memory_space<hbm>>
      %dma_wait3A_77 = tpu.memref_slice %arg4[%mul3A_2] : memref<262144xi32, #tpu.memory_space<hbm>> -> memref<8192xi32, #tpu.memory_space<hbm>>
      tpu.wait_dma2 semaphore(%run_scoped3A : memref<!tpu.dma_semaphore, #tpu.memory_space<semaphore_mem>>) src(%dma_wait3A_77 : memref<8192xi32, #tpu.memory_space<hbm>>) dst(%arg8 : memref<8192xi32, #tpu.memory_space<vmem>>)
      tpu.yield
    }) : () -> ()
    "tpu.region"() ({
      %run_scoped3A = tpu.sem_alloc : memref<!tpu.dma_semaphore, #tpu.memory_space<semaphore_mem>>
      %dma_start3A_74 = tpu.memref_slice %arg5[%mul3A_2] : memref<262144xi32, #tpu.memory_space<hbm>> -> memref<8192xi32, #tpu.memory_space<hbm>>
      %dma_start3A_75 = tpu.memref_slice %arg5[%mul3A_2] : memref<262144xi32, #tpu.memory_space<hbm>> -> memref<8192xi32, #tpu.memory_space<hbm>>
      tpu.enqueue_dma source(%dma_start3A_75 : memref<8192xi32, #tpu.memory_space<hbm>>) target(%arg9 : memref<8192xi32, #tpu.memory_space<vmem>>) target_semaphore(%run_scoped3A : memref<!tpu.dma_semaphore, #tpu.memory_space<semaphore_mem>>)
      %dma_wait3A_76 = tpu.memref_slice %arg5[%mul3A_2] : memref<262144xi32, #tpu.memory_space<hbm>> -> memref<8192xi32, #tpu.memory_space<hbm>>
      %dma_wait3A_77 = tpu.memref_slice %arg5[%mul3A_2] : memref<262144xi32, #tpu.memory_space<hbm>> -> memref<8192xi32, #tpu.memory_space<hbm>>
      tpu.wait_dma2 semaphore(%run_scoped3A : memref<!tpu.dma_semaphore, #tpu.memory_space<semaphore_mem>>) src(%dma_wait3A_77 : memref<8192xi32, #tpu.memory_space<hbm>>) dst(%arg9 : memref<8192xi32, #tpu.memory_space<vmem>>)
      tpu.yield
    }) : () -> ()
    %dma_start3A = arith.constant 0 : i32
    %dma_start3A_3 = tpu.memref_slice %arg8[%dma_start3A] : memref<8192xi32, #tpu.memory_space<vmem>> -> memref<128xi32, #tpu.memory_space<vmem>>
    %dma_start3A_4 = arith.constant 0 : i32
    %dma_start3A_5 = arith.constant 0 : i32
    %dma_start3A_6 = tpu.memref_slice %arg2[%dma_start3A_4, %dma_start3A_5] : memref<16384x128xf32, #tpu.memory_space<hbm>> -> memref<16384x128xf32, #tpu.memory_space<hbm>>
    tpu.enqueue_indirect_dma source(%dma_start3A_6 : memref<16384x128xf32, #tpu.memory_space<hbm>>) target(%arg10 : memref<128x128xf32, #tpu.memory_space<vmem>>) offsets(%dma_start3A_3 : memref<128xi32, #tpu.memory_space<vmem>>) semaphore(%arg17 : memref<!tpu.dma_semaphore, #tpu.memory_space<semaphore_mem>>)
    %dma_start3A_7 = arith.constant 0 : i32
    %dma_start3A_8 = tpu.memref_slice %arg9[%dma_start3A_7] : memref<8192xi32, #tpu.memory_space<vmem>> -> memref<128xi32, #tpu.memory_space<vmem>>
    %dma_start3A_9 = arith.constant 0 : i32
    %dma_start3A_10 = arith.constant 0 : i32
    %dma_start3A_11 = tpu.memref_slice %arg3[%dma_start3A_9, %dma_start3A_10] : memref<32768x128xf32, #tpu.memory_space<hbm>> -> memref<32768x128xf32, #tpu.memory_space<hbm>>
    tpu.enqueue_indirect_dma source(%dma_start3A_11 : memref<32768x128xf32, #tpu.memory_space<hbm>>) target(%arg11 : memref<128x128xf32, #tpu.memory_space<vmem>>) offsets(%dma_start3A_8 : memref<128xi32, #tpu.memory_space<vmem>>) semaphore(%arg18 : memref<!tpu.dma_semaphore, #tpu.memory_space<semaphore_mem>>)
    %dma_start3A_12 = arith.constant 128 : i32
    %dma_start3A_13 = tpu.memref_slice %arg8[%dma_start3A_12] : memref<8192xi32, #tpu.memory_space<vmem>> -> memref<128xi32, #tpu.memory_space<vmem>>
    %dma_start3A_14 = arith.constant 0 : i32
    %dma_start3A_15 = arith.constant 0 : i32
    %dma_start3A_16 = tpu.memref_slice %arg2[%dma_start3A_14, %dma_start3A_15] : memref<16384x128xf32, #tpu.memory_space<hbm>> -> memref<16384x128xf32, #tpu.memory_space<hbm>>
    tpu.enqueue_indirect_dma source(%dma_start3A_16 : memref<16384x128xf32, #tpu.memory_space<hbm>>) target(%arg12 : memref<128x128xf32, #tpu.memory_space<vmem>>) offsets(%dma_start3A_13 : memref<128xi32, #tpu.memory_space<vmem>>) semaphore(%arg19 : memref<!tpu.dma_semaphore, #tpu.memory_space<semaphore_mem>>)
    %dma_start3A_17 = arith.constant 128 : i32
    %dma_start3A_18 = tpu.memref_slice %arg9[%dma_start3A_17] : memref<8192xi32, #tpu.memory_space<vmem>> -> memref<128xi32, #tpu.memory_space<vmem>>
    %dma_start3A_19 = arith.constant 0 : i32
    %dma_start3A_20 = arith.constant 0 : i32
    %dma_start3A_21 = tpu.memref_slice %arg3[%dma_start3A_19, %dma_start3A_20] : memref<32768x128xf32, #tpu.memory_space<hbm>> -> memref<32768x128xf32, #tpu.memory_space<hbm>>
    tpu.enqueue_indirect_dma source(%dma_start3A_21 : memref<32768x128xf32, #tpu.memory_space<hbm>>) target(%arg13 : memref<128x128xf32, #tpu.memory_space<vmem>>) offsets(%dma_start3A_18 : memref<128xi32, #tpu.memory_space<vmem>>) semaphore(%arg20 : memref<!tpu.dma_semaphore, #tpu.memory_space<semaphore_mem>>)
    %broadcast_in_dim3A = arith.constant 0.000000e+00 : f32
    %broadcast_in_dim3A_22 = vector.broadcast %broadcast_in_dim3A : f32 to vector<16xf32>
    %scan3A = arith.constant 0 : i32
    %scan3A_23 = arith.constant 32 : i32
    %scan3A_24 = arith.addi %scan3A, %scan3A_23 : i32
    %scan3A_25 = arith.constant 1 : i32
    %scan3A_26:16 = scf.for %scan3A_74 = %scan3A to %scan3A_24 step %scan3A_25 iter_args(%scan3A_75 = %broadcast_in_dim3A_22, %scan3A_76 = %broadcast_in_dim3A_22, %scan3A_77 = %broadcast_in_dim3A_22, %scan3A_78 = %broadcast_in_dim3A_22, %scan3A_79 = %broadcast_in_dim3A_22, %scan3A_80 = %broadcast_in_dim3A_22, %scan3A_81 = %broadcast_in_dim3A_22, %scan3A_82 = %broadcast_in_dim3A_22, %scan3A_83 = %broadcast_in_dim3A_22, %scan3A_84 = %broadcast_in_dim3A_22, %scan3A_85 = %broadcast_in_dim3A_22, %scan3A_86 = %broadcast_in_dim3A_22, %scan3A_87 = %broadcast_in_dim3A_22, %scan3A_88 = %broadcast_in_dim3A_22, %scan3A_89 = %broadcast_in_dim3A_22, %scan3A_90 = %broadcast_in_dim3A_22) -> (vector<16xf32>, vector<16xf32>, vector<16xf32>, vector<16xf32>, vector<16xf32>, vector<16xf32>, vector<16xf32>, vector<16xf32>, vector<16xf32>, vector<16xf32>, vector<16xf32>, vector<16xf32>, vector<16xf32>, vector<16xf32>, vector<16xf32>, vector<16xf32>)  : i32 {
      %mul3A_91 = arith.constant 2 : i32
      %mul3A_92 = arith.muli %mul3A_91, %scan3A_74 : i32
      %add3A_93 = arith.constant 0 : i32
      %add3A_94 = arith.addi %mul3A_92, %add3A_93 : i32
      %mul3A_95 = arith.constant 128 : i32
      %mul3A_96 = arith.muli %add3A_94, %mul3A_95 : i32
      %dma_wait3A_97 = tpu.memref_slice %arg8[%mul3A_96] : memref<8192xi32, #tpu.memory_space<vmem>> -> memref<128xi32, #tpu.memory_space<vmem>>
      %dma_wait3A_98 = arith.constant 0 : i32
      %dma_wait3A_99 = arith.constant 0 : i32
      %dma_wait3A_100 = tpu.memref_slice %arg2[%dma_wait3A_98, %dma_wait3A_99] : memref<16384x128xf32, #tpu.memory_space<hbm>> -> memref<16384x128xf32, #tpu.memory_space<hbm>>
      tpu.wait_indirect_dma semaphore(%arg17 : memref<!tpu.dma_semaphore, #tpu.memory_space<semaphore_mem>>) src(%dma_wait3A_100 : memref<16384x128xf32, #tpu.memory_space<hbm>>) dst(%arg10 : memref<128x128xf32, #tpu.memory_space<vmem>>)
      %dma_wait3A_101 = tpu.memref_slice %arg9[%mul3A_96] : memref<8192xi32, #tpu.memory_space<vmem>> -> memref<128xi32, #tpu.memory_space<vmem>>
      %dma_wait3A_102 = arith.constant 0 : i32
      %dma_wait3A_103 = arith.constant 0 : i32
      %dma_wait3A_104 = tpu.memref_slice %arg3[%dma_wait3A_102, %dma_wait3A_103] : memref<32768x128xf32, #tpu.memory_space<hbm>> -> memref<32768x128xf32, #tpu.memory_space<hbm>>
      tpu.wait_indirect_dma semaphore(%arg18 : memref<!tpu.dma_semaphore, #tpu.memory_space<semaphore_mem>>) src(%dma_wait3A_104 : memref<32768x128xf32, #tpu.memory_space<hbm>>) dst(%arg11 : memref<128x128xf32, #tpu.memory_space<vmem>>)
      %ge3A = arith.constant 2 : i32
      %ge3A_105 = arith.cmpi sge, %add3A_94, %ge3A : i32
      %convert_element_type3A = arith.extui %ge3A_105 : i1 to i32
      %cond3A = arith.constant 0 : i32
      %cond3A_106 = arith.cmpi ne, %convert_element_type3A, %cond3A : i32
      scf.if %cond3A_106 {
        %sub3A = arith.constant 2 : i32
        %sub3A_169 = arith.subi %add3A_94, %sub3A : i32
        %mul3A_170 = arith.constant 4096 : i32
        %mul3A_171 = arith.muli %add3A, %mul3A_170 : i32
        %mul3A_172 = arith.constant 64 : i32
        %mul3A_173 = arith.muli %sub3A_169, %mul3A_172 : i32
        %add3A_174 = arith.addi %mul3A_171, %mul3A_173 : i32
        %dma_wait3A_175 = arith.constant 0 : i32
        %dma_wait3A_176 = tpu.memref_slice %arg6[%add3A_174, %dma_wait3A_175] : memref<131072x128xi32, #tpu.memory_space<hbm>> -> memref<64x128xi32, #tpu.memory_space<hbm>>
        %dma_wait3A_177 = arith.constant 0 : i32
        %dma_wait3A_178 = tpu.memref_slice %arg6[%add3A_174, %dma_wait3A_177] : memref<131072x128xi32, #tpu.memory_space<hbm>> -> memref<64x128xi32, #tpu.memory_space<hbm>>
        tpu.wait_dma2 semaphore(%arg21 : memref<!tpu.dma_semaphore, #tpu.memory_space<semaphore_mem>>) src(%arg14 : memref<64x128xi32, #tpu.memory_space<vmem>>) dst(%dma_wait3A_178 : memref<64x128xi32, #tpu.memory_space<hbm>>)
      } else {
      }
      %scan3A_107 = arith.constant 0 : i32
      %scan3A_108 = arith.constant 64 : i32
      %scan3A_109 = arith.addi %scan3A_107, %scan3A_108 : i32
      %scan3A_110 = arith.constant 1 : i32
      %scan3A_111:16 = scf.for %scan3A_169 = %scan3A_107 to %scan3A_109 step %scan3A_110 iter_args(%scan3A_170 = %scan3A_75, %scan3A_171 = %scan3A_76, %scan3A_172 = %scan3A_77, %scan3A_173 = %scan3A_78, %scan3A_174 = %scan3A_79, %scan3A_175 = %scan3A_80, %scan3A_176 = %scan3A_81, %scan3A_177 = %scan3A_82, %scan3A_178 = %scan3A_83, %scan3A_179 = %scan3A_84, %scan3A_180 = %scan3A_85, %scan3A_181 = %scan3A_86, %scan3A_182 = %scan3A_87, %scan3A_183 = %scan3A_88, %scan3A_184 = %scan3A_89, %scan3A_185 = %scan3A_90) -> (vector<16xf32>, vector<16xf32>, vector<16xf32>, vector<16xf32>, vector<16xf32>, vector<16xf32>, vector<16xf32>, vector<16xf32>, vector<16xf32>, vector<16xf32>, vector<16xf32>, vector<16xf32>, vector<16xf32>, vector<16xf32>, vector<16xf32>, vector<16xf32>)  : i32 {
        %get3A = arith.index_cast %scan3A_169 : i32 to index
        %get3A_186 = arith.constant 0 : index
        %get3A_187 = tpu.vector_load %arg10[%get3A, %get3A_186] {strides = array<i32>} : memref<128x128xf32, #tpu.memory_space<vmem>>, vector<16xf32>,
        %get3A_188 = arith.index_cast %scan3A_169 : i32 to index
        %get3A_189 = arith.constant 0 : index
        %get3A_190 = tpu.vector_load %arg11[%get3A_188, %get3A_189] {strides = array<i32>} : memref<128x128xf32, #tpu.memory_space<vmem>>, vector<16xf32>,
        %add3A_191 = arith.addf %get3A_187, %get3A_190 : vector<16xf32>
        %add3A_192 = arith.constant 64 : i32
        %add3A_193 = arith.addi %scan3A_169, %add3A_192 : i32
        %get3A_194 = arith.index_cast %add3A_193 : i32 to index
        %get3A_195 = arith.constant 0 : index
        %get3A_196 = tpu.vector_load %arg10[%get3A_194, %get3A_195] {strides = array<i32>} : memref<128x128xf32, #tpu.memory_space<vmem>>, vector<16xf32>,
        %add3A_197 = arith.constant 64 : i32
        %add3A_198 = arith.addi %scan3A_169, %add3A_197 : i32
        %get3A_199 = arith.index_cast %add3A_198 : i32 to index
        %get3A_200 = arith.constant 0 : index
        %get3A_201 = tpu.vector_load %arg11[%get3A_199, %get3A_200] {strides = array<i32>} : memref<128x128xf32, #tpu.memory_space<vmem>>, vector<16xf32>,
        %add3A_202 = arith.addf %get3A_196, %get3A_201 : vector<16xf32>
        %get3A_203 = arith.index_cast %scan3A_169 : i32 to index
        %get3A_204 = arith.constant 16 : index
        %get3A_205 = tpu.vector_load %arg10[%get3A_203, %get3A_204] {strides = array<i32>} : memref<128x128xf32, #tpu.memory_space<vmem>>, vector<16xf32>,
        %get3A_206 = arith.index_cast %scan3A_169 : i32 to index
        %get3A_207 = arith.constant 16 : index
        %get3A_208 = tpu.vector_load %arg11[%get3A_206, %get3A_207] {strides = array<i32>} : memref<128x128xf32, #tpu.memory_space<vmem>>, vector<16xf32>,
        %add3A_209 = arith.addf %get3A_205, %get3A_208 : vector<16xf32>
        %add3A_210 = arith.constant 64 : i32
        %add3A_211 = arith.addi %scan3A_169, %add3A_210 : i32
        %get3A_212 = arith.index_cast %add3A_211 : i32 to index
        %get3A_213 = arith.constant 16 : index
        %get3A_214 = tpu.vector_load %arg10[%get3A_212, %get3A_213] {strides = array<i32>} : memref<128x128xf32, #tpu.memory_space<vmem>>, vector<16xf32>,
        %add3A_215 = arith.constant 64 : i32
        %add3A_216 = arith.addi %scan3A_169, %add3A_215 : i32
        %get3A_217 = arith.index_cast %add3A_216 : i32 to index
        %get3A_218 = arith.constant 16 : index
        %get3A_219 = tpu.vector_load %arg11[%get3A_217, %get3A_218] {strides = array<i32>} : memref<128x128xf32, #tpu.memory_space<vmem>>, vector<16xf32>,
        %add3A_220 = arith.addf %get3A_214, %get3A_219 : vector<16xf32>
        %get3A_221 = arith.index_cast %scan3A_169 : i32 to index
        %get3A_222 = arith.constant 32 : index
        %get3A_223 = tpu.vector_load %arg10[%get3A_221, %get3A_222] {strides = array<i32>} : memref<128x128xf32, #tpu.memory_space<vmem>>, vector<16xf32>,
        %get3A_224 = arith.index_cast %scan3A_169 : i32 to index
        %get3A_225 = arith.constant 32 : index
        %get3A_226 = tpu.vector_load %arg11[%get3A_224, %get3A_225] {strides = array<i32>} : memref<128x128xf32, #tpu.memory_space<vmem>>, vector<16xf32>,
        %add3A_227 = arith.addf %get3A_223, %get3A_226 : vector<16xf32>
        %add3A_228 = arith.constant 64 : i32
        %add3A_229 = arith.addi %scan3A_169, %add3A_228 : i32
        %get3A_230 = arith.index_cast %add3A_229 : i32 to index
        %get3A_231 = arith.constant 32 : index
        %get3A_232 = tpu.vector_load %arg10[%get3A_230, %get3A_231] {strides = array<i32>} : memref<128x128xf32, #tpu.memory_space<vmem>>, vector<16xf32>,
        %add3A_233 = arith.constant 64 : i32
        %add3A_234 = arith.addi %scan3A_169, %add3A_233 : i32
        %get3A_235 = arith.index_cast %add3A_234 : i32 to index
        %get3A_236 = arith.constant 32 : index
        %get3A_237 = tpu.vector_load %arg11[%get3A_235, %get3A_236] {strides = array<i32>} : memref<128x128xf32, #tpu.memory_space<vmem>>, vector<16xf32>,
        %add3A_238 = arith.addf %get3A_232, %get3A_237 : vector<16xf32>
        %get3A_239 = arith.index_cast %scan3A_169 : i32 to index
        %get3A_240 = arith.constant 48 : index
        %get3A_241 = tpu.vector_load %arg10[%get3A_239, %get3A_240] {strides = array<i32>} : memref<128x128xf32, #tpu.memory_space<vmem>>, vector<16xf32>,
        %get3A_242 = arith.index_cast %scan3A_169 : i32 to index
        %get3A_243 = arith.constant 48 : index
        %get3A_244 = tpu.vector_load %arg11[%get3A_242, %get3A_243] {strides = array<i32>} : memref<128x128xf32, #tpu.memory_space<vmem>>, vector<16xf32>,
        %add3A_245 = arith.addf %get3A_241, %get3A_244 : vector<16xf32>
        %add3A_246 = arith.constant 64 : i32
        %add3A_247 = arith.addi %scan3A_169, %add3A_246 : i32
        %get3A_248 = arith.index_cast %add3A_247 : i32 to index
        %get3A_249 = arith.constant 48 : index
        %get3A_250 = tpu.vector_load %arg10[%get3A_248, %get3A_249] {strides = array<i32>} : memref<128x128xf32, #tpu.memory_space<vmem>>, vector<16xf32>,
        %add3A_251 = arith.constant 64 : i32
        %add3A_252 = arith.addi %scan3A_169, %add3A_251 : i32
        %get3A_253 = arith.index_cast %add3A_252 : i32 to index
        %get3A_254 = arith.constant 48 : index
        %get3A_255 = tpu.vector_load %arg11[%get3A_253, %get3A_254] {strides = array<i32>} : memref<128x128xf32, #tpu.memory_space<vmem>>, vector<16xf32>,
        %add3A_256 = arith.addf %get3A_250, %get3A_255 : vector<16xf32>
        %get3A_257 = arith.index_cast %scan3A_169 : i32 to index
        %get3A_258 = arith.constant 64 : index
        %get3A_259 = tpu.vector_load %arg10[%get3A_257, %get3A_258] {strides = array<i32>} : memref<128x128xf32, #tpu.memory_space<vmem>>, vector<16xf32>,
        %get3A_260 = arith.index_cast %scan3A_169 : i32 to index
        %get3A_261 = arith.constant 64 : index
        %get3A_262 = tpu.vector_load %arg11[%get3A_260, %get3A_261] {strides = array<i32>} : memref<128x128xf32, #tpu.memory_space<vmem>>, vector<16xf32>,
        %add3A_263 = arith.addf %get3A_259, %get3A_262 : vector<16xf32>
        %add3A_264 = arith.constant 64 : i32
        %add3A_265 = arith.addi %scan3A_169, %add3A_264 : i32
        %get3A_266 = arith.index_cast %add3A_265 : i32 to index
        %get3A_267 = arith.constant 64 : index
        %get3A_268 = tpu.vector_load %arg10[%get3A_266, %get3A_267] {strides = array<i32>} : memref<128x128xf32, #tpu.memory_space<vmem>>, vector<16xf32>,
        %add3A_269 = arith.constant 64 : i32
        %add3A_270 = arith.addi %scan3A_169, %add3A_269 : i32
        %get3A_271 = arith.index_cast %add3A_270 : i32 to index
        %get3A_272 = arith.constant 64 : index
        %get3A_273 = tpu.vector_load %arg11[%get3A_271, %get3A_272] {strides = array<i32>} : memref<128x128xf32, #tpu.memory_space<vmem>>, vector<16xf32>,
        %add3A_274 = arith.addf %get3A_268, %get3A_273 : vector<16xf32>
        %get3A_275 = arith.index_cast %scan3A_169 : i32 to index
        %get3A_276 = arith.constant 80 : index
        %get3A_277 = tpu.vector_load %arg10[%get3A_275, %get3A_276] {strides = array<i32>} : memref<128x128xf32, #tpu.memory_space<vmem>>, vector<16xf32>,
        %get3A_278 = arith.index_cast %scan3A_169 : i32 to index
        %get3A_279 = arith.constant 80 : index
        %get3A_280 = tpu.vector_load %arg11[%get3A_278, %get3A_279] {strides = array<i32>} : memref<128x128xf32, #tpu.memory_space<vmem>>, vector<16xf32>,
        %add3A_281 = arith.addf %get3A_277, %get3A_280 : vector<16xf32>
        %add3A_282 = arith.constant 64 : i32
        %add3A_283 = arith.addi %scan3A_169, %add3A_282 : i32
        %get3A_284 = arith.index_cast %add3A_283 : i32 to index
        %get3A_285 = arith.constant 80 : index
        %get3A_286 = tpu.vector_load %arg10[%get3A_284, %get3A_285] {strides = array<i32>} : memref<128x128xf32, #tpu.memory_space<vmem>>, vector<16xf32>,
        %add3A_287 = arith.constant 64 : i32
        %add3A_288 = arith.addi %scan3A_169, %add3A_287 : i32
        %get3A_289 = arith.index_cast %add3A_288 : i32 to index
        %get3A_290 = arith.constant 80 : index
        %get3A_291 = tpu.vector_load %arg11[%get3A_289, %get3A_290] {strides = array<i32>} : memref<128x128xf32, #tpu.memory_space<vmem>>, vector<16xf32>,
        %add3A_292 = arith.addf %get3A_286, %get3A_291 : vector<16xf32>
        %get3A_293 = arith.index_cast %scan3A_169 : i32 to index
        %get3A_294 = arith.constant 96 : index
        %get3A_295 = tpu.vector_load %arg10[%get3A_293, %get3A_294] {strides = array<i32>} : memref<128x128xf32, #tpu.memory_space<vmem>>, vector<16xf32>,
        %get3A_296 = arith.index_cast %scan3A_169 : i32 to index
        %get3A_297 = arith.constant 96 : index
        %get3A_298 = tpu.vector_load %arg11[%get3A_296, %get3A_297] {strides = array<i32>} : memref<128x128xf32, #tpu.memory_space<vmem>>, vector<16xf32>,
        %add3A_299 = arith.addf %get3A_295, %get3A_298 : vector<16xf32>
        %add3A_300 = arith.constant 64 : i32
        %add3A_301 = arith.addi %scan3A_169, %add3A_300 : i32
        %get3A_302 = arith.index_cast %add3A_301 : i32 to index
        %get3A_303 = arith.constant 96 : index
        %get3A_304 = tpu.vector_load %arg10[%get3A_302, %get3A_303] {strides = array<i32>} : memref<128x128xf32, #tpu.memory_space<vmem>>, vector<16xf32>,
        %add3A_305 = arith.constant 64 : i32
        %add3A_306 = arith.addi %scan3A_169, %add3A_305 : i32
        %get3A_307 = arith.index_cast %add3A_306 : i32 to index
        %get3A_308 = arith.constant 96 : index
        %get3A_309 = tpu.vector_load %arg11[%get3A_307, %get3A_308] {strides = array<i32>} : memref<128x128xf32, #tpu.memory_space<vmem>>, vector<16xf32>,
        %add3A_310 = arith.addf %get3A_304, %get3A_309 : vector<16xf32>
        %get3A_311 = arith.index_cast %scan3A_169 : i32 to index
        %get3A_312 = arith.constant 112 : index
        %get3A_313 = tpu.vector_load %arg10[%get3A_311, %get3A_312] {strides = array<i32>} : memref<128x128xf32, #tpu.memory_space<vmem>>, vector<16xf32>,
        %get3A_314 = arith.index_cast %scan3A_169 : i32 to index
        %get3A_315 = arith.constant 112 : index
        %get3A_316 = tpu.vector_load %arg11[%get3A_314, %get3A_315] {strides = array<i32>} : memref<128x128xf32, #tpu.memory_space<vmem>>, vector<16xf32>,
        %add3A_317 = arith.addf %get3A_313, %get3A_316 : vector<16xf32>
        %add3A_318 = arith.constant 64 : i32
        %add3A_319 = arith.addi %scan3A_169, %add3A_318 : i32
        %get3A_320 = arith.index_cast %add3A_319 : i32 to index
        %get3A_321 = arith.constant 112 : index
        %get3A_322 = tpu.vector_load %arg10[%get3A_320, %get3A_321] {strides = array<i32>} : memref<128x128xf32, #tpu.memory_space<vmem>>, vector<16xf32>,
        %add3A_323 = arith.constant 64 : i32
        %add3A_324 = arith.addi %scan3A_169, %add3A_323 : i32
        %get3A_325 = arith.index_cast %add3A_324 : i32 to index
        %get3A_326 = arith.constant 112 : index
        %get3A_327 = tpu.vector_load %arg11[%get3A_325, %get3A_326] {strides = array<i32>} : memref<128x128xf32, #tpu.memory_space<vmem>>, vector<16xf32>,
        %add3A_328 = arith.addf %get3A_322, %get3A_327 : vector<16xf32>
        %pack3A = tpu.pack_subelements %add3A_191, %add3A_202 {pack_format = #tpu.pack_format<interleaved>, positions = array<i32: 0, 1>} : vector<16xf32>, vector<16xf32> -> vector<32xbf16>
        %bitcast3A = vector.bitcast %pack3A : vector<32xbf16> to vector<16xi32>
        %swap3A_329 = arith.index_cast %scan3A_169 : i32 to index
        %swap3A_330 = arith.constant 0 : index
        %swap3A_331 = tpu.vector_load %arg14[%swap3A_329, %swap3A_330] {strides = array<i32>} : memref<64x128xi32, #tpu.memory_space<vmem>>, vector<16xi32>,
        tpu.vector_store %arg14[%swap3A_329, %swap3A_330], %bitcast3A {strides = array<i32>} : memref<64x128xi32, #tpu.memory_space<vmem>>, vector<16xi32>,
        %pack3A_332 = tpu.pack_subelements %add3A_209, %add3A_220 {pack_format = #tpu.pack_format<interleaved>, positions = array<i32: 0, 1>} : vector<16xf32>, vector<16xf32> -> vector<32xbf16>
        %bitcast3A_333 = vector.bitcast %pack3A_332 : vector<32xbf16> to vector<16xi32>
        %swap3A_334 = arith.index_cast %scan3A_169 : i32 to index
        %swap3A_335 = arith.constant 16 : index
        %swap3A_336 = tpu.vector_load %arg14[%swap3A_334, %swap3A_335] {strides = array<i32>} : memref<64x128xi32, #tpu.memory_space<vmem>>, vector<16xi32>,
        tpu.vector_store %arg14[%swap3A_334, %swap3A_335], %bitcast3A_333 {strides = array<i32>} : memref<64x128xi32, #tpu.memory_space<vmem>>, vector<16xi32>,
        %pack3A_337 = tpu.pack_subelements %add3A_227, %add3A_238 {pack_format = #tpu.pack_format<interleaved>, positions = array<i32: 0, 1>} : vector<16xf32>, vector<16xf32> -> vector<32xbf16>
        %bitcast3A_338 = vector.bitcast %pack3A_337 : vector<32xbf16> to vector<16xi32>
        %swap3A_339 = arith.index_cast %scan3A_169 : i32 to index
        %swap3A_340 = arith.constant 32 : index
        %swap3A_341 = tpu.vector_load %arg14[%swap3A_339, %swap3A_340] {strides = array<i32>} : memref<64x128xi32, #tpu.memory_space<vmem>>, vector<16xi32>,
        tpu.vector_store %arg14[%swap3A_339, %swap3A_340], %bitcast3A_338 {strides = array<i32>} : memref<64x128xi32, #tpu.memory_space<vmem>>, vector<16xi32>,
        %pack3A_342 = tpu.pack_subelements %add3A_245, %add3A_256 {pack_format = #tpu.pack_format<interleaved>, positions = array<i32: 0, 1>} : vector<16xf32>, vector<16xf32> -> vector<32xbf16>
        %bitcast3A_343 = vector.bitcast %pack3A_342 : vector<32xbf16> to vector<16xi32>
        %swap3A_344 = arith.index_cast %scan3A_169 : i32 to index
        %swap3A_345 = arith.constant 48 : index
        %swap3A_346 = tpu.vector_load %arg14[%swap3A_344, %swap3A_345] {strides = array<i32>} : memref<64x128xi32, #tpu.memory_space<vmem>>, vector<16xi32>,
        tpu.vector_store %arg14[%swap3A_344, %swap3A_345], %bitcast3A_343 {strides = array<i32>} : memref<64x128xi32, #tpu.memory_space<vmem>>, vector<16xi32>,
        %pack3A_347 = tpu.pack_subelements %add3A_263, %add3A_274 {pack_format = #tpu.pack_format<interleaved>, positions = array<i32: 0, 1>} : vector<16xf32>, vector<16xf32> -> vector<32xbf16>
        %bitcast3A_348 = vector.bitcast %pack3A_347 : vector<32xbf16> to vector<16xi32>
        %swap3A_349 = arith.index_cast %scan3A_169 : i32 to index
        %swap3A_350 = arith.constant 64 : index
        %swap3A_351 = tpu.vector_load %arg14[%swap3A_349, %swap3A_350] {strides = array<i32>} : memref<64x128xi32, #tpu.memory_space<vmem>>, vector<16xi32>,
        tpu.vector_store %arg14[%swap3A_349, %swap3A_350], %bitcast3A_348 {strides = array<i32>} : memref<64x128xi32, #tpu.memory_space<vmem>>, vector<16xi32>,
        %pack3A_352 = tpu.pack_subelements %add3A_281, %add3A_292 {pack_format = #tpu.pack_format<interleaved>, positions = array<i32: 0, 1>} : vector<16xf32>, vector<16xf32> -> vector<32xbf16>
        %bitcast3A_353 = vector.bitcast %pack3A_352 : vector<32xbf16> to vector<16xi32>
        %swap3A_354 = arith.index_cast %scan3A_169 : i32 to index
        %swap3A_355 = arith.constant 80 : index
        %swap3A_356 = tpu.vector_load %arg14[%swap3A_354, %swap3A_355] {strides = array<i32>} : memref<64x128xi32, #tpu.memory_space<vmem>>, vector<16xi32>,
        tpu.vector_store %arg14[%swap3A_354, %swap3A_355], %bitcast3A_353 {strides = array<i32>} : memref<64x128xi32, #tpu.memory_space<vmem>>, vector<16xi32>,
        %pack3A_357 = tpu.pack_subelements %add3A_299, %add3A_310 {pack_format = #tpu.pack_format<interleaved>, positions = array<i32: 0, 1>} : vector<16xf32>, vector<16xf32> -> vector<32xbf16>
        %bitcast3A_358 = vector.bitcast %pack3A_357 : vector<32xbf16> to vector<16xi32>
        %swap3A_359 = arith.index_cast %scan3A_169 : i32 to index
        %swap3A_360 = arith.constant 96 : index
        %swap3A_361 = tpu.vector_load %arg14[%swap3A_359, %swap3A_360] {strides = array<i32>} : memref<64x128xi32, #tpu.memory_space<vmem>>, vector<16xi32>,
        tpu.vector_store %arg14[%swap3A_359, %swap3A_360], %bitcast3A_358 {strides = array<i32>} : memref<64x128xi32, #tpu.memory_space<vmem>>, vector<16xi32>,
        %pack3A_362 = tpu.pack_subelements %add3A_317, %add3A_328 {pack_format = #tpu.pack_format<interleaved>, positions = array<i32: 0, 1>} : vector<16xf32>, vector<16xf32> -> vector<32xbf16>
        %bitcast3A_363 = vector.bitcast %pack3A_362 : vector<32xbf16> to vector<16xi32>
        %swap3A_364 = arith.index_cast %scan3A_169 : i32 to index
        %swap3A_365 = arith.constant 112 : index
        %swap3A_366 = tpu.vector_load %arg14[%swap3A_364, %swap3A_365] {strides = array<i32>} : memref<64x128xi32, #tpu.memory_space<vmem>>, vector<16xi32>,
        tpu.vector_store %arg14[%swap3A_364, %swap3A_365], %bitcast3A_363 {strides = array<i32>} : memref<64x128xi32, #tpu.memory_space<vmem>>, vector<16xi32>,
        %add3A_367 = arith.addf %scan3A_170, %add3A_191 : vector<16xf32>
        %add3A_368 = arith.addf %add3A_367, %add3A_202 : vector<16xf32>
        %add3A_369 = arith.addf %scan3A_171, %add3A_209 : vector<16xf32>
        %add3A_370 = arith.addf %add3A_369, %add3A_220 : vector<16xf32>
        %add3A_371 = arith.addf %scan3A_172, %add3A_227 : vector<16xf32>
        %add3A_372 = arith.addf %add3A_371, %add3A_238 : vector<16xf32>
        %add3A_373 = arith.addf %scan3A_173, %add3A_245 : vector<16xf32>
        %add3A_374 = arith.addf %add3A_373, %add3A_256 : vector<16xf32>
        %add3A_375 = arith.addf %scan3A_174, %add3A_263 : vector<16xf32>
        %add3A_376 = arith.addf %add3A_375, %add3A_274 : vector<16xf32>
        %add3A_377 = arith.addf %scan3A_175, %add3A_281 : vector<16xf32>
        %add3A_378 = arith.addf %add3A_377, %add3A_292 : vector<16xf32>
        %add3A_379 = arith.addf %scan3A_176, %add3A_299 : vector<16xf32>
        %add3A_380 = arith.addf %add3A_379, %add3A_310 : vector<16xf32>
        %add3A_381 = arith.addf %scan3A_177, %add3A_317 : vector<16xf32>
        %add3A_382 = arith.addf %add3A_381, %add3A_328 : vector<16xf32>
        %mul3A_383 = arith.mulf %add3A_191, %add3A_191 : vector<16xf32>
        %add3A_384 = arith.addf %scan3A_178, %mul3A_383 : vector<16xf32>
        %mul3A_385 = arith.mulf %add3A_202, %add3A_202 : vector<16xf32>
        %add3A_386 = arith.addf %add3A_384, %mul3A_385 : vector<16xf32>
        %mul3A_387 = arith.mulf %add3A_209, %add3A_209 : vector<16xf32>
        %add3A_388 = arith.addf %scan3A_179, %mul3A_387 : vector<16xf32>
        %mul3A_389 = arith.mulf %add3A_220, %add3A_220 : vector<16xf32>
        %add3A_390 = arith.addf %add3A_388, %mul3A_389 : vector<16xf32>
        %mul3A_391 = arith.mulf %add3A_227, %add3A_227 : vector<16xf32>
        %add3A_392 = arith.addf %scan3A_180, %mul3A_391 : vector<16xf32>
        %mul3A_393 = arith.mulf %add3A_238, %add3A_238 : vector<16xf32>
        %add3A_394 = arith.addf %add3A_392, %mul3A_393 : vector<16xf32>
        %mul3A_395 = arith.mulf %add3A_245, %add3A_245 : vector<16xf32>
        %add3A_396 = arith.addf %scan3A_181, %mul3A_395 : vector<16xf32>
        %mul3A_397 = arith.mulf %add3A_256, %add3A_256 : vector<16xf32>
        %add3A_398 = arith.addf %add3A_396, %mul3A_397 : vector<16xf32>
        %mul3A_399 = arith.mulf %add3A_263, %add3A_263 : vector<16xf32>
        %add3A_400 = arith.addf %scan3A_182, %mul3A_399 : vector<16xf32>
        %mul3A_401 = arith.mulf %add3A_274, %add3A_274 : vector<16xf32>
        %add3A_402 = arith.addf %add3A_400, %mul3A_401 : vector<16xf32>
        %mul3A_403 = arith.mulf %add3A_281, %add3A_281 : vector<16xf32>
        %add3A_404 = arith.addf %scan3A_183, %mul3A_403 : vector<16xf32>
        %mul3A_405 = arith.mulf %add3A_292, %add3A_292 : vector<16xf32>
        %add3A_406 = arith.addf %add3A_404, %mul3A_405 : vector<16xf32>
        %mul3A_407 = arith.mulf %add3A_299, %add3A_299 : vector<16xf32>
        %add3A_408 = arith.addf %scan3A_184, %mul3A_407 : vector<16xf32>
        %mul3A_409 = arith.mulf %add3A_310, %add3A_310 : vector<16xf32>
        %add3A_410 = arith.addf %add3A_408, %mul3A_409 : vector<16xf32>
        %mul3A_411 = arith.mulf %add3A_317, %add3A_317 : vector<16xf32>
        %add3A_412 = arith.addf %scan3A_185, %mul3A_411 : vector<16xf32>
        %mul3A_413 = arith.mulf %add3A_328, %add3A_328 : vector<16xf32>
        %add3A_414 = arith.addf %add3A_412, %mul3A_413 : vector<16xf32>
        scf.yield %add3A_368, %add3A_370, %add3A_372, %add3A_374, %add3A_376, %add3A_378, %add3A_380, %add3A_382, %add3A_386, %add3A_390, %add3A_394, %add3A_398, %add3A_402, %add3A_406, %add3A_410, %add3A_414 : vector<16xf32>, vector<16xf32>, vector<16xf32>, vector<16xf32>, vector<16xf32>, vector<16xf32>, vector<16xf32>, vector<16xf32>, vector<16xf32>, vector<16xf32>, vector<16xf32>, vector<16xf32>, vector<16xf32>, vector<16xf32>, vector<16xf32>, vector<16xf32>
      }
      %scan3A_112 = arith.constant 64 : i32
      %add3A_113 = arith.constant 2 : i32
      %add3A_114 = arith.addi %add3A_94, %add3A_113 : i32
      %lt3A = arith.constant 64 : i32
      %lt3A_115 = arith.cmpi slt, %add3A_114, %lt3A : i32
      %convert_element_type3A_116 = arith.extui %lt3A_115 : i1 to i32
      %cond3A_117 = arith.constant 0 : i32
      %cond3A_118 = arith.cmpi ne, %convert_element_type3A_116, %cond3A_117 : i32
      scf.if %cond3A_118 {
        %add3A_169 = arith.constant 2 : i32
        %add3A_170 = arith.addi %add3A_94, %add3A_169 : i32
        %mul3A_171 = arith.constant 128 : i32
        %mul3A_172 = arith.muli %add3A_170, %mul3A_171 : i32
        %dma_start3A_173 = tpu.memref_slice %arg8[%mul3A_172] : memref<8192xi32, #tpu.memory_space<vmem>> -> memref<128xi32, #tpu.memory_space<vmem>>
        %dma_start3A_174 = arith.constant 0 : i32
        %dma_start3A_175 = arith.constant 0 : i32
        %dma_start3A_176 = tpu.memref_slice %arg2[%dma_start3A_174, %dma_start3A_175] : memref<16384x128xf32, #tpu.memory_space<hbm>> -> memref<16384x128xf32, #tpu.memory_space<hbm>>
        tpu.enqueue_indirect_dma source(%dma_start3A_176 : memref<16384x128xf32, #tpu.memory_space<hbm>>) target(%arg10 : memref<128x128xf32, #tpu.memory_space<vmem>>) offsets(%dma_start3A_173 : memref<128xi32, #tpu.memory_space<vmem>>) semaphore(%arg17 : memref<!tpu.dma_semaphore, #tpu.memory_space<semaphore_mem>>)
        %dma_start3A_177 = tpu.memref_slice %arg9[%mul3A_172] : memref<8192xi32, #tpu.memory_space<vmem>> -> memref<128xi32, #tpu.memory_space<vmem>>
        %dma_start3A_178 = arith.constant 0 : i32
        %dma_start3A_179 = arith.constant 0 : i32
        %dma_start3A_180 = tpu.memref_slice %arg3[%dma_start3A_178, %dma_start3A_179] : memref<32768x128xf32, #tpu.memory_space<hbm>> -> memref<32768x128xf32, #tpu.memory_space<hbm>>
        tpu.enqueue_indirect_dma source(%dma_start3A_180 : memref<32768x128xf32, #tpu.memory_space<hbm>>) target(%arg11 : memref<128x128xf32, #tpu.memory_space<vmem>>) offsets(%dma_start3A_177 : memref<128xi32, #tpu.memory_space<vmem>>) semaphore(%arg18 : memref<!tpu.dma_semaphore, #tpu.memory_space<semaphore_mem>>)
      } else {
      }
      %mul3A_119 = arith.constant 4096 : i32
      %mul3A_120 = arith.muli %add3A, %mul3A_119 : i32
      %mul3A_121 = arith.constant 64 : i32
      %mul3A_122 = arith.muli %add3A_94, %mul3A_121 : i32
      %add3A_123 = arith.addi %mul3A_120, %mul3A_122 : i32
      %dma_start3A_124 = arith.constant 0 : i32
      %dma_start3A_125 = tpu.memref_slice %arg6[%add3A_123, %dma_start3A_124] : memref<131072x128xi32, #tpu.memory_space<hbm>> -> memref<64x128xi32, #tpu.memory_space<hbm>>
      %dma_start3A_126 = arith.constant 0 : i32
      %dma_start3A_127 = tpu.memref_slice %arg6[%add3A_123, %dma_start3A_126] : memref<131072x128xi32, #tpu.memory_space<hbm>> -> memref<64x128xi32, #tpu.memory_space<hbm>>
      tpu.enqueue_dma source(%arg14 : memref<64x128xi32, #tpu.memory_space<vmem>>) target(%dma_start3A_127 : memref<64x128xi32, #tpu.memory_space<hbm>>) target_semaphore(%arg21 : memref<!tpu.dma_semaphore, #tpu.memory_space<semaphore_mem>>)
      %mul3A_128 = arith.constant 2 : i32
      %mul3A_129 = arith.muli %mul3A_128, %scan3A_74 : i32
      %add3A_130 = arith.constant 1 : i32
      %add3A_131 = arith.addi %mul3A_129, %add3A_130 : i32
      %mul3A_132 = arith.constant 128 : i32
      %mul3A_133 = arith.muli %add3A_131, %mul3A_132 : i32
      %dma_wait3A_134 = tpu.memref_slice %arg8[%mul3A_133] : memref<8192xi32, #tpu.memory_space<vmem>> -> memref<128xi32, #tpu.memory_space<vmem>>
      %dma_wait3A_135 = arith.constant 0 : i32
      %dma_wait3A_136 = arith.constant 0 : i32
      %dma_wait3A_137 = tpu.memref_slice %arg2[%dma_wait3A_135, %dma_wait3A_136] : memref<16384x128xf32, #tpu.memory_space<hbm>> -> memref<16384x128xf32, #tpu.memory_space<hbm>>
      tpu.wait_indirect_dma semaphore(%arg19 : memref<!tpu.dma_semaphore, #tpu.memory_space<semaphore_mem>>) src(%dma_wait3A_137 : memref<16384x128xf32, #tpu.memory_space<hbm>>) dst(%arg12 : memref<128x128xf32, #tpu.memory_space<vmem>>)
      %dma_wait3A_138 = tpu.memref_slice %arg9[%mul3A_133] : memref<8192xi32, #tpu.memory_space<vmem>> -> memref<128xi32, #tpu.memory_space<vmem>>
      %dma_wait3A_139 = arith.constant 0 : i32
      %dma_wait3A_140 = arith.constant 0 : i32
      %dma_wait3A_141 = tpu.memref_slice %arg3[%dma_wait3A_139, %dma_wait3A_140] : memref<32768x128xf32, #tpu.memory_space<hbm>> -> memref<32768x128xf32, #tpu.memory_space<hbm>>
      tpu.wait_indirect_dma semaphore(%arg20 : memref<!tpu.dma_semaphore, #tpu.memory_space<semaphore_mem>>) src(%dma_wait3A_141 : memref<32768x128xf32, #tpu.memory_space<hbm>>) dst(%arg13 : memref<128x128xf32, #tpu.memory_space<vmem>>)
      %ge3A_142 = arith.constant 2 : i32
      %ge3A_143 = arith.cmpi sge, %add3A_131, %ge3A_142 : i32
      %convert_element_type3A_144 = arith.extui %ge3A_143 : i1 to i32
      %cond3A_145 = arith.constant 0 : i32
      %cond3A_146 = arith.cmpi ne, %convert_element_type3A_144, %cond3A_145 : i32
      scf.if %cond3A_146 {
        %sub3A = arith.constant 2 : i32
        %sub3A_169 = arith.subi %add3A_131, %sub3A : i32
        %mul3A_170 = arith.constant 4096 : i32
        %mul3A_171 = arith.muli %add3A, %mul3A_170 : i32
        %mul3A_172 = arith.constant 64 : i32
        %mul3A_173 = arith.muli %sub3A_169, %mul3A_172 : i32
        %add3A_174 = arith.addi %mul3A_171, %mul3A_173 : i32
        %dma_wait3A_175 = arith.constant 0 : i32
        %dma_wait3A_176 = tpu.memref_slice %arg6[%add3A_174, %dma_wait3A_175] : memref<131072x128xi32, #tpu.memory_space<hbm>> -> memref<64x128xi32, #tpu.memory_space<hbm>>
        %dma_wait3A_177 = arith.constant 0 : i32
        %dma_wait3A_178 = tpu.memref_slice %arg6[%add3A_174, %dma_wait3A_177] : memref<131072x128xi32, #tpu.memory_space<hbm>> -> memref<64x128xi32, #tpu.memory_space<hbm>>
        tpu.wait_dma2 semaphore(%arg22 : memref<!tpu.dma_semaphore, #tpu.memory_space<semaphore_mem>>) src(%arg15 : memref<64x128xi32, #tpu.memory_space<vmem>>) dst(%dma_wait3A_178 : memref<64x128xi32, #tpu.memory_space<hbm>>)
      } else {
      }
      %scan3A_147 = arith.constant 0 : i32
      %scan3A_148 = arith.constant 64 : i32
      %scan3A_149 = arith.addi %scan3A_147, %scan3A_148 : i32
      %scan3A_150 = arith.constant 1 : i32
      %scan3A_151:16 = scf.for %scan3A_169 = %scan3A_147 to %scan3A_149 step %scan3A_150 iter_args(%scan3A_170 = %scan3A_111#0, %scan3A_171 = %scan3A_111#1, %scan3A_172 = %scan3A_111#2, %scan3A_173 = %scan3A_111#3, %scan3A_174 = %scan3A_111#4, %scan3A_175 = %scan3A_111#5, %scan3A_176 = %scan3A_111#6, %scan3A_177 = %scan3A_111#7, %scan3A_178 = %scan3A_111#8, %scan3A_179 = %scan3A_111#9, %scan3A_180 = %scan3A_111#10, %scan3A_181 = %scan3A_111#11, %scan3A_182 = %scan3A_111#12, %scan3A_183 = %scan3A_111#13, %scan3A_184 = %scan3A_111#14, %scan3A_185 = %scan3A_111#15) -> (vector<16xf32>, vector<16xf32>, vector<16xf32>, vector<16xf32>, vector<16xf32>, vector<16xf32>, vector<16xf32>, vector<16xf32>, vector<16xf32>, vector<16xf32>, vector<16xf32>, vector<16xf32>, vector<16xf32>, vector<16xf32>, vector<16xf32>, vector<16xf32>)  : i32 {
        %get3A = arith.index_cast %scan3A_169 : i32 to index
        %get3A_186 = arith.constant 0 : index
        %get3A_187 = tpu.vector_load %arg12[%get3A, %get3A_186] {strides = array<i32>} : memref<128x128xf32, #tpu.memory_space<vmem>>, vector<16xf32>,
        %get3A_188 = arith.index_cast %scan3A_169 : i32 to index
        %get3A_189 = arith.constant 0 : index
        %get3A_190 = tpu.vector_load %arg13[%get3A_188, %get3A_189] {strides = array<i32>} : memref<128x128xf32, #tpu.memory_space<vmem>>, vector<16xf32>,
        %add3A_191 = arith.addf %get3A_187, %get3A_190 : vector<16xf32>
        %add3A_192 = arith.constant 64 : i32
        %add3A_193 = arith.addi %scan3A_169, %add3A_192 : i32
        %get3A_194 = arith.index_cast %add3A_193 : i32 to index
        %get3A_195 = arith.constant 0 : index
        %get3A_196 = tpu.vector_load %arg12[%get3A_194, %get3A_195] {strides = array<i32>} : memref<128x128xf32, #tpu.memory_space<vmem>>, vector<16xf32>,
        %add3A_197 = arith.constant 64 : i32
        %add3A_198 = arith.addi %scan3A_169, %add3A_197 : i32
        %get3A_199 = arith.index_cast %add3A_198 : i32 to index
        %get3A_200 = arith.constant 0 : index
        %get3A_201 = tpu.vector_load %arg13[%get3A_199, %get3A_200] {strides = array<i32>} : memref<128x128xf32, #tpu.memory_space<vmem>>, vector<16xf32>,
        %add3A_202 = arith.addf %get3A_196, %get3A_201 : vector<16xf32>
        %get3A_203 = arith.index_cast %scan3A_169 : i32 to index
        %get3A_204 = arith.constant 16 : index
        %get3A_205 = tpu.vector_load %arg12[%get3A_203, %get3A_204] {strides = array<i32>} : memref<128x128xf32, #tpu.memory_space<vmem>>, vector<16xf32>,
        %get3A_206 = arith.index_cast %scan3A_169 : i32 to index
        %get3A_207 = arith.constant 16 : index
        %get3A_208 = tpu.vector_load %arg13[%get3A_206, %get3A_207] {strides = array<i32>} : memref<128x128xf32, #tpu.memory_space<vmem>>, vector<16xf32>,
        %add3A_209 = arith.addf %get3A_205, %get3A_208 : vector<16xf32>
        %add3A_210 = arith.constant 64 : i32
        %add3A_211 = arith.addi %scan3A_169, %add3A_210 : i32
        %get3A_212 = arith.index_cast %add3A_211 : i32 to index
        %get3A_213 = arith.constant 16 : index
        %get3A_214 = tpu.vector_load %arg12[%get3A_212, %get3A_213] {strides = array<i32>} : memref<128x128xf32, #tpu.memory_space<vmem>>, vector<16xf32>,
        %add3A_215 = arith.constant 64 : i32
        %add3A_216 = arith.addi %scan3A_169, %add3A_215 : i32
        %get3A_217 = arith.index_cast %add3A_216 : i32 to index
        %get3A_218 = arith.constant 16 : index
        %get3A_219 = tpu.vector_load %arg13[%get3A_217, %get3A_218] {strides = array<i32>} : memref<128x128xf32, #tpu.memory_space<vmem>>, vector<16xf32>,
        %add3A_220 = arith.addf %get3A_214, %get3A_219 : vector<16xf32>
        %get3A_221 = arith.index_cast %scan3A_169 : i32 to index
        %get3A_222 = arith.constant 32 : index
        %get3A_223 = tpu.vector_load %arg12[%get3A_221, %get3A_222] {strides = array<i32>} : memref<128x128xf32, #tpu.memory_space<vmem>>, vector<16xf32>,
        %get3A_224 = arith.index_cast %scan3A_169 : i32 to index
        %get3A_225 = arith.constant 32 : index
        %get3A_226 = tpu.vector_load %arg13[%get3A_224, %get3A_225] {strides = array<i32>} : memref<128x128xf32, #tpu.memory_space<vmem>>, vector<16xf32>,
        %add3A_227 = arith.addf %get3A_223, %get3A_226 : vector<16xf32>
        %add3A_228 = arith.constant 64 : i32
        %add3A_229 = arith.addi %scan3A_169, %add3A_228 : i32
        %get3A_230 = arith.index_cast %add3A_229 : i32 to index
        %get3A_231 = arith.constant 32 : index
        %get3A_232 = tpu.vector_load %arg12[%get3A_230, %get3A_231] {strides = array<i32>} : memref<128x128xf32, #tpu.memory_space<vmem>>, vector<16xf32>,
        %add3A_233 = arith.constant 64 : i32
        %add3A_234 = arith.addi %scan3A_169, %add3A_233 : i32
        %get3A_235 = arith.index_cast %add3A_234 : i32 to index
        %get3A_236 = arith.constant 32 : index
        %get3A_237 = tpu.vector_load %arg13[%get3A_235, %get3A_236] {strides = array<i32>} : memref<128x128xf32, #tpu.memory_space<vmem>>, vector<16xf32>,
        %add3A_238 = arith.addf %get3A_232, %get3A_237 : vector<16xf32>
        %get3A_239 = arith.index_cast %scan3A_169 : i32 to index
        %get3A_240 = arith.constant 48 : index
        %get3A_241 = tpu.vector_load %arg12[%get3A_239, %get3A_240] {strides = array<i32>} : memref<128x128xf32, #tpu.memory_space<vmem>>, vector<16xf32>,
        %get3A_242 = arith.index_cast %scan3A_169 : i32 to index
        %get3A_243 = arith.constant 48 : index
        %get3A_244 = tpu.vector_load %arg13[%get3A_242, %get3A_243] {strides = array<i32>} : memref<128x128xf32, #tpu.memory_space<vmem>>, vector<16xf32>,
        %add3A_245 = arith.addf %get3A_241, %get3A_244 : vector<16xf32>
        %add3A_246 = arith.constant 64 : i32
        %add3A_247 = arith.addi %scan3A_169, %add3A_246 : i32
        %get3A_248 = arith.index_cast %add3A_247 : i32 to index
        %get3A_249 = arith.constant 48 : index
        %get3A_250 = tpu.vector_load %arg12[%get3A_248, %get3A_249] {strides = array<i32>} : memref<128x128xf32, #tpu.memory_space<vmem>>, vector<16xf32>,
        %add3A_251 = arith.constant 64 : i32
        %add3A_252 = arith.addi %scan3A_169, %add3A_251 : i32
        %get3A_253 = arith.index_cast %add3A_252 : i32 to index
        %get3A_254 = arith.constant 48 : index
        %get3A_255 = tpu.vector_load %arg13[%get3A_253, %get3A_254] {strides = array<i32>} : memref<128x128xf32, #tpu.memory_space<vmem>>, vector<16xf32>,
        %add3A_256 = arith.addf %get3A_250, %get3A_255 : vector<16xf32>
        %get3A_257 = arith.index_cast %scan3A_169 : i32 to index
        %get3A_258 = arith.constant 64 : index
        %get3A_259 = tpu.vector_load %arg12[%get3A_257, %get3A_258] {strides = array<i32>} : memref<128x128xf32, #tpu.memory_space<vmem>>, vector<16xf32>,
        %get3A_260 = arith.index_cast %scan3A_169 : i32 to index
        %get3A_261 = arith.constant 64 : index
        %get3A_262 = tpu.vector_load %arg13[%get3A_260, %get3A_261] {strides = array<i32>} : memref<128x128xf32, #tpu.memory_space<vmem>>, vector<16xf32>,
        %add3A_263 = arith.addf %get3A_259, %get3A_262 : vector<16xf32>
        %add3A_264 = arith.constant 64 : i32
        %add3A_265 = arith.addi %scan3A_169, %add3A_264 : i32
        %get3A_266 = arith.index_cast %add3A_265 : i32 to index
        %get3A_267 = arith.constant 64 : index
        %get3A_268 = tpu.vector_load %arg12[%get3A_266, %get3A_267] {strides = array<i32>} : memref<128x128xf32, #tpu.memory_space<vmem>>, vector<16xf32>,
        %add3A_269 = arith.constant 64 : i32
        %add3A_270 = arith.addi %scan3A_169, %add3A_269 : i32
        %get3A_271 = arith.index_cast %add3A_270 : i32 to index
        %get3A_272 = arith.constant 64 : index
        %get3A_273 = tpu.vector_load %arg13[%get3A_271, %get3A_272] {strides = array<i32>} : memref<128x128xf32, #tpu.memory_space<vmem>>, vector<16xf32>,
        %add3A_274 = arith.addf %get3A_268, %get3A_273 : vector<16xf32>
        %get3A_275 = arith.index_cast %scan3A_169 : i32 to index
        %get3A_276 = arith.constant 80 : index
        %get3A_277 = tpu.vector_load %arg12[%get3A_275, %get3A_276] {strides = array<i32>} : memref<128x128xf32, #tpu.memory_space<vmem>>, vector<16xf32>,
        %get3A_278 = arith.index_cast %scan3A_169 : i32 to index
        %get3A_279 = arith.constant 80 : index
        %get3A_280 = tpu.vector_load %arg13[%get3A_278, %get3A_279] {strides = array<i32>} : memref<128x128xf32, #tpu.memory_space<vmem>>, vector<16xf32>,
        %add3A_281 = arith.addf %get3A_277, %get3A_280 : vector<16xf32>
        %add3A_282 = arith.constant 64 : i32
        %add3A_283 = arith.addi %scan3A_169, %add3A_282 : i32
        %get3A_284 = arith.index_cast %add3A_283 : i32 to index
        %get3A_285 = arith.constant 80 : index
        %get3A_286 = tpu.vector_load %arg12[%get3A_284, %get3A_285] {strides = array<i32>} : memref<128x128xf32, #tpu.memory_space<vmem>>, vector<16xf32>,
        %add3A_287 = arith.constant 64 : i32
        %add3A_288 = arith.addi %scan3A_169, %add3A_287 : i32
        %get3A_289 = arith.index_cast %add3A_288 : i32 to index
        %get3A_290 = arith.constant 80 : index
        %get3A_291 = tpu.vector_load %arg13[%get3A_289, %get3A_290] {strides = array<i32>} : memref<128x128xf32, #tpu.memory_space<vmem>>, vector<16xf32>,
        %add3A_292 = arith.addf %get3A_286, %get3A_291 : vector<16xf32>
        %get3A_293 = arith.index_cast %scan3A_169 : i32 to index
        %get3A_294 = arith.constant 96 : index
        %get3A_295 = tpu.vector_load %arg12[%get3A_293, %get3A_294] {strides = array<i32>} : memref<128x128xf32, #tpu.memory_space<vmem>>, vector<16xf32>,
        %get3A_296 = arith.index_cast %scan3A_169 : i32 to index
        %get3A_297 = arith.constant 96 : index
        %get3A_298 = tpu.vector_load %arg13[%get3A_296, %get3A_297] {strides = array<i32>} : memref<128x128xf32, #tpu.memory_space<vmem>>, vector<16xf32>,
        %add3A_299 = arith.addf %get3A_295, %get3A_298 : vector<16xf32>
        %add3A_300 = arith.constant 64 : i32
        %add3A_301 = arith.addi %scan3A_169, %add3A_300 : i32
        %get3A_302 = arith.index_cast %add3A_301 : i32 to index
        %get3A_303 = arith.constant 96 : index
        %get3A_304 = tpu.vector_load %arg12[%get3A_302, %get3A_303] {strides = array<i32>} : memref<128x128xf32, #tpu.memory_space<vmem>>, vector<16xf32>,
        %add3A_305 = arith.constant 64 : i32
        %add3A_306 = arith.addi %scan3A_169, %add3A_305 : i32
        %get3A_307 = arith.index_cast %add3A_306 : i32 to index
        %get3A_308 = arith.constant 96 : index
        %get3A_309 = tpu.vector_load %arg13[%get3A_307, %get3A_308] {strides = array<i32>} : memref<128x128xf32, #tpu.memory_space<vmem>>, vector<16xf32>,
        %add3A_310 = arith.addf %get3A_304, %get3A_309 : vector<16xf32>
        %get3A_311 = arith.index_cast %scan3A_169 : i32 to index
        %get3A_312 = arith.constant 112 : index
        %get3A_313 = tpu.vector_load %arg12[%get3A_311, %get3A_312] {strides = array<i32>} : memref<128x128xf32, #tpu.memory_space<vmem>>, vector<16xf32>,
        %get3A_314 = arith.index_cast %scan3A_169 : i32 to index
        %get3A_315 = arith.constant 112 : index
        %get3A_316 = tpu.vector_load %arg13[%get3A_314, %get3A_315] {strides = array<i32>} : memref<128x128xf32, #tpu.memory_space<vmem>>, vector<16xf32>,
        %add3A_317 = arith.addf %get3A_313, %get3A_316 : vector<16xf32>
        %add3A_318 = arith.constant 64 : i32
        %add3A_319 = arith.addi %scan3A_169, %add3A_318 : i32
        %get3A_320 = arith.index_cast %add3A_319 : i32 to index
        %get3A_321 = arith.constant 112 : index
        %get3A_322 = tpu.vector_load %arg12[%get3A_320, %get3A_321] {strides = array<i32>} : memref<128x128xf32, #tpu.memory_space<vmem>>, vector<16xf32>,
        %add3A_323 = arith.constant 64 : i32
        %add3A_324 = arith.addi %scan3A_169, %add3A_323 : i32
        %get3A_325 = arith.index_cast %add3A_324 : i32 to index
        %get3A_326 = arith.constant 112 : index
        %get3A_327 = tpu.vector_load %arg13[%get3A_325, %get3A_326] {strides = array<i32>} : memref<128x128xf32, #tpu.memory_space<vmem>>, vector<16xf32>,
        %add3A_328 = arith.addf %get3A_322, %get3A_327 : vector<16xf32>
        %pack3A = tpu.pack_subelements %add3A_191, %add3A_202 {pack_format = #tpu.pack_format<interleaved>, positions = array<i32: 0, 1>} : vector<16xf32>, vector<16xf32> -> vector<32xbf16>
        %bitcast3A = vector.bitcast %pack3A : vector<32xbf16> to vector<16xi32>
        %swap3A_329 = arith.index_cast %scan3A_169 : i32 to index
        %swap3A_330 = arith.constant 0 : index
        %swap3A_331 = tpu.vector_load %arg15[%swap3A_329, %swap3A_330] {strides = array<i32>} : memref<64x128xi32, #tpu.memory_space<vmem>>, vector<16xi32>,
        tpu.vector_store %arg15[%swap3A_329, %swap3A_330], %bitcast3A {strides = array<i32>} : memref<64x128xi32, #tpu.memory_space<vmem>>, vector<16xi32>,
        %pack3A_332 = tpu.pack_subelements %add3A_209, %add3A_220 {pack_format = #tpu.pack_format<interleaved>, positions = array<i32: 0, 1>} : vector<16xf32>, vector<16xf32> -> vector<32xbf16>
        %bitcast3A_333 = vector.bitcast %pack3A_332 : vector<32xbf16> to vector<16xi32>
        %swap3A_334 = arith.index_cast %scan3A_169 : i32 to index
        %swap3A_335 = arith.constant 16 : index
        %swap3A_336 = tpu.vector_load %arg15[%swap3A_334, %swap3A_335] {strides = array<i32>} : memref<64x128xi32, #tpu.memory_space<vmem>>, vector<16xi32>,
        tpu.vector_store %arg15[%swap3A_334, %swap3A_335], %bitcast3A_333 {strides = array<i32>} : memref<64x128xi32, #tpu.memory_space<vmem>>, vector<16xi32>,
        %pack3A_337 = tpu.pack_subelements %add3A_227, %add3A_238 {pack_format = #tpu.pack_format<interleaved>, positions = array<i32: 0, 1>} : vector<16xf32>, vector<16xf32> -> vector<32xbf16>
        %bitcast3A_338 = vector.bitcast %pack3A_337 : vector<32xbf16> to vector<16xi32>
        %swap3A_339 = arith.index_cast %scan3A_169 : i32 to index
        %swap3A_340 = arith.constant 32 : index
        %swap3A_341 = tpu.vector_load %arg15[%swap3A_339, %swap3A_340] {strides = array<i32>} : memref<64x128xi32, #tpu.memory_space<vmem>>, vector<16xi32>,
        tpu.vector_store %arg15[%swap3A_339, %swap3A_340], %bitcast3A_338 {strides = array<i32>} : memref<64x128xi32, #tpu.memory_space<vmem>>, vector<16xi32>,
        %pack3A_342 = tpu.pack_subelements %add3A_245, %add3A_256 {pack_format = #tpu.pack_format<interleaved>, positions = array<i32: 0, 1>} : vector<16xf32>, vector<16xf32> -> vector<32xbf16>
        %bitcast3A_343 = vector.bitcast %pack3A_342 : vector<32xbf16> to vector<16xi32>
        %swap3A_344 = arith.index_cast %scan3A_169 : i32 to index
        %swap3A_345 = arith.constant 48 : index
        %swap3A_346 = tpu.vector_load %arg15[%swap3A_344, %swap3A_345] {strides = array<i32>} : memref<64x128xi32, #tpu.memory_space<vmem>>, vector<16xi32>,
        tpu.vector_store %arg15[%swap3A_344, %swap3A_345], %bitcast3A_343 {strides = array<i32>} : memref<64x128xi32, #tpu.memory_space<vmem>>, vector<16xi32>,
        %pack3A_347 = tpu.pack_subelements %add3A_263, %add3A_274 {pack_format = #tpu.pack_format<interleaved>, positions = array<i32: 0, 1>} : vector<16xf32>, vector<16xf32> -> vector<32xbf16>
        %bitcast3A_348 = vector.bitcast %pack3A_347 : vector<32xbf16> to vector<16xi32>
        %swap3A_349 = arith.index_cast %scan3A_169 : i32 to index
        %swap3A_350 = arith.constant 64 : index
        %swap3A_351 = tpu.vector_load %arg15[%swap3A_349, %swap3A_350] {strides = array<i32>} : memref<64x128xi32, #tpu.memory_space<vmem>>, vector<16xi32>,
        tpu.vector_store %arg15[%swap3A_349, %swap3A_350], %bitcast3A_348 {strides = array<i32>} : memref<64x128xi32, #tpu.memory_space<vmem>>, vector<16xi32>,
        %pack3A_352 = tpu.pack_subelements %add3A_281, %add3A_292 {pack_format = #tpu.pack_format<interleaved>, positions = array<i32: 0, 1>} : vector<16xf32>, vector<16xf32> -> vector<32xbf16>
        %bitcast3A_353 = vector.bitcast %pack3A_352 : vector<32xbf16> to vector<16xi32>
        %swap3A_354 = arith.index_cast %scan3A_169 : i32 to index
        %swap3A_355 = arith.constant 80 : index
        %swap3A_356 = tpu.vector_load %arg15[%swap3A_354, %swap3A_355] {strides = array<i32>} : memref<64x128xi32, #tpu.memory_space<vmem>>, vector<16xi32>,
        tpu.vector_store %arg15[%swap3A_354, %swap3A_355], %bitcast3A_353 {strides = array<i32>} : memref<64x128xi32, #tpu.memory_space<vmem>>, vector<16xi32>,
        %pack3A_357 = tpu.pack_subelements %add3A_299, %add3A_310 {pack_format = #tpu.pack_format<interleaved>, positions = array<i32: 0, 1>} : vector<16xf32>, vector<16xf32> -> vector<32xbf16>
        %bitcast3A_358 = vector.bitcast %pack3A_357 : vector<32xbf16> to vector<16xi32>
        %swap3A_359 = arith.index_cast %scan3A_169 : i32 to index
        %swap3A_360 = arith.constant 96 : index
        %swap3A_361 = tpu.vector_load %arg15[%swap3A_359, %swap3A_360] {strides = array<i32>} : memref<64x128xi32, #tpu.memory_space<vmem>>, vector<16xi32>,
        tpu.vector_store %arg15[%swap3A_359, %swap3A_360], %bitcast3A_358 {strides = array<i32>} : memref<64x128xi32, #tpu.memory_space<vmem>>, vector<16xi32>,
        %pack3A_362 = tpu.pack_subelements %add3A_317, %add3A_328 {pack_format = #tpu.pack_format<interleaved>, positions = array<i32: 0, 1>} : vector<16xf32>, vector<16xf32> -> vector<32xbf16>
        %bitcast3A_363 = vector.bitcast %pack3A_362 : vector<32xbf16> to vector<16xi32>
        %swap3A_364 = arith.index_cast %scan3A_169 : i32 to index
        %swap3A_365 = arith.constant 112 : index
        %swap3A_366 = tpu.vector_load %arg15[%swap3A_364, %swap3A_365] {strides = array<i32>} : memref<64x128xi32, #tpu.memory_space<vmem>>, vector<16xi32>,
        tpu.vector_store %arg15[%swap3A_364, %swap3A_365], %bitcast3A_363 {strides = array<i32>} : memref<64x128xi32, #tpu.memory_space<vmem>>, vector<16xi32>,
        %add3A_367 = arith.addf %scan3A_170, %add3A_191 : vector<16xf32>
        %add3A_368 = arith.addf %add3A_367, %add3A_202 : vector<16xf32>
        %add3A_369 = arith.addf %scan3A_171, %add3A_209 : vector<16xf32>
        %add3A_370 = arith.addf %add3A_369, %add3A_220 : vector<16xf32>
        %add3A_371 = arith.addf %scan3A_172, %add3A_227 : vector<16xf32>
        %add3A_372 = arith.addf %add3A_371, %add3A_238 : vector<16xf32>
        %add3A_373 = arith.addf %scan3A_173, %add3A_245 : vector<16xf32>
        %add3A_374 = arith.addf %add3A_373, %add3A_256 : vector<16xf32>
        %add3A_375 = arith.addf %scan3A_174, %add3A_263 : vector<16xf32>
        %add3A_376 = arith.addf %add3A_375, %add3A_274 : vector<16xf32>
        %add3A_377 = arith.addf %scan3A_175, %add3A_281 : vector<16xf32>
        %add3A_378 = arith.addf %add3A_377, %add3A_292 : vector<16xf32>
        %add3A_379 = arith.addf %scan3A_176, %add3A_299 : vector<16xf32>
        %add3A_380 = arith.addf %add3A_379, %add3A_310 : vector<16xf32>
        %add3A_381 = arith.addf %scan3A_177, %add3A_317 : vector<16xf32>
        %add3A_382 = arith.addf %add3A_381, %add3A_328 : vector<16xf32>
        %mul3A_383 = arith.mulf %add3A_191, %add3A_191 : vector<16xf32>
        %add3A_384 = arith.addf %scan3A_178, %mul3A_383 : vector<16xf32>
        %mul3A_385 = arith.mulf %add3A_202, %add3A_202 : vector<16xf32>
        %add3A_386 = arith.addf %add3A_384, %mul3A_385 : vector<16xf32>
        %mul3A_387 = arith.mulf %add3A_209, %add3A_209 : vector<16xf32>
        %add3A_388 = arith.addf %scan3A_179, %mul3A_387 : vector<16xf32>
        %mul3A_389 = arith.mulf %add3A_220, %add3A_220 : vector<16xf32>
        %add3A_390 = arith.addf %add3A_388, %mul3A_389 : vector<16xf32>
        %mul3A_391 = arith.mulf %add3A_227, %add3A_227 : vector<16xf32>
        %add3A_392 = arith.addf %scan3A_180, %mul3A_391 : vector<16xf32>
        %mul3A_393 = arith.mulf %add3A_238, %add3A_238 : vector<16xf32>
        %add3A_394 = arith.addf %add3A_392, %mul3A_393 : vector<16xf32>
        %mul3A_395 = arith.mulf %add3A_245, %add3A_245 : vector<16xf32>
        %add3A_396 = arith.addf %scan3A_181, %mul3A_395 : vector<16xf32>
        %mul3A_397 = arith.mulf %add3A_256, %add3A_256 : vector<16xf32>
        %add3A_398 = arith.addf %add3A_396, %mul3A_397 : vector<16xf32>
        %mul3A_399 = arith.mulf %add3A_263, %add3A_263 : vector<16xf32>
        %add3A_400 = arith.addf %scan3A_182, %mul3A_399 : vector<16xf32>
        %mul3A_401 = arith.mulf %add3A_274, %add3A_274 : vector<16xf32>
        %add3A_402 = arith.addf %add3A_400, %mul3A_401 : vector<16xf32>
        %mul3A_403 = arith.mulf %add3A_281, %add3A_281 : vector<16xf32>
        %add3A_404 = arith.addf %scan3A_183, %mul3A_403 : vector<16xf32>
        %mul3A_405 = arith.mulf %add3A_292, %add3A_292 : vector<16xf32>
        %add3A_406 = arith.addf %add3A_404, %mul3A_405 : vector<16xf32>
        %mul3A_407 = arith.mulf %add3A_299, %add3A_299 : vector<16xf32>
        %add3A_408 = arith.addf %scan3A_184, %mul3A_407 : vector<16xf32>
        %mul3A_409 = arith.mulf %add3A_310, %add3A_310 : vector<16xf32>
        %add3A_410 = arith.addf %add3A_408, %mul3A_409 : vector<16xf32>
        %mul3A_411 = arith.mulf %add3A_317, %add3A_317 : vector<16xf32>
        %add3A_412 = arith.addf %scan3A_185, %mul3A_411 : vector<16xf32>
        %mul3A_413 = arith.mulf %add3A_328, %add3A_328 : vector<16xf32>
        %add3A_414 = arith.addf %add3A_412, %mul3A_413 : vector<16xf32>
        scf.yield %add3A_368, %add3A_370, %add3A_372, %add3A_374, %add3A_376, %add3A_378, %add3A_380, %add3A_382, %add3A_386, %add3A_390, %add3A_394, %add3A_398, %add3A_402, %add3A_406, %add3A_410, %add3A_414 : vector<16xf32>, vector<16xf32>, vector<16xf32>, vector<16xf32>, vector<16xf32>, vector<16xf32>, vector<16xf32>, vector<16xf32>, vector<16xf32>, vector<16xf32>, vector<16xf32>, vector<16xf32>, vector<16xf32>, vector<16xf32>, vector<16xf32>, vector<16xf32>
      }
      %scan3A_152 = arith.constant 64 : i32
      %add3A_153 = arith.constant 2 : i32
      %add3A_154 = arith.addi %add3A_131, %add3A_153 : i32
      %lt3A_155 = arith.constant 64 : i32
      %lt3A_156 = arith.cmpi slt, %add3A_154, %lt3A_155 : i32
      %convert_element_type3A_157 = arith.extui %lt3A_156 : i1 to i32
      %cond3A_158 = arith.constant 0 : i32
      %cond3A_159 = arith.cmpi ne, %convert_element_type3A_157, %cond3A_158 : i32
      scf.if %cond3A_159 {
        %add3A_169 = arith.constant 2 : i32
        %add3A_170 = arith.addi %add3A_131, %add3A_169 : i32
        %mul3A_171 = arith.constant 128 : i32
        %mul3A_172 = arith.muli %add3A_170, %mul3A_171 : i32
        %dma_start3A_173 = tpu.memref_slice %arg8[%mul3A_172] : memref<8192xi32, #tpu.memory_space<vmem>> -> memref<128xi32, #tpu.memory_space<vmem>>
        %dma_start3A_174 = arith.constant 0 : i32
        %dma_start3A_175 = arith.constant 0 : i32
        %dma_start3A_176 = tpu.memref_slice %arg2[%dma_start3A_174, %dma_start3A_175] : memref<16384x128xf32, #tpu.memory_space<hbm>> -> memref<16384x128xf32, #tpu.memory_space<hbm>>
        tpu.enqueue_indirect_dma source(%dma_start3A_176 : memref<16384x128xf32, #tpu.memory_space<hbm>>) target(%arg12 : memref<128x128xf32, #tpu.memory_space<vmem>>) offsets(%dma_start3A_173 : memref<128xi32, #tpu.memory_space<vmem>>) semaphore(%arg19 : memref<!tpu.dma_semaphore, #tpu.memory_space<semaphore_mem>>)
        %dma_start3A_177 = tpu.memref_slice %arg9[%mul3A_172] : memref<8192xi32, #tpu.memory_space<vmem>> -> memref<128xi32, #tpu.memory_space<vmem>>
        %dma_start3A_178 = arith.constant 0 : i32
        %dma_start3A_179 = arith.constant 0 : i32
        %dma_start3A_180 = tpu.memref_slice %arg3[%dma_start3A_178, %dma_start3A_179] : memref<32768x128xf32, #tpu.memory_space<hbm>> -> memref<32768x128xf32, #tpu.memory_space<hbm>>
        tpu.enqueue_indirect_dma source(%dma_start3A_180 : memref<32768x128xf32, #tpu.memory_space<hbm>>) target(%arg13 : memref<128x128xf32, #tpu.memory_space<vmem>>) offsets(%dma_start3A_177 : memref<128xi32, #tpu.memory_space<vmem>>) semaphore(%arg20 : memref<!tpu.dma_semaphore, #tpu.memory_space<semaphore_mem>>)
      } else {
      }
      %mul3A_160 = arith.constant 4096 : i32
      %mul3A_161 = arith.muli %add3A, %mul3A_160 : i32
      %mul3A_162 = arith.constant 64 : i32
      %mul3A_163 = arith.muli %add3A_131, %mul3A_162 : i32
      %add3A_164 = arith.addi %mul3A_161, %mul3A_163 : i32
      %dma_start3A_165 = arith.constant 0 : i32
      %dma_start3A_166 = tpu.memref_slice %arg6[%add3A_164, %dma_start3A_165] : memref<131072x128xi32, #tpu.memory_space<hbm>> -> memref<64x128xi32, #tpu.memory_space<hbm>>
      %dma_start3A_167 = arith.constant 0 : i32
      %dma_start3A_168 = tpu.memref_slice %arg6[%add3A_164, %dma_start3A_167] : memref<131072x128xi32, #tpu.memory_space<hbm>> -> memref<64x128xi32, #tpu.memory_space<hbm>>
      tpu.enqueue_dma source(%arg15 : memref<64x128xi32, #tpu.memory_space<vmem>>) target(%dma_start3A_168 : memref<64x128xi32, #tpu.memory_space<hbm>>) target_semaphore(%arg22 : memref<!tpu.dma_semaphore, #tpu.memory_space<semaphore_mem>>)
      scf.yield %scan3A_151#0, %scan3A_151#1, %scan3A_151#2, %scan3A_151#3, %scan3A_151#4, %scan3A_151#5, %scan3A_151#6, %scan3A_151#7, %scan3A_151#8, %scan3A_151#9, %scan3A_151#10, %scan3A_151#11, %scan3A_151#12, %scan3A_151#13, %scan3A_151#14, %scan3A_151#15 : vector<16xf32>, vector<16xf32>, vector<16xf32>, vector<16xf32>, vector<16xf32>, vector<16xf32>, vector<16xf32>, vector<16xf32>, vector<16xf32>, vector<16xf32>, vector<16xf32>, vector<16xf32>, vector<16xf32>, vector<16xf32>, vector<16xf32>, vector<16xf32>
    }
    %scan3A_27 = arith.constant 32 : i32
    %mul3A_28 = arith.constant 4096 : i32
    %mul3A_29 = arith.muli %add3A, %mul3A_28 : i32
    %add3A_30 = arith.constant 3968 : i32
    %add3A_31 = arith.addi %mul3A_29, %add3A_30 : i32
    %dma_wait3A = arith.constant 0 : i32
    %dma_wait3A_32 = tpu.memref_slice %arg6[%add3A_31, %dma_wait3A] : memref<131072x128xi32, #tpu.memory_space<hbm>> -> memref<64x128xi32, #tpu.memory_space<hbm>>
    %dma_wait3A_33 = arith.constant 0 : i32
    %dma_wait3A_34 = tpu.memref_slice %arg6[%add3A_31, %dma_wait3A_33] : memref<131072x128xi32, #tpu.memory_space<hbm>> -> memref<64x128xi32, #tpu.memory_space<hbm>>
    tpu.wait_dma2 semaphore(%arg21 : memref<!tpu.dma_semaphore, #tpu.memory_space<semaphore_mem>>) src(%arg14 : memref<64x128xi32, #tpu.memory_space<vmem>>) dst(%dma_wait3A_34 : memref<64x128xi32, #tpu.memory_space<hbm>>)
    %mul3A_35 = arith.constant 4096 : i32
    %mul3A_36 = arith.muli %add3A, %mul3A_35 : i32
    %add3A_37 = arith.constant 4032 : i32
    %add3A_38 = arith.addi %mul3A_36, %add3A_37 : i32
    %dma_wait3A_39 = arith.constant 0 : i32
    %dma_wait3A_40 = tpu.memref_slice %arg6[%add3A_38, %dma_wait3A_39] : memref<131072x128xi32, #tpu.memory_space<hbm>> -> memref<64x128xi32, #tpu.memory_space<hbm>>
    %dma_wait3A_41 = arith.constant 0 : i32
    %dma_wait3A_42 = tpu.memref_slice %arg6[%add3A_38, %dma_wait3A_41] : memref<131072x128xi32, #tpu.memory_space<hbm>> -> memref<64x128xi32, #tpu.memory_space<hbm>>
    tpu.wait_dma2 semaphore(%arg22 : memref<!tpu.dma_semaphore, #tpu.memory_space<semaphore_mem>>) src(%arg15 : memref<64x128xi32, #tpu.memory_space<vmem>>) dst(%dma_wait3A_42 : memref<64x128xi32, #tpu.memory_space<hbm>>)
    %swap3A = arith.constant 0 : index
    %swap3A_43 = tpu.vector_load %arg16[%swap3A] {strides = array<i32>} : memref<256xf32, #tpu.memory_space<vmem>>, vector<16xf32>,
    tpu.vector_store %arg16[%swap3A], %scan3A_26#0 {strides = array<i32>} : memref<256xf32, #tpu.memory_space<vmem>>, vector<16xf32>,
    %swap3A_44 = arith.constant 16 : index
    %swap3A_45 = tpu.vector_load %arg16[%swap3A_44] {strides = array<i32>} : memref<256xf32, #tpu.memory_space<vmem>>, vector<16xf32>,
    tpu.vector_store %arg16[%swap3A_44], %scan3A_26#1 {strides = array<i32>} : memref<256xf32, #tpu.memory_space<vmem>>, vector<16xf32>,
    %swap3A_46 = arith.constant 32 : index
    %swap3A_47 = tpu.vector_load %arg16[%swap3A_46] {strides = array<i32>} : memref<256xf32, #tpu.memory_space<vmem>>, vector<16xf32>,
    tpu.vector_store %arg16[%swap3A_46], %scan3A_26#2 {strides = array<i32>} : memref<256xf32, #tpu.memory_space<vmem>>, vector<16xf32>,
    %swap3A_48 = arith.constant 48 : index
    %swap3A_49 = tpu.vector_load %arg16[%swap3A_48] {strides = array<i32>} : memref<256xf32, #tpu.memory_space<vmem>>, vector<16xf32>,
    tpu.vector_store %arg16[%swap3A_48], %scan3A_26#3 {strides = array<i32>} : memref<256xf32, #tpu.memory_space<vmem>>, vector<16xf32>,
    %swap3A_50 = arith.constant 64 : index
    %swap3A_51 = tpu.vector_load %arg16[%swap3A_50] {strides = array<i32>} : memref<256xf32, #tpu.memory_space<vmem>>, vector<16xf32>,
    tpu.vector_store %arg16[%swap3A_50], %scan3A_26#4 {strides = array<i32>} : memref<256xf32, #tpu.memory_space<vmem>>, vector<16xf32>,
    %swap3A_52 = arith.constant 80 : index
    %swap3A_53 = tpu.vector_load %arg16[%swap3A_52] {strides = array<i32>} : memref<256xf32, #tpu.memory_space<vmem>>, vector<16xf32>,
    tpu.vector_store %arg16[%swap3A_52], %scan3A_26#5 {strides = array<i32>} : memref<256xf32, #tpu.memory_space<vmem>>, vector<16xf32>,
    %swap3A_54 = arith.constant 96 : index
    %swap3A_55 = tpu.vector_load %arg16[%swap3A_54] {strides = array<i32>} : memref<256xf32, #tpu.memory_space<vmem>>, vector<16xf32>,
    tpu.vector_store %arg16[%swap3A_54], %scan3A_26#6 {strides = array<i32>} : memref<256xf32, #tpu.memory_space<vmem>>, vector<16xf32>,
    %swap3A_56 = arith.constant 112 : index
    %swap3A_57 = tpu.vector_load %arg16[%swap3A_56] {strides = array<i32>} : memref<256xf32, #tpu.memory_space<vmem>>, vector<16xf32>,
    tpu.vector_store %arg16[%swap3A_56], %scan3A_26#7 {strides = array<i32>} : memref<256xf32, #tpu.memory_space<vmem>>, vector<16xf32>,
    %swap3A_58 = arith.constant 128 : index
    %swap3A_59 = tpu.vector_load %arg16[%swap3A_58] {strides = array<i32>} : memref<256xf32, #tpu.memory_space<vmem>>, vector<16xf32>,
    tpu.vector_store %arg16[%swap3A_58], %scan3A_26#8 {strides = array<i32>} : memref<256xf32, #tpu.memory_space<vmem>>, vector<16xf32>,
    %swap3A_60 = arith.constant 144 : index
    %swap3A_61 = tpu.vector_load %arg16[%swap3A_60] {strides = array<i32>} : memref<256xf32, #tpu.memory_space<vmem>>, vector<16xf32>,
    tpu.vector_store %arg16[%swap3A_60], %scan3A_26#9 {strides = array<i32>} : memref<256xf32, #tpu.memory_space<vmem>>, vector<16xf32>,
    %swap3A_62 = arith.constant 160 : index
    %swap3A_63 = tpu.vector_load %arg16[%swap3A_62] {strides = array<i32>} : memref<256xf32, #tpu.memory_space<vmem>>, vector<16xf32>,
    tpu.vector_store %arg16[%swap3A_62], %scan3A_26#10 {strides = array<i32>} : memref<256xf32, #tpu.memory_space<vmem>>, vector<16xf32>,
    %swap3A_64 = arith.constant 176 : index
    %swap3A_65 = tpu.vector_load %arg16[%swap3A_64] {strides = array<i32>} : memref<256xf32, #tpu.memory_space<vmem>>, vector<16xf32>,
    tpu.vector_store %arg16[%swap3A_64], %scan3A_26#11 {strides = array<i32>} : memref<256xf32, #tpu.memory_space<vmem>>, vector<16xf32>,
    %swap3A_66 = arith.constant 192 : index
    %swap3A_67 = tpu.vector_load %arg16[%swap3A_66] {strides = array<i32>} : memref<256xf32, #tpu.memory_space<vmem>>, vector<16xf32>,
    tpu.vector_store %arg16[%swap3A_66], %scan3A_26#12 {strides = array<i32>} : memref<256xf32, #tpu.memory_space<vmem>>, vector<16xf32>,
    %swap3A_68 = arith.constant 208 : index
    %swap3A_69 = tpu.vector_load %arg16[%swap3A_68] {strides = array<i32>} : memref<256xf32, #tpu.memory_space<vmem>>, vector<16xf32>,
    tpu.vector_store %arg16[%swap3A_68], %scan3A_26#13 {strides = array<i32>} : memref<256xf32, #tpu.memory_space<vmem>>, vector<16xf32>,
    %swap3A_70 = arith.constant 224 : index
    %swap3A_71 = tpu.vector_load %arg16[%swap3A_70] {strides = array<i32>} : memref<256xf32, #tpu.memory_space<vmem>>, vector<16xf32>,
    tpu.vector_store %arg16[%swap3A_70], %scan3A_26#14 {strides = array<i32>} : memref<256xf32, #tpu.memory_space<vmem>>, vector<16xf32>,
    %swap3A_72 = arith.constant 240 : index
    %swap3A_73 = tpu.vector_load %arg16[%swap3A_72] {strides = array<i32>} : memref<256xf32, #tpu.memory_space<vmem>>, vector<16xf32>,
    tpu.vector_store %arg16[%swap3A_72], %scan3A_26#15 {strides = array<i32>} : memref<256xf32, #tpu.memory_space<vmem>>, vector<16xf32>,
    "tpu.region"() ({
      %run_scoped3A = tpu.sem_alloc : memref<!tpu.dma_semaphore, #tpu.memory_space<semaphore_mem>>
      %dma_start3A_74 = arith.constant 0 : i32
      %dma_start3A_75 = tpu.memref_slice %arg7[%add3A, %dma_start3A_74] : memref<32x256xf32, #tpu.memory_space<hbm>> -> memref<1x256xf32, #tpu.memory_space<hbm>>
      %dma_start3A_76 = tpu.memref_squeeze %dma_start3A_75 : memref<1x256xf32, #tpu.memory_space<hbm>> -> memref<256xf32, #tpu.memory_space<hbm>>
      %dma_start3A_77 = arith.constant 0 : i32
      %dma_start3A_78 = tpu.memref_slice %arg7[%add3A, %dma_start3A_77] : memref<32x256xf32, #tpu.memory_space<hbm>> -> memref<1x256xf32, #tpu.memory_space<hbm>>
      %dma_start3A_79 = tpu.memref_squeeze %dma_start3A_78 : memref<1x256xf32, #tpu.memory_space<hbm>> -> memref<256xf32, #tpu.memory_space<hbm>>
      tpu.enqueue_dma source(%arg16 : memref<256xf32, #tpu.memory_space<vmem>>) target(%dma_start3A_79 : memref<256xf32, #tpu.memory_space<hbm>>) target_semaphore(%run_scoped3A : memref<!tpu.dma_semaphore, #tpu.memory_space<semaphore_mem>>)
      %dma_wait3A_80 = arith.constant 0 : i32
      %dma_wait3A_81 = tpu.memref_slice %arg7[%add3A, %dma_wait3A_80] : memref<32x256xf32, #tpu.memory_space<hbm>> -> memref<1x256xf32, #tpu.memory_space<hbm>>
      %dma_wait3A_82 = tpu.memref_squeeze %dma_wait3A_81 : memref<1x256xf32, #tpu.memory_space<hbm>> -> memref<256xf32, #tpu.memory_space<hbm>>
      %dma_wait3A_83 = arith.constant 0 : i32
      %dma_wait3A_84 = tpu.memref_slice %arg7[%add3A, %dma_wait3A_83] : memref<32x256xf32, #tpu.memory_space<hbm>> -> memref<1x256xf32, #tpu.memory_space<hbm>>
      %dma_wait3A_85 = tpu.memref_squeeze %dma_wait3A_84 : memref<1x256xf32, #tpu.memory_space<hbm>> -> memref<256xf32, #tpu.memory_space<hbm>>
      tpu.wait_dma2 semaphore(%run_scoped3A : memref<!tpu.dma_semaphore, #tpu.memory_space<semaphore_mem>>) src(%arg16 : memref<256xf32, #tpu.memory_space<vmem>>) dst(%dma_wait3A_85 : memref<256xf32, #tpu.memory_space<hbm>>)
      tpu.yield
    }) : () -> ()
    return
  }
}

module attributes {stable_mosaic.version = 14 : i64} {
  func.func @_proj_body(%arg0: i32, %arg1: memref<1024x128xf32, #tpu.memory_space<vmem>>, %arg2: memref<2048x16xf32, #tpu.memory_space<vmem>>, %arg3: memref<128x128xi32, #tpu.memory_space<vmem>>, %arg4: memref<128x128xi32, #tpu.memory_space<vmem>>, %arg5: memref<128x128xf32, #tpu.memory_space<vmem>>, %arg6: memref<16x128xf32, #tpu.memory_space<vmem>>, %arg7: memref<128x128xf32, #tpu.memory_space<vmem>>, %arg8: memref<8x128xf32, #tpu.memory_space<vmem>>, %arg9: memref<8x128xf32, #tpu.memory_space<vmem>>, %arg10: memref<1024x128xf32, #tpu.memory_space<vmem>>, %arg11: memref<2048x128xf32, #tpu.memory_space<vmem>>, %arg12: memref<1024x128xf32, #tpu.memory_space<vmem>>, %arg13: memref<8x128xf32, #tpu.memory_space<vmem>>, %arg14: memref<128x128xi32, #tpu.memory_space<vmem>>, %arg15: memref<128x128xi32, #tpu.memory_space<vmem>>) attributes {dimension_semantics = [#tpu.dimension_semantics<arbitrary>], iteration_bounds = array<i64: 16>, scalar_prefetch = 0 : i64, scratch_operands = 0 : i64, tpu.core_type = #tpu.core_type<tc>, window_params = [{transform_indices = @transform_0, window_bounds = array<i64: 1024, 128>}, {transform_indices = @transform_1, window_bounds = array<i64: 2048, 16>}, {transform_indices = @transform_2, window_bounds = array<i64: 128, 128>}, {transform_indices = @transform_3, window_bounds = array<i64: 128, 128>}, {pipeline_mode = #tpu.pipeline_mode<synchronous>, transform_indices = @transform_4, window_bounds = array<i64: 128, 128>}, {pipeline_mode = #tpu.pipeline_mode<synchronous>, transform_indices = @transform_5, window_bounds = array<i64: 16, 128>}, {pipeline_mode = #tpu.pipeline_mode<synchronous>, transform_indices = @transform_6, window_bounds = array<i64: 128, 128>}, {pipeline_mode = #tpu.pipeline_mode<synchronous>, transform_indices = @transform_7, window_bounds = array<i64: 8, 128>}, {pipeline_mode = #tpu.pipeline_mode<synchronous>, transform_indices = @transform_8, window_bounds = array<i64: 8, 128>}, {transform_indices = @transform_9, window_bounds = array<i64: 1024, 128>}, {transform_indices = @transform_10, window_bounds = array<i64: 2048, 128>}, {transform_indices = @transform_11, window_bounds = array<i64: 1024, 128>}, {pipeline_mode = #tpu.pipeline_mode<synchronous>, transform_indices = @transform_12, window_bounds = array<i64: 8, 128>}, {transform_indices = @transform_13, window_bounds = array<i64: 128, 128>}, {transform_indices = @transform_14, window_bounds = array<i64: 128, 128>}]} {
    %get3A = arith.constant 0 : index
    %get3A_0 = arith.constant 0 : index
    %get3A_1 = vector.load %arg1[%get3A, %get3A_0] : memref<1024x128xf32, #tpu.memory_space<vmem>>, vector<1024x128xf32>
    %get3A_2 = arith.constant 0 : index
    %get3A_3 = arith.constant 0 : index
    %get3A_4 = vector.load %arg5[%get3A_2, %get3A_3] : memref<128x128xf32, #tpu.memory_space<vmem>>, vector<128x128xf32>
    %dot_general3A = arith.constant dense<0.000000e+00> : vector<1024x128xf32>
    %dot_general3A_5 = tpu.matmul %get3A_1, %get3A_4, %dot_general3A {dimension_numbers = #tpu.dot_dimension_numbers<[1], [0], [0], [1], [0, 0, 1, 1], [], []>, precision = #tpu.contract_precision<fp32>, transpose_lhs_hint = false} : vector<1024x128xf32>, vector<128x128xf32>, vector<1024x128xf32> -> vector<1024x128xf32>
    %swap3A = arith.constant 0 : index
    %swap3A_6 = arith.constant 0 : index
    %swap3A_7 = vector.load %arg10[%swap3A, %swap3A_6] : memref<1024x128xf32, #tpu.memory_space<vmem>>, vector<1024x128xf32>
    tpu.vector_store %arg10[%swap3A, %swap3A_6], %dot_general3A_5 {strides = array<i32>} : memref<1024x128xf32, #tpu.memory_space<vmem>>, vector<1024x128xf32>,
    %get3A_8 = arith.constant 0 : index
    %get3A_9 = arith.constant 0 : index
    %get3A_10 = vector.load %arg2[%get3A_8, %get3A_9] : memref<2048x16xf32, #tpu.memory_space<vmem>>, vector<2048x16xf32>
    %get3A_11 = arith.constant 0 : index
    %get3A_12 = arith.constant 0 : index
    %get3A_13 = vector.load %arg6[%get3A_11, %get3A_12] : memref<16x128xf32, #tpu.memory_space<vmem>>, vector<16x128xf32>
    %dot_general3A_14 = arith.constant dense<0.000000e+00> : vector<2048x128xf32>
    %dot_general3A_15 = tpu.matmul %get3A_10, %get3A_13, %dot_general3A_14 {dimension_numbers = #tpu.dot_dimension_numbers<[1], [0], [0], [1], [0, 0, 1, 1], [], []>, precision = #tpu.contract_precision<fp32>, transpose_lhs_hint = false} : vector<2048x16xf32>, vector<16x128xf32>, vector<2048x128xf32> -> vector<2048x128xf32>
    %get3A_16 = arith.constant 0 : index
    %get3A_17 = arith.constant 0 : index
    %get3A_18 = vector.load %arg8[%get3A_16, %get3A_17] : memref<8x128xf32, #tpu.memory_space<vmem>>, vector<1x128xf32>
    %get3A_19 = vector.shape_cast %get3A_18 : vector<1x128xf32> to vector<128xf32>
    %broadcast_in_dim3A = vector.shape_cast %get3A_19 : vector<128xf32> to vector<1x128xf32>
    %add3A = vector.broadcast %broadcast_in_dim3A : vector<1x128xf32> to vector<2048x128xf32>
    %add3A_20 = arith.addf %dot_general3A_15, %add3A : vector<2048x128xf32>
    %swap3A_21 = arith.constant 0 : index
    %swap3A_22 = arith.constant 0 : index
    %swap3A_23 = vector.load %arg11[%swap3A_21, %swap3A_22] : memref<2048x128xf32, #tpu.memory_space<vmem>>, vector<2048x128xf32>
    tpu.vector_store %arg11[%swap3A_21, %swap3A_22], %add3A_20 {strides = array<i32>} : memref<2048x128xf32, #tpu.memory_space<vmem>>, vector<2048x128xf32>,
    %get3A_24 = arith.constant 0 : index
    %get3A_25 = arith.constant 0 : index
    %get3A_26 = vector.load %arg7[%get3A_24, %get3A_25] : memref<128x128xf32, #tpu.memory_space<vmem>>, vector<128x128xf32>
    %dot_general3A_27 = arith.constant dense<0.000000e+00> : vector<1024x128xf32>
    %dot_general3A_28 = tpu.matmul %get3A_1, %get3A_26, %dot_general3A_27 {dimension_numbers = #tpu.dot_dimension_numbers<[1], [0], [0], [1], [0, 0, 1, 1], [], []>, precision = #tpu.contract_precision<fp32>, transpose_lhs_hint = false} : vector<1024x128xf32>, vector<128x128xf32>, vector<1024x128xf32> -> vector<1024x128xf32>
    %get3A_29 = arith.constant 0 : index
    %get3A_30 = arith.constant 0 : index
    %get3A_31 = vector.load %arg9[%get3A_29, %get3A_30] : memref<8x128xf32, #tpu.memory_space<vmem>>, vector<1x128xf32>
    %get3A_32 = vector.shape_cast %get3A_31 : vector<1x128xf32> to vector<128xf32>
    %broadcast_in_dim3A_33 = vector.shape_cast %get3A_32 : vector<128xf32> to vector<1x128xf32>
    %add3A_34 = vector.broadcast %broadcast_in_dim3A_33 : vector<1x128xf32> to vector<1024x128xf32>
    %add3A_35 = arith.addf %dot_general3A_28, %add3A_34 : vector<1024x128xf32>
    %swap3A_36 = arith.constant 0 : index
    %swap3A_37 = arith.constant 0 : index
    %swap3A_38 = vector.load %arg12[%swap3A_36, %swap3A_37] : memref<1024x128xf32, #tpu.memory_space<vmem>>, vector<1024x128xf32>
    tpu.vector_store %arg12[%swap3A_36, %swap3A_37], %add3A_35 {strides = array<i32>} : memref<1024x128xf32, #tpu.memory_space<vmem>>, vector<1024x128xf32>,
    %iota3A = tpu.iota {dimensions = array<i32: 0>} : vector<128x128xi32>
    %mul3A = arith.constant 4 : i32
    %mul3A_39 = arith.muli %arg0, %mul3A : i32
    %jit3A = arith.constant 32 : i32
    %div3A = vector.broadcast %jit3A : i32 to vector<128x128xi32>
    %div3A_40 = arith.divsi %iota3A, %div3A : vector<128x128xi32>
    %sign3A = arith.constant 0 : i32
    %sign3A_41 = vector.broadcast %sign3A : i32 to vector<128x128xi32>
    %sign3A_42 = arith.cmpi sgt, %iota3A, %sign3A_41 : vector<128x128xi32>
    %sign3A_43 = arith.extui %sign3A_42 : vector<128x128xi1> to vector<128x128xi32>
    %sign3A_44 = arith.constant 0 : i32
    %sign3A_45 = vector.broadcast %sign3A_44 : i32 to vector<128x128xi32>
    %sign3A_46 = arith.cmpi slt, %iota3A, %sign3A_45 : vector<128x128xi32>
    %sign3A_47 = arith.extui %sign3A_46 : vector<128x128xi1> to vector<128x128xi32>
    %sign3A_48 = arith.subi %sign3A_43, %sign3A_47 : vector<128x128xi32>
    %sign3A_49 = arith.constant 0 : i32
    %sign3A_50 = arith.cmpi sgt, %jit3A, %sign3A_49 : i32
    %sign3A_51 = arith.extui %sign3A_50 : i1 to i32
    %sign3A_52 = arith.constant 0 : i32
    %sign3A_53 = arith.cmpi slt, %jit3A, %sign3A_52 : i32
    %sign3A_54 = arith.extui %sign3A_53 : i1 to i32
    %sign3A_55 = arith.subi %sign3A_51, %sign3A_54 : i32
    %ne3A = vector.broadcast %sign3A_55 : i32 to vector<128x128xi32>
    %ne3A_56 = arith.cmpi ne, %sign3A_48, %ne3A : vector<128x128xi32>
    %rem3A = vector.broadcast %jit3A : i32 to vector<128x128xi32>
    %rem3A_57 = arith.remsi %iota3A, %rem3A : vector<128x128xi32>
    %ne3A_58 = arith.constant 0 : i32
    %ne3A_59 = vector.broadcast %ne3A_58 : i32 to vector<128x128xi32>
    %ne3A_60 = arith.cmpi ne, %rem3A_57, %ne3A_59 : vector<128x128xi32>
    %and3A = arith.andi %ne3A_56, %ne3A_60 : vector<128x128xi1>
    %sub3A = arith.constant 1 : i32
    %sub3A_61 = vector.broadcast %sub3A : i32 to vector<128x128xi32>
    %sub3A_62 = arith.subi %div3A_40, %sub3A_61 : vector<128x128xi32>
    %select_n3A = arith.select %and3A, %sub3A_62, %div3A_40 : vector<128x128xi1>, vector<128x128xi32>
    %add3A_63 = vector.broadcast %mul3A_39 : i32 to vector<128x128xi32>
    %add3A_64 = arith.addi %add3A_63, %select_n3A : vector<128x128xi32>
    %get3A_65 = arith.constant 0 : index
    %get3A_66 = arith.constant 0 : index
    %get3A_67 = vector.load %arg3[%get3A_65, %get3A_66] : memref<128x128xi32, #tpu.memory_space<vmem>>, vector<128x128xi32>
    %mul3A_68 = arith.constant 256 : i32
    %mul3A_69 = vector.broadcast %mul3A_68 : i32 to vector<128x128xi32>
    %mul3A_70 = arith.muli %add3A_64, %mul3A_69 : vector<128x128xi32>
    %add3A_71 = arith.addi %get3A_67, %mul3A_70 : vector<128x128xi32>
    %swap3A_72 = arith.constant 0 : index
    %swap3A_73 = arith.constant 0 : index
    %swap3A_74 = vector.load %arg14[%swap3A_72, %swap3A_73] : memref<128x128xi32, #tpu.memory_space<vmem>>, vector<128x128xi32>
    tpu.vector_store %arg14[%swap3A_72, %swap3A_73], %add3A_71 {strides = array<i32>} : memref<128x128xi32, #tpu.memory_space<vmem>>, vector<128x128xi32>,
    %get3A_75 = arith.constant 0 : index
    %get3A_76 = arith.constant 0 : index
    %get3A_77 = vector.load %arg4[%get3A_75, %get3A_76] : memref<128x128xi32, #tpu.memory_space<vmem>>, vector<128x128xi32>
    %mul3A_78 = arith.constant 512 : i32
    %mul3A_79 = vector.broadcast %mul3A_78 : i32 to vector<128x128xi32>
    %mul3A_80 = arith.muli %add3A_64, %mul3A_79 : vector<128x128xi32>
    %add3A_81 = arith.addi %get3A_77, %mul3A_80 : vector<128x128xi32>
    %swap3A_82 = arith.constant 0 : index
    %swap3A_83 = arith.constant 0 : index
    %swap3A_84 = vector.load %arg15[%swap3A_82, %swap3A_83] : memref<128x128xi32, #tpu.memory_space<vmem>>, vector<128x128xi32>
    tpu.vector_store %arg15[%swap3A_82, %swap3A_83], %add3A_81 {strides = array<i32>} : memref<128x128xi32, #tpu.memory_space<vmem>>, vector<128x128xi32>,
    %eq3A = arith.constant 0 : i32
    %eq3A_85 = arith.cmpi eq, %arg0, %eq3A : i32
    %convert_element_type3A = arith.extui %eq3A_85 : i1 to i32
    %cond3A = arith.constant 0 : i32
    %cond3A_86 = arith.cmpi ne, %convert_element_type3A, %cond3A : i32
    scf.if %cond3A_86 {
      %broadcast_in_dim3A_102 = arith.constant 0.000000e+00 : f32
      %broadcast_in_dim3A_103 = vector.broadcast %broadcast_in_dim3A_102 : f32 to vector<8x128xf32>
      %swap3A_104 = arith.constant 0 : index
      %swap3A_105 = arith.constant 0 : index
      %swap3A_106 = vector.load %arg13[%swap3A_104, %swap3A_105] : memref<8x128xf32, #tpu.memory_space<vmem>>, vector<8x128xf32>
      tpu.vector_store %arg13[%swap3A_104, %swap3A_105], %broadcast_in_dim3A_103 {strides = array<i32>} : memref<8x128xf32, #tpu.memory_space<vmem>>, vector<8x128xf32>,
    } else {
    }
    %reduce_sum3A = arith.constant dense<0.000000e+00> : vector<128xf32>
    %reduce_sum3A_87 = vector.multi_reduction <add>, %add3A_35, %reduce_sum3A [0] : vector<1024x128xf32> to vector<128xf32>
    %mul3A_88 = arith.mulf %add3A_35, %add3A_35 : vector<1024x128xf32>
    %reduce_sum3A_89 = arith.constant dense<0.000000e+00> : vector<128xf32>
    %reduce_sum3A_90 = vector.multi_reduction <add>, %mul3A_88, %reduce_sum3A_89 [0] : vector<1024x128xf32> to vector<128xf32>
    %broadcast_in_dim3A_91 = arith.constant 0.000000e+00 : f32
    %broadcast_in_dim3A_92 = vector.broadcast %broadcast_in_dim3A_91 : f32 to vector<6x128xf32>
    %get3A_93 = arith.constant 0 : index
    %get3A_94 = arith.constant 0 : index
    %get3A_95 = vector.load %arg13[%get3A_93, %get3A_94] : memref<8x128xf32, #tpu.memory_space<vmem>>, vector<8x128xf32>
    %broadcast_in_dim3A_96 = vector.shape_cast %reduce_sum3A_87 : vector<128xf32> to vector<1x128xf32>
    %broadcast_in_dim3A_97 = vector.shape_cast %reduce_sum3A_90 : vector<128xf32> to vector<1x128xf32>
    %concatenate3A = tpu.concatenate %broadcast_in_dim3A_96, %broadcast_in_dim3A_97, %broadcast_in_dim3A_92 in 0 : vector<1x128xf32>, vector<1x128xf32>, vector<6x128xf32> -> vector<8x128xf32>
    %add3A_98 = arith.addf %get3A_95, %concatenate3A : vector<8x128xf32>
    %swap3A_99 = arith.constant 0 : index
    %swap3A_100 = arith.constant 0 : index
    %swap3A_101 = vector.load %arg13[%swap3A_99, %swap3A_100] : memref<8x128xf32, #tpu.memory_space<vmem>>, vector<8x128xf32>
    tpu.vector_store %arg13[%swap3A_99, %swap3A_100], %add3A_98 {strides = array<i32>} : memref<8x128xf32, #tpu.memory_space<vmem>>, vector<8x128xf32>,
    return
  }
  func.func @transform_0(%arg0: i32) -> (i32, i32) {
    %c0_i32 = arith.constant 0 : i32
    %c0_i32_0 = arith.constant 0 : i32
    return %arg0, %c0_i32 : i32, i32
  }
  func.func @transform_1(%arg0: i32) -> (i32, i32) {
    %c0_i32 = arith.constant 0 : i32
    %c0_i32_0 = arith.constant 0 : i32
    return %arg0, %c0_i32 : i32, i32
  }
  func.func @transform_2(%arg0: i32) -> (i32, i32) {
    %c0_i32 = arith.constant 0 : i32
    %c0_i32_0 = arith.constant 0 : i32
    return %arg0, %c0_i32 : i32, i32
  }
  func.func @transform_3(%arg0: i32) -> (i32, i32) {
    %c0_i32 = arith.constant 0 : i32
    %c0_i32_0 = arith.constant 0 : i32
    return %arg0, %c0_i32 : i32, i32
  }
  func.func @transform_4(%arg0: i32) -> (i32, i32) {
    %c0_i32 = arith.constant 0 : i32
    %c0_i32_0 = arith.constant 0 : i32
    %c0_i32_1 = arith.constant 0 : i32
    return %c0_i32, %c0_i32_0 : i32, i32
  }
  func.func @transform_5(%arg0: i32) -> (i32, i32) {
    %c0_i32 = arith.constant 0 : i32
    %c0_i32_0 = arith.constant 0 : i32
    %c0_i32_1 = arith.constant 0 : i32
    return %c0_i32, %c0_i32_0 : i32, i32
  }
  func.func @transform_6(%arg0: i32) -> (i32, i32) {
    %c0_i32 = arith.constant 0 : i32
    %c0_i32_0 = arith.constant 0 : i32
    %c0_i32_1 = arith.constant 0 : i32
    return %c0_i32, %c0_i32_0 : i32, i32
  }
  func.func @transform_7(%arg0: i32) -> (i32, i32) {
    %c0_i32 = arith.constant 0 : i32
    %c0_i32_0 = arith.constant 0 : i32
    %c0_i32_1 = arith.constant 0 : i32
    return %c0_i32, %c0_i32_0 : i32, i32
  }
  func.func @transform_8(%arg0: i32) -> (i32, i32) {
    %c0_i32 = arith.constant 0 : i32
    %c0_i32_0 = arith.constant 0 : i32
    %c0_i32_1 = arith.constant 0 : i32
    return %c0_i32, %c0_i32_0 : i32, i32
  }
  func.func @transform_9(%arg0: i32) -> (i32, i32) {
    %c0_i32 = arith.constant 0 : i32
    %c0_i32_0 = arith.constant 0 : i32
    return %arg0, %c0_i32 : i32, i32
  }
  func.func @transform_10(%arg0: i32) -> (i32, i32) {
    %c0_i32 = arith.constant 0 : i32
    %c0_i32_0 = arith.constant 0 : i32
    return %arg0, %c0_i32 : i32, i32
  }
  func.func @transform_11(%arg0: i32) -> (i32, i32) {
    %c0_i32 = arith.constant 0 : i32
    %c0_i32_0 = arith.constant 0 : i32
    return %arg0, %c0_i32 : i32, i32
  }
  func.func @transform_12(%arg0: i32) -> (i32, i32) {
    %c0_i32 = arith.constant 0 : i32
    %c0_i32_0 = arith.constant 0 : i32
    %c0_i32_1 = arith.constant 0 : i32
    return %c0_i32, %c0_i32_0 : i32, i32
  }
  func.func @transform_13(%arg0: i32) -> (i32, i32) {
    %c0_i32 = arith.constant 0 : i32
    %c0_i32_0 = arith.constant 0 : i32
    return %arg0, %c0_i32 : i32, i32
  }
  func.func @transform_14(%arg0: i32) -> (i32, i32) {
    %c0_i32 = arith.constant 0 : i32
    %c0_i32_0 = arith.constant 0 : i32
    return %arg0, %c0_i32 : i32, i32
  }
}

module attributes {stable_mosaic.version = 14 : i64} {
  func.func @_atom_norm_body(%arg0: i32, %arg1: memref<4096x128xf32, #tpu.memory_space<vmem>>, %arg2: memref<8x128xf32, #tpu.memory_space<vmem>>, %arg3: memref<8x128xf32, #tpu.memory_space<vmem>>, %arg4: memref<8x128xf32, #tpu.memory_space<vmem>>, %arg5: memref<4096x128xf32, #tpu.memory_space<vmem>>) attributes {dimension_semantics = [#tpu.dimension_semantics<arbitrary>], iteration_bounds = array<i64: 4>, scalar_prefetch = 0 : i64, scratch_operands = 0 : i64, tpu.core_type = #tpu.core_type<tc>, window_params = [{transform_indices = @transform_0, window_bounds = array<i64: 4096, 128>}, {pipeline_mode = #tpu.pipeline_mode<synchronous>, transform_indices = @transform_1, window_bounds = array<i64: 8, 128>}, {pipeline_mode = #tpu.pipeline_mode<synchronous>, transform_indices = @transform_2, window_bounds = array<i64: 8, 128>}, {pipeline_mode = #tpu.pipeline_mode<synchronous>, transform_indices = @transform_3, window_bounds = array<i64: 8, 128>}, {transform_indices = @transform_4, window_bounds = array<i64: 4096, 128>}]} {
    %get3A = arith.constant 0 : index
    %get3A_0 = arith.constant 0 : index
    %get3A_1 = vector.load %arg2[%get3A, %get3A_0] : memref<8x128xf32, #tpu.memory_space<vmem>>, vector<8x128xf32>
    %slice3A = vector.extract_strided_slice %get3A_1 {offsets = [0, 0], sizes = [1, 128], strides = [1, 1]} : vector<8x128xf32> to vector<1x128xf32>
    %squeeze3A = vector.shape_cast %slice3A : vector<1x128xf32> to vector<128xf32>
    %div3A = arith.constant 1.638400e+04 : f32
    %div3A_2 = vector.broadcast %div3A : f32 to vector<128xf32>
    %div3A_3 = arith.divf %squeeze3A, %div3A_2 : vector<128xf32>
    %slice3A_4 = vector.extract_strided_slice %get3A_1 {offsets = [1, 0], sizes = [1, 128], strides = [1, 1]} : vector<8x128xf32> to vector<1x128xf32>
    %squeeze3A_5 = vector.shape_cast %slice3A_4 : vector<1x128xf32> to vector<128xf32>
    %div3A_6 = arith.constant 1.638400e+04 : f32
    %div3A_7 = vector.broadcast %div3A_6 : f32 to vector<128xf32>
    %div3A_8 = arith.divf %squeeze3A_5, %div3A_7 : vector<128xf32>
    %mul3A = arith.mulf %div3A_3, %div3A_3 : vector<128xf32>
    %sub3A = arith.subf %div3A_8, %mul3A : vector<128xf32>
    %get3A_9 = arith.constant 0 : index
    %get3A_10 = arith.constant 0 : index
    %get3A_11 = vector.load %arg3[%get3A_9, %get3A_10] : memref<8x128xf32, #tpu.memory_space<vmem>>, vector<1x128xf32>
    %get3A_12 = vector.shape_cast %get3A_11 : vector<1x128xf32> to vector<128xf32>
    %add3A = arith.constant 9.99999997E-7 : f32
    %add3A_13 = vector.broadcast %add3A : f32 to vector<128xf32>
    %add3A_14 = arith.addf %sub3A, %add3A_13 : vector<128xf32>
    %rsqrt3A = math.rsqrt %add3A_14 : vector<128xf32>
    %mul3A_15 = arith.mulf %get3A_12, %rsqrt3A : vector<128xf32>
    %get3A_16 = arith.constant 0 : index
    %get3A_17 = arith.constant 0 : index
    %get3A_18 = vector.load %arg4[%get3A_16, %get3A_17] : memref<8x128xf32, #tpu.memory_space<vmem>>, vector<1x128xf32>
    %get3A_19 = vector.shape_cast %get3A_18 : vector<1x128xf32> to vector<128xf32>
    %mul3A_20 = arith.mulf %div3A_3, %mul3A_15 : vector<128xf32>
    %sub3A_21 = arith.subf %get3A_19, %mul3A_20 : vector<128xf32>
    %get3A_22 = arith.constant 0 : index
    %get3A_23 = arith.constant 0 : index
    %get3A_24 = vector.load %arg1[%get3A_22, %get3A_23] : memref<4096x128xf32, #tpu.memory_space<vmem>>, vector<4096x128xf32>
    %broadcast_in_dim3A = vector.shape_cast %mul3A_15 : vector<128xf32> to vector<1x128xf32>
    %mul3A_25 = vector.broadcast %broadcast_in_dim3A : vector<1x128xf32> to vector<4096x128xf32>
    %mul3A_26 = arith.mulf %get3A_24, %mul3A_25 : vector<4096x128xf32>
    %broadcast_in_dim3A_27 = vector.shape_cast %sub3A_21 : vector<128xf32> to vector<1x128xf32>
    %add3A_28 = vector.broadcast %broadcast_in_dim3A_27 : vector<1x128xf32> to vector<4096x128xf32>
    %add3A_29 = arith.addf %mul3A_26, %add3A_28 : vector<4096x128xf32>
    %ge3A = arith.constant 0.000000e+00 : f32
    %ge3A_30 = vector.broadcast %ge3A : f32 to vector<4096x128xf32>
    %ge3A_31 = arith.cmpf oge, %add3A_29, %ge3A_30 : vector<4096x128xf32>
    %mul3A_32 = arith.constant 0.00999999977 : f32
    %mul3A_33 = vector.broadcast %mul3A_32 : f32 to vector<4096x128xf32>
    %mul3A_34 = arith.mulf %mul3A_33, %add3A_29 : vector<4096x128xf32>
    %select_n3A = arith.select %ge3A_31, %add3A_29, %mul3A_34 : vector<4096x128xi1>, vector<4096x128xf32>
    %swap3A = arith.constant 0 : index
    %swap3A_35 = arith.constant 0 : index
    %swap3A_36 = vector.load %arg5[%swap3A, %swap3A_35] : memref<4096x128xf32, #tpu.memory_space<vmem>>, vector<4096x128xf32>
    tpu.vector_store %arg5[%swap3A, %swap3A_35], %select_n3A {strides = array<i32>} : memref<4096x128xf32, #tpu.memory_space<vmem>>, vector<4096x128xf32>,
    return
  }
  func.func @transform_0(%arg0: i32) -> (i32, i32) {
    %c0_i32 = arith.constant 0 : i32
    %c0_i32_0 = arith.constant 0 : i32
    return %arg0, %c0_i32 : i32, i32
  }
  func.func @transform_1(%arg0: i32) -> (i32, i32) {
    %c0_i32 = arith.constant 0 : i32
    %c0_i32_0 = arith.constant 0 : i32
    %c0_i32_1 = arith.constant 0 : i32
    return %c0_i32, %c0_i32_0 : i32, i32
  }
  func.func @transform_2(%arg0: i32) -> (i32, i32) {
    %c0_i32 = arith.constant 0 : i32
    %c0_i32_0 = arith.constant 0 : i32
    %c0_i32_1 = arith.constant 0 : i32
    return %c0_i32, %c0_i32_0 : i32, i32
  }
  func.func @transform_3(%arg0: i32) -> (i32, i32) {
    %c0_i32 = arith.constant 0 : i32
    %c0_i32_0 = arith.constant 0 : i32
    %c0_i32_1 = arith.constant 0 : i32
    return %c0_i32, %c0_i32_0 : i32, i32
  }
  func.func @transform_4(%arg0: i32) -> (i32, i32) {
    %c0_i32 = arith.constant 0 : i32
    %c0_i32_0 = arith.constant 0 : i32
    return %arg0, %c0_i32 : i32, i32
  }
}

module attributes {stable_mosaic.version = 14 : i64} {
  func.func @_nei_norm_body(%arg0: i32, %arg1: memref<2048x128xi32, #tpu.memory_space<vmem>>, %arg2: memref<32x256xf32, #tpu.memory_space<vmem>>, %arg3: memref<8x128xf32, #tpu.memory_space<vmem>>, %arg4: memref<8x128xf32, #tpu.memory_space<vmem>>, %arg5: memref<4096x128xf32, #tpu.memory_space<vmem>>) attributes {dimension_semantics = [#tpu.dimension_semantics<arbitrary>], iteration_bounds = array<i64: 64>, scalar_prefetch = 0 : i64, scratch_operands = 0 : i64, tpu.core_type = #tpu.core_type<tc>, window_params = [{transform_indices = @transform_0, window_bounds = array<i64: 2048, 128>}, {pipeline_mode = #tpu.pipeline_mode<synchronous>, transform_indices = @transform_1, window_bounds = array<i64: 32, 256>}, {pipeline_mode = #tpu.pipeline_mode<synchronous>, transform_indices = @transform_2, window_bounds = array<i64: 8, 128>}, {pipeline_mode = #tpu.pipeline_mode<synchronous>, transform_indices = @transform_3, window_bounds = array<i64: 8, 128>}, {transform_indices = @transform_4, window_bounds = array<i64: 4096, 128>}]} {
    %get3A = arith.constant 0 : index
    %get3A_0 = arith.constant 0 : index
    %get3A_1 = vector.load %arg2[%get3A, %get3A_0] : memref<32x256xf32, #tpu.memory_space<vmem>>, vector<32x256xf32>
    %slice3A = vector.extract_strided_slice %get3A_1 {offsets = [0, 0], sizes = [32, 128], strides = [1, 1]} : vector<32x256xf32> to vector<32x128xf32>
    %reduce_sum3A = arith.constant dense<0.000000e+00> : vector<128xf32>
    %reduce_sum3A_2 = vector.multi_reduction <add>, %slice3A, %reduce_sum3A [0] : vector<32x128xf32> to vector<128xf32>
    %slice3A_3 = vector.extract_strided_slice %get3A_1 {offsets = [0, 128], sizes = [32, 128], strides = [1, 1]} : vector<32x256xf32> to vector<32x128xf32>
    %reduce_sum3A_4 = arith.constant dense<0.000000e+00> : vector<128xf32>
    %reduce_sum3A_5 = vector.multi_reduction <add>, %slice3A_3, %reduce_sum3A_4 [0] : vector<32x128xf32> to vector<128xf32>
    %div3A = arith.constant 2.621440e+05 : f32
    %div3A_6 = vector.broadcast %div3A : f32 to vector<128xf32>
    %div3A_7 = arith.divf %reduce_sum3A_2, %div3A_6 : vector<128xf32>
    %div3A_8 = arith.constant 2.621440e+05 : f32
    %div3A_9 = vector.broadcast %div3A_8 : f32 to vector<128xf32>
    %div3A_10 = arith.divf %reduce_sum3A_5, %div3A_9 : vector<128xf32>
    %mul3A = arith.mulf %div3A_7, %div3A_7 : vector<128xf32>
    %sub3A = arith.subf %div3A_10, %mul3A : vector<128xf32>
    %get3A_11 = arith.constant 0 : index
    %get3A_12 = arith.constant 0 : index
    %get3A_13 = vector.load %arg3[%get3A_11, %get3A_12] : memref<8x128xf32, #tpu.memory_space<vmem>>, vector<1x128xf32>
    %get3A_14 = vector.shape_cast %get3A_13 : vector<1x128xf32> to vector<128xf32>
    %add3A = arith.constant 9.99999997E-7 : f32
    %add3A_15 = vector.broadcast %add3A : f32 to vector<128xf32>
    %add3A_16 = arith.addf %sub3A, %add3A_15 : vector<128xf32>
    %rsqrt3A = math.rsqrt %add3A_16 : vector<128xf32>
    %mul3A_17 = arith.mulf %get3A_14, %rsqrt3A : vector<128xf32>
    %get3A_18 = arith.constant 0 : index
    %get3A_19 = arith.constant 0 : index
    %get3A_20 = vector.load %arg4[%get3A_18, %get3A_19] : memref<8x128xf32, #tpu.memory_space<vmem>>, vector<1x128xf32>
    %get3A_21 = vector.shape_cast %get3A_20 : vector<1x128xf32> to vector<128xf32>
    %mul3A_22 = arith.mulf %div3A_7, %mul3A_17 : vector<128xf32>
    %sub3A_23 = arith.subf %get3A_21, %mul3A_22 : vector<128xf32>
    %broadcast_in_dim3A = vector.shape_cast %mul3A_17 : vector<128xf32> to vector<1x128xf32>
    %broadcast_in_dim3A_24 = vector.shape_cast %sub3A_23 : vector<128xf32> to vector<1x128xf32>
    %get3A_25 = arith.constant 0 : index
    %get3A_26 = arith.constant 0 : index
    %get3A_27 = vector.load %arg1[%get3A_25, %get3A_26] : memref<2048x128xi32, #tpu.memory_space<vmem>>, vector<64x128xi32>
    %shift_left3A = arith.constant 16 : i32
    %shift_left3A_28 = vector.broadcast %shift_left3A : i32 to vector<64x128xi32>
    %shift_left3A_29 = arith.shli %get3A_27, %shift_left3A_28 : vector<64x128xi32>
    %bitcast_convert_type3A = tpu.bitcast %shift_left3A_29 : vector<64x128xi32> -> vector<64x128xf32>
    %and3A = arith.constant -65536 : i32
    %and3A_30 = vector.broadcast %and3A : i32 to vector<64x128xi32>
    %and3A_31 = arith.andi %get3A_27, %and3A_30 : vector<64x128xi32>
    %bitcast_convert_type3A_32 = tpu.bitcast %and3A_31 : vector<64x128xi32> -> vector<64x128xf32>
    %mul3A_33 = vector.broadcast %broadcast_in_dim3A : vector<1x128xf32> to vector<64x128xf32>
    %mul3A_34 = arith.mulf %bitcast_convert_type3A, %mul3A_33 : vector<64x128xf32>
    %add3A_35 = vector.broadcast %broadcast_in_dim3A_24 : vector<1x128xf32> to vector<64x128xf32>
    %add3A_36 = arith.addf %mul3A_34, %add3A_35 : vector<64x128xf32>
    %mul3A_37 = vector.broadcast %broadcast_in_dim3A : vector<1x128xf32> to vector<64x128xf32>
    %mul3A_38 = arith.mulf %bitcast_convert_type3A_32, %mul3A_37 : vector<64x128xf32>
    %add3A_39 = vector.broadcast %broadcast_in_dim3A_24 : vector<1x128xf32> to vector<64x128xf32>
    %add3A_40 = arith.addf %mul3A_38, %add3A_39 : vector<64x128xf32>
    %ge3A = arith.constant 0.000000e+00 : f32
    %ge3A_41 = vector.broadcast %ge3A : f32 to vector<64x128xf32>
    %ge3A_42 = arith.cmpf oge, %add3A_36, %ge3A_41 : vector<64x128xf32>
    %mul3A_43 = arith.constant 0.00999999977 : f32
    %mul3A_44 = vector.broadcast %mul3A_43 : f32 to vector<64x128xf32>
    %mul3A_45 = arith.mulf %mul3A_44, %add3A_36 : vector<64x128xf32>
    %select_n3A = arith.select %ge3A_42, %add3A_36, %mul3A_45 : vector<64x128xi1>, vector<64x128xf32>
    %swap3A = arith.constant 0 : index
    %swap3A_46 = arith.constant 0 : index
    %swap3A_47 = vector.load %arg5[%swap3A, %swap3A_46] : memref<4096x128xf32, #tpu.memory_space<vmem>>, vector<64x128xf32>
    tpu.vector_store %arg5[%swap3A, %swap3A_46], %select_n3A {strides = array<i32>} : memref<4096x128xf32, #tpu.memory_space<vmem>>, vector<64x128xf32>,
    %ge3A_48 = arith.constant 0.000000e+00 : f32
    %ge3A_49 = vector.broadcast %ge3A_48 : f32 to vector<64x128xf32>
    %ge3A_50 = arith.cmpf oge, %add3A_40, %ge3A_49 : vector<64x128xf32>
    %mul3A_51 = arith.constant 0.00999999977 : f32
    %mul3A_52 = vector.broadcast %mul3A_51 : f32 to vector<64x128xf32>
    %mul3A_53 = arith.mulf %mul3A_52, %add3A_40 : vector<64x128xf32>
    %select_n3A_54 = arith.select %ge3A_50, %add3A_40, %mul3A_53 : vector<64x128xi1>, vector<64x128xf32>
    %swap3A_55 = arith.constant 64 : index
    %swap3A_56 = arith.constant 0 : index
    %swap3A_57 = vector.load %arg5[%swap3A_55, %swap3A_56] : memref<4096x128xf32, #tpu.memory_space<vmem>>, vector<64x128xf32>
    tpu.vector_store %arg5[%swap3A_55, %swap3A_56], %select_n3A_54 {strides = array<i32>} : memref<4096x128xf32, #tpu.memory_space<vmem>>, vector<64x128xf32>,
    %get3A_58 = arith.constant 64 : index
    %get3A_59 = arith.constant 0 : index
    %get3A_60 = vector.load %arg1[%get3A_58, %get3A_59] : memref<2048x128xi32, #tpu.memory_space<vmem>>, vector<64x128xi32>
    %shift_left3A_61 = arith.constant 16 : i32
    %shift_left3A_62 = vector.broadcast %shift_left3A_61 : i32 to vector<64x128xi32>
    %shift_left3A_63 = arith.shli %get3A_60, %shift_left3A_62 : vector<64x128xi32>
    %bitcast_convert_type3A_64 = tpu.bitcast %shift_left3A_63 : vector<64x128xi32> -> vector<64x128xf32>
    %and3A_65 = arith.constant -65536 : i32
    %and3A_66 = vector.broadcast %and3A_65 : i32 to vector<64x128xi32>
    %and3A_67 = arith.andi %get3A_60, %and3A_66 : vector<64x128xi32>
    %bitcast_convert_type3A_68 = tpu.bitcast %and3A_67 : vector<64x128xi32> -> vector<64x128xf32>
    %mul3A_69 = vector.broadcast %broadcast_in_dim3A : vector<1x128xf32> to vector<64x128xf32>
    %mul3A_70 = arith.mulf %bitcast_convert_type3A_64, %mul3A_69 : vector<64x128xf32>
    %add3A_71 = vector.broadcast %broadcast_in_dim3A_24 : vector<1x128xf32> to vector<64x128xf32>
    %add3A_72 = arith.addf %mul3A_70, %add3A_71 : vector<64x128xf32>
    %mul3A_73 = vector.broadcast %broadcast_in_dim3A : vector<1x128xf32> to vector<64x128xf32>
    %mul3A_74 = arith.mulf %bitcast_convert_type3A_68, %mul3A_73 : vector<64x128xf32>
    %add3A_75 = vector.broadcast %broadcast_in_dim3A_24 : vector<1x128xf32> to vector<64x128xf32>
    %add3A_76 = arith.addf %mul3A_74, %add3A_75 : vector<64x128xf32>
    %ge3A_77 = arith.constant 0.000000e+00 : f32
    %ge3A_78 = vector.broadcast %ge3A_77 : f32 to vector<64x128xf32>
    %ge3A_79 = arith.cmpf oge, %add3A_72, %ge3A_78 : vector<64x128xf32>
    %mul3A_80 = arith.constant 0.00999999977 : f32
    %mul3A_81 = vector.broadcast %mul3A_80 : f32 to vector<64x128xf32>
    %mul3A_82 = arith.mulf %mul3A_81, %add3A_72 : vector<64x128xf32>
    %select_n3A_83 = arith.select %ge3A_79, %add3A_72, %mul3A_82 : vector<64x128xi1>, vector<64x128xf32>
    %swap3A_84 = arith.constant 128 : index
    %swap3A_85 = arith.constant 0 : index
    %swap3A_86 = vector.load %arg5[%swap3A_84, %swap3A_85] : memref<4096x128xf32, #tpu.memory_space<vmem>>, vector<64x128xf32>
    tpu.vector_store %arg5[%swap3A_84, %swap3A_85], %select_n3A_83 {strides = array<i32>} : memref<4096x128xf32, #tpu.memory_space<vmem>>, vector<64x128xf32>,
    %ge3A_87 = arith.constant 0.000000e+00 : f32
    %ge3A_88 = vector.broadcast %ge3A_87 : f32 to vector<64x128xf32>
    %ge3A_89 = arith.cmpf oge, %add3A_76, %ge3A_88 : vector<64x128xf32>
    %mul3A_90 = arith.constant 0.00999999977 : f32
    %mul3A_91 = vector.broadcast %mul3A_90 : f32 to vector<64x128xf32>
    %mul3A_92 = arith.mulf %mul3A_91, %add3A_76 : vector<64x128xf32>
    %select_n3A_93 = arith.select %ge3A_89, %add3A_76, %mul3A_92 : vector<64x128xi1>, vector<64x128xf32>
    %swap3A_94 = arith.constant 192 : index
    %swap3A_95 = arith.constant 0 : index
    %swap3A_96 = vector.load %arg5[%swap3A_94, %swap3A_95] : memref<4096x128xf32, #tpu.memory_space<vmem>>, vector<64x128xf32>
    tpu.vector_store %arg5[%swap3A_94, %swap3A_95], %select_n3A_93 {strides = array<i32>} : memref<4096x128xf32, #tpu.memory_space<vmem>>, vector<64x128xf32>,
    %get3A_97 = arith.constant 128 : index
    %get3A_98 = arith.constant 0 : index
    %get3A_99 = vector.load %arg1[%get3A_97, %get3A_98] : memref<2048x128xi32, #tpu.memory_space<vmem>>, vector<64x128xi32>
    %shift_left3A_100 = arith.constant 16 : i32
    %shift_left3A_101 = vector.broadcast %shift_left3A_100 : i32 to vector<64x128xi32>
    %shift_left3A_102 = arith.shli %get3A_99, %shift_left3A_101 : vector<64x128xi32>
    %bitcast_convert_type3A_103 = tpu.bitcast %shift_left3A_102 : vector<64x128xi32> -> vector<64x128xf32>
    %and3A_104 = arith.constant -65536 : i32
    %and3A_105 = vector.broadcast %and3A_104 : i32 to vector<64x128xi32>
    %and3A_106 = arith.andi %get3A_99, %and3A_105 : vector<64x128xi32>
    %bitcast_convert_type3A_107 = tpu.bitcast %and3A_106 : vector<64x128xi32> -> vector<64x128xf32>
    %mul3A_108 = vector.broadcast %broadcast_in_dim3A : vector<1x128xf32> to vector<64x128xf32>
    %mul3A_109 = arith.mulf %bitcast_convert_type3A_103, %mul3A_108 : vector<64x128xf32>
    %add3A_110 = vector.broadcast %broadcast_in_dim3A_24 : vector<1x128xf32> to vector<64x128xf32>
    %add3A_111 = arith.addf %mul3A_109, %add3A_110 : vector<64x128xf32>
    %mul3A_112 = vector.broadcast %broadcast_in_dim3A : vector<1x128xf32> to vector<64x128xf32>
    %mul3A_113 = arith.mulf %bitcast_convert_type3A_107, %mul3A_112 : vector<64x128xf32>
    %add3A_114 = vector.broadcast %broadcast_in_dim3A_24 : vector<1x128xf32> to vector<64x128xf32>
    %add3A_115 = arith.addf %mul3A_113, %add3A_114 : vector<64x128xf32>
    %ge3A_116 = arith.constant 0.000000e+00 : f32
    %ge3A_117 = vector.broadcast %ge3A_116 : f32 to vector<64x128xf32>
    %ge3A_118 = arith.cmpf oge, %add3A_111, %ge3A_117 : vector<64x128xf32>
    %mul3A_119 = arith.constant 0.00999999977 : f32
    %mul3A_120 = vector.broadcast %mul3A_119 : f32 to vector<64x128xf32>
    %mul3A_121 = arith.mulf %mul3A_120, %add3A_111 : vector<64x128xf32>
    %select_n3A_122 = arith.select %ge3A_118, %add3A_111, %mul3A_121 : vector<64x128xi1>, vector<64x128xf32>
    %swap3A_123 = arith.constant 256 : index
    %swap3A_124 = arith.constant 0 : index
    %swap3A_125 = vector.load %arg5[%swap3A_123, %swap3A_124] : memref<4096x128xf32, #tpu.memory_space<vmem>>, vector<64x128xf32>
    tpu.vector_store %arg5[%swap3A_123, %swap3A_124], %select_n3A_122 {strides = array<i32>} : memref<4096x128xf32, #tpu.memory_space<vmem>>, vector<64x128xf32>,
    %ge3A_126 = arith.constant 0.000000e+00 : f32
    %ge3A_127 = vector.broadcast %ge3A_126 : f32 to vector<64x128xf32>
    %ge3A_128 = arith.cmpf oge, %add3A_115, %ge3A_127 : vector<64x128xf32>
    %mul3A_129 = arith.constant 0.00999999977 : f32
    %mul3A_130 = vector.broadcast %mul3A_129 : f32 to vector<64x128xf32>
    %mul3A_131 = arith.mulf %mul3A_130, %add3A_115 : vector<64x128xf32>
    %select_n3A_132 = arith.select %ge3A_128, %add3A_115, %mul3A_131 : vector<64x128xi1>, vector<64x128xf32>
    %swap3A_133 = arith.constant 320 : index
    %swap3A_134 = arith.constant 0 : index
    %swap3A_135 = vector.load %arg5[%swap3A_133, %swap3A_134] : memref<4096x128xf32, #tpu.memory_space<vmem>>, vector<64x128xf32>
    tpu.vector_store %arg5[%swap3A_133, %swap3A_134], %select_n3A_132 {strides = array<i32>} : memref<4096x128xf32, #tpu.memory_space<vmem>>, vector<64x128xf32>,
    %get3A_136 = arith.constant 192 : index
    %get3A_137 = arith.constant 0 : index
    %get3A_138 = vector.load %arg1[%get3A_136, %get3A_137] : memref<2048x128xi32, #tpu.memory_space<vmem>>, vector<64x128xi32>
    %shift_left3A_139 = arith.constant 16 : i32
    %shift_left3A_140 = vector.broadcast %shift_left3A_139 : i32 to vector<64x128xi32>
    %shift_left3A_141 = arith.shli %get3A_138, %shift_left3A_140 : vector<64x128xi32>
    %bitcast_convert_type3A_142 = tpu.bitcast %shift_left3A_141 : vector<64x128xi32> -> vector<64x128xf32>
    %and3A_143 = arith.constant -65536 : i32
    %and3A_144 = vector.broadcast %and3A_143 : i32 to vector<64x128xi32>
    %and3A_145 = arith.andi %get3A_138, %and3A_144 : vector<64x128xi32>
    %bitcast_convert_type3A_146 = tpu.bitcast %and3A_145 : vector<64x128xi32> -> vector<64x128xf32>
    %mul3A_147 = vector.broadcast %broadcast_in_dim3A : vector<1x128xf32> to vector<64x128xf32>
    %mul3A_148 = arith.mulf %bitcast_convert_type3A_142, %mul3A_147 : vector<64x128xf32>
    %add3A_149 = vector.broadcast %broadcast_in_dim3A_24 : vector<1x128xf32> to vector<64x128xf32>
    %add3A_150 = arith.addf %mul3A_148, %add3A_149 : vector<64x128xf32>
    %mul3A_151 = vector.broadcast %broadcast_in_dim3A : vector<1x128xf32> to vector<64x128xf32>
    %mul3A_152 = arith.mulf %bitcast_convert_type3A_146, %mul3A_151 : vector<64x128xf32>
    %add3A_153 = vector.broadcast %broadcast_in_dim3A_24 : vector<1x128xf32> to vector<64x128xf32>
    %add3A_154 = arith.addf %mul3A_152, %add3A_153 : vector<64x128xf32>
    %ge3A_155 = arith.constant 0.000000e+00 : f32
    %ge3A_156 = vector.broadcast %ge3A_155 : f32 to vector<64x128xf32>
    %ge3A_157 = arith.cmpf oge, %add3A_150, %ge3A_156 : vector<64x128xf32>
    %mul3A_158 = arith.constant 0.00999999977 : f32
    %mul3A_159 = vector.broadcast %mul3A_158 : f32 to vector<64x128xf32>
    %mul3A_160 = arith.mulf %mul3A_159, %add3A_150 : vector<64x128xf32>
    %select_n3A_161 = arith.select %ge3A_157, %add3A_150, %mul3A_160 : vector<64x128xi1>, vector<64x128xf32>
    %swap3A_162 = arith.constant 384 : index
    %swap3A_163 = arith.constant 0 : index
    %swap3A_164 = vector.load %arg5[%swap3A_162, %swap3A_163] : memref<4096x128xf32, #tpu.memory_space<vmem>>, vector<64x128xf32>
    tpu.vector_store %arg5[%swap3A_162, %swap3A_163], %select_n3A_161 {strides = array<i32>} : memref<4096x128xf32, #tpu.memory_space<vmem>>, vector<64x128xf32>,
    %ge3A_165 = arith.constant 0.000000e+00 : f32
    %ge3A_166 = vector.broadcast %ge3A_165 : f32 to vector<64x128xf32>
    %ge3A_167 = arith.cmpf oge, %add3A_154, %ge3A_166 : vector<64x128xf32>
    %mul3A_168 = arith.constant 0.00999999977 : f32
    %mul3A_169 = vector.broadcast %mul3A_168 : f32 to vector<64x128xf32>
    %mul3A_170 = arith.mulf %mul3A_169, %add3A_154 : vector<64x128xf32>
    %select_n3A_171 = arith.select %ge3A_167, %add3A_154, %mul3A_170 : vector<64x128xi1>, vector<64x128xf32>
    %swap3A_172 = arith.constant 448 : index
    %swap3A_173 = arith.constant 0 : index
    %swap3A_174 = vector.load %arg5[%swap3A_172, %swap3A_173] : memref<4096x128xf32, #tpu.memory_space<vmem>>, vector<64x128xf32>
    tpu.vector_store %arg5[%swap3A_172, %swap3A_173], %select_n3A_171 {strides = array<i32>} : memref<4096x128xf32, #tpu.memory_space<vmem>>, vector<64x128xf32>,
    %get3A_175 = arith.constant 256 : index
    %get3A_176 = arith.constant 0 : index
    %get3A_177 = vector.load %arg1[%get3A_175, %get3A_176] : memref<2048x128xi32, #tpu.memory_space<vmem>>, vector<64x128xi32>
    %shift_left3A_178 = arith.constant 16 : i32
    %shift_left3A_179 = vector.broadcast %shift_left3A_178 : i32 to vector<64x128xi32>
    %shift_left3A_180 = arith.shli %get3A_177, %shift_left3A_179 : vector<64x128xi32>
    %bitcast_convert_type3A_181 = tpu.bitcast %shift_left3A_180 : vector<64x128xi32> -> vector<64x128xf32>
    %and3A_182 = arith.constant -65536 : i32
    %and3A_183 = vector.broadcast %and3A_182 : i32 to vector<64x128xi32>
    %and3A_184 = arith.andi %get3A_177, %and3A_183 : vector<64x128xi32>
    %bitcast_convert_type3A_185 = tpu.bitcast %and3A_184 : vector<64x128xi32> -> vector<64x128xf32>
    %mul3A_186 = vector.broadcast %broadcast_in_dim3A : vector<1x128xf32> to vector<64x128xf32>
    %mul3A_187 = arith.mulf %bitcast_convert_type3A_181, %mul3A_186 : vector<64x128xf32>
    %add3A_188 = vector.broadcast %broadcast_in_dim3A_24 : vector<1x128xf32> to vector<64x128xf32>
    %add3A_189 = arith.addf %mul3A_187, %add3A_188 : vector<64x128xf32>
    %mul3A_190 = vector.broadcast %broadcast_in_dim3A : vector<1x128xf32> to vector<64x128xf32>
    %mul3A_191 = arith.mulf %bitcast_convert_type3A_185, %mul3A_190 : vector<64x128xf32>
    %add3A_192 = vector.broadcast %broadcast_in_dim3A_24 : vector<1x128xf32> to vector<64x128xf32>
    %add3A_193 = arith.addf %mul3A_191, %add3A_192 : vector<64x128xf32>
    %ge3A_194 = arith.constant 0.000000e+00 : f32
    %ge3A_195 = vector.broadcast %ge3A_194 : f32 to vector<64x128xf32>
    %ge3A_196 = arith.cmpf oge, %add3A_189, %ge3A_195 : vector<64x128xf32>
    %mul3A_197 = arith.constant 0.00999999977 : f32
    %mul3A_198 = vector.broadcast %mul3A_197 : f32 to vector<64x128xf32>
    %mul3A_199 = arith.mulf %mul3A_198, %add3A_189 : vector<64x128xf32>
    %select_n3A_200 = arith.select %ge3A_196, %add3A_189, %mul3A_199 : vector<64x128xi1>, vector<64x128xf32>
    %swap3A_201 = arith.constant 512 : index
    %swap3A_202 = arith.constant 0 : index
    %swap3A_203 = vector.load %arg5[%swap3A_201, %swap3A_202] : memref<4096x128xf32, #tpu.memory_space<vmem>>, vector<64x128xf32>
    tpu.vector_store %arg5[%swap3A_201, %swap3A_202], %select_n3A_200 {strides = array<i32>} : memref<4096x128xf32, #tpu.memory_space<vmem>>, vector<64x128xf32>,
    %ge3A_204 = arith.constant 0.000000e+00 : f32
    %ge3A_205 = vector.broadcast %ge3A_204 : f32 to vector<64x128xf32>
    %ge3A_206 = arith.cmpf oge, %add3A_193, %ge3A_205 : vector<64x128xf32>
    %mul3A_207 = arith.constant 0.00999999977 : f32
    %mul3A_208 = vector.broadcast %mul3A_207 : f32 to vector<64x128xf32>
    %mul3A_209 = arith.mulf %mul3A_208, %add3A_193 : vector<64x128xf32>
    %select_n3A_210 = arith.select %ge3A_206, %add3A_193, %mul3A_209 : vector<64x128xi1>, vector<64x128xf32>
    %swap3A_211 = arith.constant 576 : index
    %swap3A_212 = arith.constant 0 : index
    %swap3A_213 = vector.load %arg5[%swap3A_211, %swap3A_212] : memref<4096x128xf32, #tpu.memory_space<vmem>>, vector<64x128xf32>
    tpu.vector_store %arg5[%swap3A_211, %swap3A_212], %select_n3A_210 {strides = array<i32>} : memref<4096x128xf32, #tpu.memory_space<vmem>>, vector<64x128xf32>,
    %get3A_214 = arith.constant 320 : index
    %get3A_215 = arith.constant 0 : index
    %get3A_216 = vector.load %arg1[%get3A_214, %get3A_215] : memref<2048x128xi32, #tpu.memory_space<vmem>>, vector<64x128xi32>
    %shift_left3A_217 = arith.constant 16 : i32
    %shift_left3A_218 = vector.broadcast %shift_left3A_217 : i32 to vector<64x128xi32>
    %shift_left3A_219 = arith.shli %get3A_216, %shift_left3A_218 : vector<64x128xi32>
    %bitcast_convert_type3A_220 = tpu.bitcast %shift_left3A_219 : vector<64x128xi32> -> vector<64x128xf32>
    %and3A_221 = arith.constant -65536 : i32
    %and3A_222 = vector.broadcast %and3A_221 : i32 to vector<64x128xi32>
    %and3A_223 = arith.andi %get3A_216, %and3A_222 : vector<64x128xi32>
    %bitcast_convert_type3A_224 = tpu.bitcast %and3A_223 : vector<64x128xi32> -> vector<64x128xf32>
    %mul3A_225 = vector.broadcast %broadcast_in_dim3A : vector<1x128xf32> to vector<64x128xf32>
    %mul3A_226 = arith.mulf %bitcast_convert_type3A_220, %mul3A_225 : vector<64x128xf32>
    %add3A_227 = vector.broadcast %broadcast_in_dim3A_24 : vector<1x128xf32> to vector<64x128xf32>
    %add3A_228 = arith.addf %mul3A_226, %add3A_227 : vector<64x128xf32>
    %mul3A_229 = vector.broadcast %broadcast_in_dim3A : vector<1x128xf32> to vector<64x128xf32>
    %mul3A_230 = arith.mulf %bitcast_convert_type3A_224, %mul3A_229 : vector<64x128xf32>
    %add3A_231 = vector.broadcast %broadcast_in_dim3A_24 : vector<1x128xf32> to vector<64x128xf32>
    %add3A_232 = arith.addf %mul3A_230, %add3A_231 : vector<64x128xf32>
    %ge3A_233 = arith.constant 0.000000e+00 : f32
    %ge3A_234 = vector.broadcast %ge3A_233 : f32 to vector<64x128xf32>
    %ge3A_235 = arith.cmpf oge, %add3A_228, %ge3A_234 : vector<64x128xf32>
    %mul3A_236 = arith.constant 0.00999999977 : f32
    %mul3A_237 = vector.broadcast %mul3A_236 : f32 to vector<64x128xf32>
    %mul3A_238 = arith.mulf %mul3A_237, %add3A_228 : vector<64x128xf32>
    %select_n3A_239 = arith.select %ge3A_235, %add3A_228, %mul3A_238 : vector<64x128xi1>, vector<64x128xf32>
    %swap3A_240 = arith.constant 640 : index
    %swap3A_241 = arith.constant 0 : index
    %swap3A_242 = vector.load %arg5[%swap3A_240, %swap3A_241] : memref<4096x128xf32, #tpu.memory_space<vmem>>, vector<64x128xf32>
    tpu.vector_store %arg5[%swap3A_240, %swap3A_241], %select_n3A_239 {strides = array<i32>} : memref<4096x128xf32, #tpu.memory_space<vmem>>, vector<64x128xf32>,
    %ge3A_243 = arith.constant 0.000000e+00 : f32
    %ge3A_244 = vector.broadcast %ge3A_243 : f32 to vector<64x128xf32>
    %ge3A_245 = arith.cmpf oge, %add3A_232, %ge3A_244 : vector<64x128xf32>
    %mul3A_246 = arith.constant 0.00999999977 : f32
    %mul3A_247 = vector.broadcast %mul3A_246 : f32 to vector<64x128xf32>
    %mul3A_248 = arith.mulf %mul3A_247, %add3A_232 : vector<64x128xf32>
    %select_n3A_249 = arith.select %ge3A_245, %add3A_232, %mul3A_248 : vector<64x128xi1>, vector<64x128xf32>
    %swap3A_250 = arith.constant 704 : index
    %swap3A_251 = arith.constant 0 : index
    %swap3A_252 = vector.load %arg5[%swap3A_250, %swap3A_251] : memref<4096x128xf32, #tpu.memory_space<vmem>>, vector<64x128xf32>
    tpu.vector_store %arg5[%swap3A_250, %swap3A_251], %select_n3A_249 {strides = array<i32>} : memref<4096x128xf32, #tpu.memory_space<vmem>>, vector<64x128xf32>,
    %get3A_253 = arith.constant 384 : index
    %get3A_254 = arith.constant 0 : index
    %get3A_255 = vector.load %arg1[%get3A_253, %get3A_254] : memref<2048x128xi32, #tpu.memory_space<vmem>>, vector<64x128xi32>
    %shift_left3A_256 = arith.constant 16 : i32
    %shift_left3A_257 = vector.broadcast %shift_left3A_256 : i32 to vector<64x128xi32>
    %shift_left3A_258 = arith.shli %get3A_255, %shift_left3A_257 : vector<64x128xi32>
    %bitcast_convert_type3A_259 = tpu.bitcast %shift_left3A_258 : vector<64x128xi32> -> vector<64x128xf32>
    %and3A_260 = arith.constant -65536 : i32
    %and3A_261 = vector.broadcast %and3A_260 : i32 to vector<64x128xi32>
    %and3A_262 = arith.andi %get3A_255, %and3A_261 : vector<64x128xi32>
    %bitcast_convert_type3A_263 = tpu.bitcast %and3A_262 : vector<64x128xi32> -> vector<64x128xf32>
    %mul3A_264 = vector.broadcast %broadcast_in_dim3A : vector<1x128xf32> to vector<64x128xf32>
    %mul3A_265 = arith.mulf %bitcast_convert_type3A_259, %mul3A_264 : vector<64x128xf32>
    %add3A_266 = vector.broadcast %broadcast_in_dim3A_24 : vector<1x128xf32> to vector<64x128xf32>
    %add3A_267 = arith.addf %mul3A_265, %add3A_266 : vector<64x128xf32>
    %mul3A_268 = vector.broadcast %broadcast_in_dim3A : vector<1x128xf32> to vector<64x128xf32>
    %mul3A_269 = arith.mulf %bitcast_convert_type3A_263, %mul3A_268 : vector<64x128xf32>
    %add3A_270 = vector.broadcast %broadcast_in_dim3A_24 : vector<1x128xf32> to vector<64x128xf32>
    %add3A_271 = arith.addf %mul3A_269, %add3A_270 : vector<64x128xf32>
    %ge3A_272 = arith.constant 0.000000e+00 : f32
    %ge3A_273 = vector.broadcast %ge3A_272 : f32 to vector<64x128xf32>
    %ge3A_274 = arith.cmpf oge, %add3A_267, %ge3A_273 : vector<64x128xf32>
    %mul3A_275 = arith.constant 0.00999999977 : f32
    %mul3A_276 = vector.broadcast %mul3A_275 : f32 to vector<64x128xf32>
    %mul3A_277 = arith.mulf %mul3A_276, %add3A_267 : vector<64x128xf32>
    %select_n3A_278 = arith.select %ge3A_274, %add3A_267, %mul3A_277 : vector<64x128xi1>, vector<64x128xf32>
    %swap3A_279 = arith.constant 768 : index
    %swap3A_280 = arith.constant 0 : index
    %swap3A_281 = vector.load %arg5[%swap3A_279, %swap3A_280] : memref<4096x128xf32, #tpu.memory_space<vmem>>, vector<64x128xf32>
    tpu.vector_store %arg5[%swap3A_279, %swap3A_280], %select_n3A_278 {strides = array<i32>} : memref<4096x128xf32, #tpu.memory_space<vmem>>, vector<64x128xf32>,
    %ge3A_282 = arith.constant 0.000000e+00 : f32
    %ge3A_283 = vector.broadcast %ge3A_282 : f32 to vector<64x128xf32>
    %ge3A_284 = arith.cmpf oge, %add3A_271, %ge3A_283 : vector<64x128xf32>
    %mul3A_285 = arith.constant 0.00999999977 : f32
    %mul3A_286 = vector.broadcast %mul3A_285 : f32 to vector<64x128xf32>
    %mul3A_287 = arith.mulf %mul3A_286, %add3A_271 : vector<64x128xf32>
    %select_n3A_288 = arith.select %ge3A_284, %add3A_271, %mul3A_287 : vector<64x128xi1>, vector<64x128xf32>
    %swap3A_289 = arith.constant 832 : index
    %swap3A_290 = arith.constant 0 : index
    %swap3A_291 = vector.load %arg5[%swap3A_289, %swap3A_290] : memref<4096x128xf32, #tpu.memory_space<vmem>>, vector<64x128xf32>
    tpu.vector_store %arg5[%swap3A_289, %swap3A_290], %select_n3A_288 {strides = array<i32>} : memref<4096x128xf32, #tpu.memory_space<vmem>>, vector<64x128xf32>,
    %get3A_292 = arith.constant 448 : index
    %get3A_293 = arith.constant 0 : index
    %get3A_294 = vector.load %arg1[%get3A_292, %get3A_293] : memref<2048x128xi32, #tpu.memory_space<vmem>>, vector<64x128xi32>
    %shift_left3A_295 = arith.constant 16 : i32
    %shift_left3A_296 = vector.broadcast %shift_left3A_295 : i32 to vector<64x128xi32>
    %shift_left3A_297 = arith.shli %get3A_294, %shift_left3A_296 : vector<64x128xi32>
    %bitcast_convert_type3A_298 = tpu.bitcast %shift_left3A_297 : vector<64x128xi32> -> vector<64x128xf32>
    %and3A_299 = arith.constant -65536 : i32
    %and3A_300 = vector.broadcast %and3A_299 : i32 to vector<64x128xi32>
    %and3A_301 = arith.andi %get3A_294, %and3A_300 : vector<64x128xi32>
    %bitcast_convert_type3A_302 = tpu.bitcast %and3A_301 : vector<64x128xi32> -> vector<64x128xf32>
    %mul3A_303 = vector.broadcast %broadcast_in_dim3A : vector<1x128xf32> to vector<64x128xf32>
    %mul3A_304 = arith.mulf %bitcast_convert_type3A_298, %mul3A_303 : vector<64x128xf32>
    %add3A_305 = vector.broadcast %broadcast_in_dim3A_24 : vector<1x128xf32> to vector<64x128xf32>
    %add3A_306 = arith.addf %mul3A_304, %add3A_305 : vector<64x128xf32>
    %mul3A_307 = vector.broadcast %broadcast_in_dim3A : vector<1x128xf32> to vector<64x128xf32>
    %mul3A_308 = arith.mulf %bitcast_convert_type3A_302, %mul3A_307 : vector<64x128xf32>
    %add3A_309 = vector.broadcast %broadcast_in_dim3A_24 : vector<1x128xf32> to vector<64x128xf32>
    %add3A_310 = arith.addf %mul3A_308, %add3A_309 : vector<64x128xf32>
    %ge3A_311 = arith.constant 0.000000e+00 : f32
    %ge3A_312 = vector.broadcast %ge3A_311 : f32 to vector<64x128xf32>
    %ge3A_313 = arith.cmpf oge, %add3A_306, %ge3A_312 : vector<64x128xf32>
    %mul3A_314 = arith.constant 0.00999999977 : f32
    %mul3A_315 = vector.broadcast %mul3A_314 : f32 to vector<64x128xf32>
    %mul3A_316 = arith.mulf %mul3A_315, %add3A_306 : vector<64x128xf32>
    %select_n3A_317 = arith.select %ge3A_313, %add3A_306, %mul3A_316 : vector<64x128xi1>, vector<64x128xf32>
    %swap3A_318 = arith.constant 896 : index
    %swap3A_319 = arith.constant 0 : index
    %swap3A_320 = vector.load %arg5[%swap3A_318, %swap3A_319] : memref<4096x128xf32, #tpu.memory_space<vmem>>, vector<64x128xf32>
    tpu.vector_store %arg5[%swap3A_318, %swap3A_319], %select_n3A_317 {strides = array<i32>} : memref<4096x128xf32, #tpu.memory_space<vmem>>, vector<64x128xf32>,
    %ge3A_321 = arith.constant 0.000000e+00 : f32
    %ge3A_322 = vector.broadcast %ge3A_321 : f32 to vector<64x128xf32>
    %ge3A_323 = arith.cmpf oge, %add3A_310, %ge3A_322 : vector<64x128xf32>
    %mul3A_324 = arith.constant 0.00999999977 : f32
    %mul3A_325 = vector.broadcast %mul3A_324 : f32 to vector<64x128xf32>
    %mul3A_326 = arith.mulf %mul3A_325, %add3A_310 : vector<64x128xf32>
    %select_n3A_327 = arith.select %ge3A_323, %add3A_310, %mul3A_326 : vector<64x128xi1>, vector<64x128xf32>
    %swap3A_328 = arith.constant 960 : index
    %swap3A_329 = arith.constant 0 : index
    %swap3A_330 = vector.load %arg5[%swap3A_328, %swap3A_329] : memref<4096x128xf32, #tpu.memory_space<vmem>>, vector<64x128xf32>
    tpu.vector_store %arg5[%swap3A_328, %swap3A_329], %select_n3A_327 {strides = array<i32>} : memref<4096x128xf32, #tpu.memory_space<vmem>>, vector<64x128xf32>,
    %get3A_331 = arith.constant 512 : index
    %get3A_332 = arith.constant 0 : index
    %get3A_333 = vector.load %arg1[%get3A_331, %get3A_332] : memref<2048x128xi32, #tpu.memory_space<vmem>>, vector<64x128xi32>
    %shift_left3A_334 = arith.constant 16 : i32
    %shift_left3A_335 = vector.broadcast %shift_left3A_334 : i32 to vector<64x128xi32>
    %shift_left3A_336 = arith.shli %get3A_333, %shift_left3A_335 : vector<64x128xi32>
    %bitcast_convert_type3A_337 = tpu.bitcast %shift_left3A_336 : vector<64x128xi32> -> vector<64x128xf32>
    %and3A_338 = arith.constant -65536 : i32
    %and3A_339 = vector.broadcast %and3A_338 : i32 to vector<64x128xi32>
    %and3A_340 = arith.andi %get3A_333, %and3A_339 : vector<64x128xi32>
    %bitcast_convert_type3A_341 = tpu.bitcast %and3A_340 : vector<64x128xi32> -> vector<64x128xf32>
    %mul3A_342 = vector.broadcast %broadcast_in_dim3A : vector<1x128xf32> to vector<64x128xf32>
    %mul3A_343 = arith.mulf %bitcast_convert_type3A_337, %mul3A_342 : vector<64x128xf32>
    %add3A_344 = vector.broadcast %broadcast_in_dim3A_24 : vector<1x128xf32> to vector<64x128xf32>
    %add3A_345 = arith.addf %mul3A_343, %add3A_344 : vector<64x128xf32>
    %mul3A_346 = vector.broadcast %broadcast_in_dim3A : vector<1x128xf32> to vector<64x128xf32>
    %mul3A_347 = arith.mulf %bitcast_convert_type3A_341, %mul3A_346 : vector<64x128xf32>
    %add3A_348 = vector.broadcast %broadcast_in_dim3A_24 : vector<1x128xf32> to vector<64x128xf32>
    %add3A_349 = arith.addf %mul3A_347, %add3A_348 : vector<64x128xf32>
    %ge3A_350 = arith.constant 0.000000e+00 : f32
    %ge3A_351 = vector.broadcast %ge3A_350 : f32 to vector<64x128xf32>
    %ge3A_352 = arith.cmpf oge, %add3A_345, %ge3A_351 : vector<64x128xf32>
    %mul3A_353 = arith.constant 0.00999999977 : f32
    %mul3A_354 = vector.broadcast %mul3A_353 : f32 to vector<64x128xf32>
    %mul3A_355 = arith.mulf %mul3A_354, %add3A_345 : vector<64x128xf32>
    %select_n3A_356 = arith.select %ge3A_352, %add3A_345, %mul3A_355 : vector<64x128xi1>, vector<64x128xf32>
    %swap3A_357 = arith.constant 1024 : index
    %swap3A_358 = arith.constant 0 : index
    %swap3A_359 = vector.load %arg5[%swap3A_357, %swap3A_358] : memref<4096x128xf32, #tpu.memory_space<vmem>>, vector<64x128xf32>
    tpu.vector_store %arg5[%swap3A_357, %swap3A_358], %select_n3A_356 {strides = array<i32>} : memref<4096x128xf32, #tpu.memory_space<vmem>>, vector<64x128xf32>,
    %ge3A_360 = arith.constant 0.000000e+00 : f32
    %ge3A_361 = vector.broadcast %ge3A_360 : f32 to vector<64x128xf32>
    %ge3A_362 = arith.cmpf oge, %add3A_349, %ge3A_361 : vector<64x128xf32>
    %mul3A_363 = arith.constant 0.00999999977 : f32
    %mul3A_364 = vector.broadcast %mul3A_363 : f32 to vector<64x128xf32>
    %mul3A_365 = arith.mulf %mul3A_364, %add3A_349 : vector<64x128xf32>
    %select_n3A_366 = arith.select %ge3A_362, %add3A_349, %mul3A_365 : vector<64x128xi1>, vector<64x128xf32>
    %swap3A_367 = arith.constant 1088 : index
    %swap3A_368 = arith.constant 0 : index
    %swap3A_369 = vector.load %arg5[%swap3A_367, %swap3A_368] : memref<4096x128xf32, #tpu.memory_space<vmem>>, vector<64x128xf32>
    tpu.vector_store %arg5[%swap3A_367, %swap3A_368], %select_n3A_366 {strides = array<i32>} : memref<4096x128xf32, #tpu.memory_space<vmem>>, vector<64x128xf32>,
    %get3A_370 = arith.constant 576 : index
    %get3A_371 = arith.constant 0 : index
    %get3A_372 = vector.load %arg1[%get3A_370, %get3A_371] : memref<2048x128xi32, #tpu.memory_space<vmem>>, vector<64x128xi32>
    %shift_left3A_373 = arith.constant 16 : i32
    %shift_left3A_374 = vector.broadcast %shift_left3A_373 : i32 to vector<64x128xi32>
    %shift_left3A_375 = arith.shli %get3A_372, %shift_left3A_374 : vector<64x128xi32>
    %bitcast_convert_type3A_376 = tpu.bitcast %shift_left3A_375 : vector<64x128xi32> -> vector<64x128xf32>
    %and3A_377 = arith.constant -65536 : i32
    %and3A_378 = vector.broadcast %and3A_377 : i32 to vector<64x128xi32>
    %and3A_379 = arith.andi %get3A_372, %and3A_378 : vector<64x128xi32>
    %bitcast_convert_type3A_380 = tpu.bitcast %and3A_379 : vector<64x128xi32> -> vector<64x128xf32>
    %mul3A_381 = vector.broadcast %broadcast_in_dim3A : vector<1x128xf32> to vector<64x128xf32>
    %mul3A_382 = arith.mulf %bitcast_convert_type3A_376, %mul3A_381 : vector<64x128xf32>
    %add3A_383 = vector.broadcast %broadcast_in_dim3A_24 : vector<1x128xf32> to vector<64x128xf32>
    %add3A_384 = arith.addf %mul3A_382, %add3A_383 : vector<64x128xf32>
    %mul3A_385 = vector.broadcast %broadcast_in_dim3A : vector<1x128xf32> to vector<64x128xf32>
    %mul3A_386 = arith.mulf %bitcast_convert_type3A_380, %mul3A_385 : vector<64x128xf32>
    %add3A_387 = vector.broadcast %broadcast_in_dim3A_24 : vector<1x128xf32> to vector<64x128xf32>
    %add3A_388 = arith.addf %mul3A_386, %add3A_387 : vector<64x128xf32>
    %ge3A_389 = arith.constant 0.000000e+00 : f32
    %ge3A_390 = vector.broadcast %ge3A_389 : f32 to vector<64x128xf32>
    %ge3A_391 = arith.cmpf oge, %add3A_384, %ge3A_390 : vector<64x128xf32>
    %mul3A_392 = arith.constant 0.00999999977 : f32
    %mul3A_393 = vector.broadcast %mul3A_392 : f32 to vector<64x128xf32>
    %mul3A_394 = arith.mulf %mul3A_393, %add3A_384 : vector<64x128xf32>
    %select_n3A_395 = arith.select %ge3A_391, %add3A_384, %mul3A_394 : vector<64x128xi1>, vector<64x128xf32>
    %swap3A_396 = arith.constant 1152 : index
    %swap3A_397 = arith.constant 0 : index
    %swap3A_398 = vector.load %arg5[%swap3A_396, %swap3A_397] : memref<4096x128xf32, #tpu.memory_space<vmem>>, vector<64x128xf32>
    tpu.vector_store %arg5[%swap3A_396, %swap3A_397], %select_n3A_395 {strides = array<i32>} : memref<4096x128xf32, #tpu.memory_space<vmem>>, vector<64x128xf32>,
    %ge3A_399 = arith.constant 0.000000e+00 : f32
    %ge3A_400 = vector.broadcast %ge3A_399 : f32 to vector<64x128xf32>
    %ge3A_401 = arith.cmpf oge, %add3A_388, %ge3A_400 : vector<64x128xf32>
    %mul3A_402 = arith.constant 0.00999999977 : f32
    %mul3A_403 = vector.broadcast %mul3A_402 : f32 to vector<64x128xf32>
    %mul3A_404 = arith.mulf %mul3A_403, %add3A_388 : vector<64x128xf32>
    %select_n3A_405 = arith.select %ge3A_401, %add3A_388, %mul3A_404 : vector<64x128xi1>, vector<64x128xf32>
    %swap3A_406 = arith.constant 1216 : index
    %swap3A_407 = arith.constant 0 : index
    %swap3A_408 = vector.load %arg5[%swap3A_406, %swap3A_407] : memref<4096x128xf32, #tpu.memory_space<vmem>>, vector<64x128xf32>
    tpu.vector_store %arg5[%swap3A_406, %swap3A_407], %select_n3A_405 {strides = array<i32>} : memref<4096x128xf32, #tpu.memory_space<vmem>>, vector<64x128xf32>,
    %get3A_409 = arith.constant 640 : index
    %get3A_410 = arith.constant 0 : index
    %get3A_411 = vector.load %arg1[%get3A_409, %get3A_410] : memref<2048x128xi32, #tpu.memory_space<vmem>>, vector<64x128xi32>
    %shift_left3A_412 = arith.constant 16 : i32
    %shift_left3A_413 = vector.broadcast %shift_left3A_412 : i32 to vector<64x128xi32>
    %shift_left3A_414 = arith.shli %get3A_411, %shift_left3A_413 : vector<64x128xi32>
    %bitcast_convert_type3A_415 = tpu.bitcast %shift_left3A_414 : vector<64x128xi32> -> vector<64x128xf32>
    %and3A_416 = arith.constant -65536 : i32
    %and3A_417 = vector.broadcast %and3A_416 : i32 to vector<64x128xi32>
    %and3A_418 = arith.andi %get3A_411, %and3A_417 : vector<64x128xi32>
    %bitcast_convert_type3A_419 = tpu.bitcast %and3A_418 : vector<64x128xi32> -> vector<64x128xf32>
    %mul3A_420 = vector.broadcast %broadcast_in_dim3A : vector<1x128xf32> to vector<64x128xf32>
    %mul3A_421 = arith.mulf %bitcast_convert_type3A_415, %mul3A_420 : vector<64x128xf32>
    %add3A_422 = vector.broadcast %broadcast_in_dim3A_24 : vector<1x128xf32> to vector<64x128xf32>
    %add3A_423 = arith.addf %mul3A_421, %add3A_422 : vector<64x128xf32>
    %mul3A_424 = vector.broadcast %broadcast_in_dim3A : vector<1x128xf32> to vector<64x128xf32>
    %mul3A_425 = arith.mulf %bitcast_convert_type3A_419, %mul3A_424 : vector<64x128xf32>
    %add3A_426 = vector.broadcast %broadcast_in_dim3A_24 : vector<1x128xf32> to vector<64x128xf32>
    %add3A_427 = arith.addf %mul3A_425, %add3A_426 : vector<64x128xf32>
    %ge3A_428 = arith.constant 0.000000e+00 : f32
    %ge3A_429 = vector.broadcast %ge3A_428 : f32 to vector<64x128xf32>
    %ge3A_430 = arith.cmpf oge, %add3A_423, %ge3A_429 : vector<64x128xf32>
    %mul3A_431 = arith.constant 0.00999999977 : f32
    %mul3A_432 = vector.broadcast %mul3A_431 : f32 to vector<64x128xf32>
    %mul3A_433 = arith.mulf %mul3A_432, %add3A_423 : vector<64x128xf32>
    %select_n3A_434 = arith.select %ge3A_430, %add3A_423, %mul3A_433 : vector<64x128xi1>, vector<64x128xf32>
    %swap3A_435 = arith.constant 1280 : index
    %swap3A_436 = arith.constant 0 : index
    %swap3A_437 = vector.load %arg5[%swap3A_435, %swap3A_436] : memref<4096x128xf32, #tpu.memory_space<vmem>>, vector<64x128xf32>
    tpu.vector_store %arg5[%swap3A_435, %swap3A_436], %select_n3A_434 {strides = array<i32>} : memref<4096x128xf32, #tpu.memory_space<vmem>>, vector<64x128xf32>,
    %ge3A_438 = arith.constant 0.000000e+00 : f32
    %ge3A_439 = vector.broadcast %ge3A_438 : f32 to vector<64x128xf32>
    %ge3A_440 = arith.cmpf oge, %add3A_427, %ge3A_439 : vector<64x128xf32>
    %mul3A_441 = arith.constant 0.00999999977 : f32
    %mul3A_442 = vector.broadcast %mul3A_441 : f32 to vector<64x128xf32>
    %mul3A_443 = arith.mulf %mul3A_442, %add3A_427 : vector<64x128xf32>
    %select_n3A_444 = arith.select %ge3A_440, %add3A_427, %mul3A_443 : vector<64x128xi1>, vector<64x128xf32>
    %swap3A_445 = arith.constant 1344 : index
    %swap3A_446 = arith.constant 0 : index
    %swap3A_447 = vector.load %arg5[%swap3A_445, %swap3A_446] : memref<4096x128xf32, #tpu.memory_space<vmem>>, vector<64x128xf32>
    tpu.vector_store %arg5[%swap3A_445, %swap3A_446], %select_n3A_444 {strides = array<i32>} : memref<4096x128xf32, #tpu.memory_space<vmem>>, vector<64x128xf32>,
    %get3A_448 = arith.constant 704 : index
    %get3A_449 = arith.constant 0 : index
    %get3A_450 = vector.load %arg1[%get3A_448, %get3A_449] : memref<2048x128xi32, #tpu.memory_space<vmem>>, vector<64x128xi32>
    %shift_left3A_451 = arith.constant 16 : i32
    %shift_left3A_452 = vector.broadcast %shift_left3A_451 : i32 to vector<64x128xi32>
    %shift_left3A_453 = arith.shli %get3A_450, %shift_left3A_452 : vector<64x128xi32>
    %bitcast_convert_type3A_454 = tpu.bitcast %shift_left3A_453 : vector<64x128xi32> -> vector<64x128xf32>
    %and3A_455 = arith.constant -65536 : i32
    %and3A_456 = vector.broadcast %and3A_455 : i32 to vector<64x128xi32>
    %and3A_457 = arith.andi %get3A_450, %and3A_456 : vector<64x128xi32>
    %bitcast_convert_type3A_458 = tpu.bitcast %and3A_457 : vector<64x128xi32> -> vector<64x128xf32>
    %mul3A_459 = vector.broadcast %broadcast_in_dim3A : vector<1x128xf32> to vector<64x128xf32>
    %mul3A_460 = arith.mulf %bitcast_convert_type3A_454, %mul3A_459 : vector<64x128xf32>
    %add3A_461 = vector.broadcast %broadcast_in_dim3A_24 : vector<1x128xf32> to vector<64x128xf32>
    %add3A_462 = arith.addf %mul3A_460, %add3A_461 : vector<64x128xf32>
    %mul3A_463 = vector.broadcast %broadcast_in_dim3A : vector<1x128xf32> to vector<64x128xf32>
    %mul3A_464 = arith.mulf %bitcast_convert_type3A_458, %mul3A_463 : vector<64x128xf32>
    %add3A_465 = vector.broadcast %broadcast_in_dim3A_24 : vector<1x128xf32> to vector<64x128xf32>
    %add3A_466 = arith.addf %mul3A_464, %add3A_465 : vector<64x128xf32>
    %ge3A_467 = arith.constant 0.000000e+00 : f32
    %ge3A_468 = vector.broadcast %ge3A_467 : f32 to vector<64x128xf32>
    %ge3A_469 = arith.cmpf oge, %add3A_462, %ge3A_468 : vector<64x128xf32>
    %mul3A_470 = arith.constant 0.00999999977 : f32
    %mul3A_471 = vector.broadcast %mul3A_470 : f32 to vector<64x128xf32>
    %mul3A_472 = arith.mulf %mul3A_471, %add3A_462 : vector<64x128xf32>
    %select_n3A_473 = arith.select %ge3A_469, %add3A_462, %mul3A_472 : vector<64x128xi1>, vector<64x128xf32>
    %swap3A_474 = arith.constant 1408 : index
    %swap3A_475 = arith.constant 0 : index
    %swap3A_476 = vector.load %arg5[%swap3A_474, %swap3A_475] : memref<4096x128xf32, #tpu.memory_space<vmem>>, vector<64x128xf32>
    tpu.vector_store %arg5[%swap3A_474, %swap3A_475], %select_n3A_473 {strides = array<i32>} : memref<4096x128xf32, #tpu.memory_space<vmem>>, vector<64x128xf32>,
    %ge3A_477 = arith.constant 0.000000e+00 : f32
    %ge3A_478 = vector.broadcast %ge3A_477 : f32 to vector<64x128xf32>
    %ge3A_479 = arith.cmpf oge, %add3A_466, %ge3A_478 : vector<64x128xf32>
    %mul3A_480 = arith.constant 0.00999999977 : f32
    %mul3A_481 = vector.broadcast %mul3A_480 : f32 to vector<64x128xf32>
    %mul3A_482 = arith.mulf %mul3A_481, %add3A_466 : vector<64x128xf32>
    %select_n3A_483 = arith.select %ge3A_479, %add3A_466, %mul3A_482 : vector<64x128xi1>, vector<64x128xf32>
    %swap3A_484 = arith.constant 1472 : index
    %swap3A_485 = arith.constant 0 : index
    %swap3A_486 = vector.load %arg5[%swap3A_484, %swap3A_485] : memref<4096x128xf32, #tpu.memory_space<vmem>>, vector<64x128xf32>
    tpu.vector_store %arg5[%swap3A_484, %swap3A_485], %select_n3A_483 {strides = array<i32>} : memref<4096x128xf32, #tpu.memory_space<vmem>>, vector<64x128xf32>,
    %get3A_487 = arith.constant 768 : index
    %get3A_488 = arith.constant 0 : index
    %get3A_489 = vector.load %arg1[%get3A_487, %get3A_488] : memref<2048x128xi32, #tpu.memory_space<vmem>>, vector<64x128xi32>
    %shift_left3A_490 = arith.constant 16 : i32
    %shift_left3A_491 = vector.broadcast %shift_left3A_490 : i32 to vector<64x128xi32>
    %shift_left3A_492 = arith.shli %get3A_489, %shift_left3A_491 : vector<64x128xi32>
    %bitcast_convert_type3A_493 = tpu.bitcast %shift_left3A_492 : vector<64x128xi32> -> vector<64x128xf32>
    %and3A_494 = arith.constant -65536 : i32
    %and3A_495 = vector.broadcast %and3A_494 : i32 to vector<64x128xi32>
    %and3A_496 = arith.andi %get3A_489, %and3A_495 : vector<64x128xi32>
    %bitcast_convert_type3A_497 = tpu.bitcast %and3A_496 : vector<64x128xi32> -> vector<64x128xf32>
    %mul3A_498 = vector.broadcast %broadcast_in_dim3A : vector<1x128xf32> to vector<64x128xf32>
    %mul3A_499 = arith.mulf %bitcast_convert_type3A_493, %mul3A_498 : vector<64x128xf32>
    %add3A_500 = vector.broadcast %broadcast_in_dim3A_24 : vector<1x128xf32> to vector<64x128xf32>
    %add3A_501 = arith.addf %mul3A_499, %add3A_500 : vector<64x128xf32>
    %mul3A_502 = vector.broadcast %broadcast_in_dim3A : vector<1x128xf32> to vector<64x128xf32>
    %mul3A_503 = arith.mulf %bitcast_convert_type3A_497, %mul3A_502 : vector<64x128xf32>
    %add3A_504 = vector.broadcast %broadcast_in_dim3A_24 : vector<1x128xf32> to vector<64x128xf32>
    %add3A_505 = arith.addf %mul3A_503, %add3A_504 : vector<64x128xf32>
    %ge3A_506 = arith.constant 0.000000e+00 : f32
    %ge3A_507 = vector.broadcast %ge3A_506 : f32 to vector<64x128xf32>
    %ge3A_508 = arith.cmpf oge, %add3A_501, %ge3A_507 : vector<64x128xf32>
    %mul3A_509 = arith.constant 0.00999999977 : f32
    %mul3A_510 = vector.broadcast %mul3A_509 : f32 to vector<64x128xf32>
    %mul3A_511 = arith.mulf %mul3A_510, %add3A_501 : vector<64x128xf32>
    %select_n3A_512 = arith.select %ge3A_508, %add3A_501, %mul3A_511 : vector<64x128xi1>, vector<64x128xf32>
    %swap3A_513 = arith.constant 1536 : index
    %swap3A_514 = arith.constant 0 : index
    %swap3A_515 = vector.load %arg5[%swap3A_513, %swap3A_514] : memref<4096x128xf32, #tpu.memory_space<vmem>>, vector<64x128xf32>
    tpu.vector_store %arg5[%swap3A_513, %swap3A_514], %select_n3A_512 {strides = array<i32>} : memref<4096x128xf32, #tpu.memory_space<vmem>>, vector<64x128xf32>,
    %ge3A_516 = arith.constant 0.000000e+00 : f32
    %ge3A_517 = vector.broadcast %ge3A_516 : f32 to vector<64x128xf32>
    %ge3A_518 = arith.cmpf oge, %add3A_505, %ge3A_517 : vector<64x128xf32>
    %mul3A_519 = arith.constant 0.00999999977 : f32
    %mul3A_520 = vector.broadcast %mul3A_519 : f32 to vector<64x128xf32>
    %mul3A_521 = arith.mulf %mul3A_520, %add3A_505 : vector<64x128xf32>
    %select_n3A_522 = arith.select %ge3A_518, %add3A_505, %mul3A_521 : vector<64x128xi1>, vector<64x128xf32>
    %swap3A_523 = arith.constant 1600 : index
    %swap3A_524 = arith.constant 0 : index
    %swap3A_525 = vector.load %arg5[%swap3A_523, %swap3A_524] : memref<4096x128xf32, #tpu.memory_space<vmem>>, vector<64x128xf32>
    tpu.vector_store %arg5[%swap3A_523, %swap3A_524], %select_n3A_522 {strides = array<i32>} : memref<4096x128xf32, #tpu.memory_space<vmem>>, vector<64x128xf32>,
    %get3A_526 = arith.constant 832 : index
    %get3A_527 = arith.constant 0 : index
    %get3A_528 = vector.load %arg1[%get3A_526, %get3A_527] : memref<2048x128xi32, #tpu.memory_space<vmem>>, vector<64x128xi32>
    %shift_left3A_529 = arith.constant 16 : i32
    %shift_left3A_530 = vector.broadcast %shift_left3A_529 : i32 to vector<64x128xi32>
    %shift_left3A_531 = arith.shli %get3A_528, %shift_left3A_530 : vector<64x128xi32>
    %bitcast_convert_type3A_532 = tpu.bitcast %shift_left3A_531 : vector<64x128xi32> -> vector<64x128xf32>
    %and3A_533 = arith.constant -65536 : i32
    %and3A_534 = vector.broadcast %and3A_533 : i32 to vector<64x128xi32>
    %and3A_535 = arith.andi %get3A_528, %and3A_534 : vector<64x128xi32>
    %bitcast_convert_type3A_536 = tpu.bitcast %and3A_535 : vector<64x128xi32> -> vector<64x128xf32>
    %mul3A_537 = vector.broadcast %broadcast_in_dim3A : vector<1x128xf32> to vector<64x128xf32>
    %mul3A_538 = arith.mulf %bitcast_convert_type3A_532, %mul3A_537 : vector<64x128xf32>
    %add3A_539 = vector.broadcast %broadcast_in_dim3A_24 : vector<1x128xf32> to vector<64x128xf32>
    %add3A_540 = arith.addf %mul3A_538, %add3A_539 : vector<64x128xf32>
    %mul3A_541 = vector.broadcast %broadcast_in_dim3A : vector<1x128xf32> to vector<64x128xf32>
    %mul3A_542 = arith.mulf %bitcast_convert_type3A_536, %mul3A_541 : vector<64x128xf32>
    %add3A_543 = vector.broadcast %broadcast_in_dim3A_24 : vector<1x128xf32> to vector<64x128xf32>
    %add3A_544 = arith.addf %mul3A_542, %add3A_543 : vector<64x128xf32>
    %ge3A_545 = arith.constant 0.000000e+00 : f32
    %ge3A_546 = vector.broadcast %ge3A_545 : f32 to vector<64x128xf32>
    %ge3A_547 = arith.cmpf oge, %add3A_540, %ge3A_546 : vector<64x128xf32>
    %mul3A_548 = arith.constant 0.00999999977 : f32
    %mul3A_549 = vector.broadcast %mul3A_548 : f32 to vector<64x128xf32>
    %mul3A_550 = arith.mulf %mul3A_549, %add3A_540 : vector<64x128xf32>
    %select_n3A_551 = arith.select %ge3A_547, %add3A_540, %mul3A_550 : vector<64x128xi1>, vector<64x128xf32>
    %swap3A_552 = arith.constant 1664 : index
    %swap3A_553 = arith.constant 0 : index
    %swap3A_554 = vector.load %arg5[%swap3A_552, %swap3A_553] : memref<4096x128xf32, #tpu.memory_space<vmem>>, vector<64x128xf32>
    tpu.vector_store %arg5[%swap3A_552, %swap3A_553], %select_n3A_551 {strides = array<i32>} : memref<4096x128xf32, #tpu.memory_space<vmem>>, vector<64x128xf32>,
    %ge3A_555 = arith.constant 0.000000e+00 : f32
    %ge3A_556 = vector.broadcast %ge3A_555 : f32 to vector<64x128xf32>
    %ge3A_557 = arith.cmpf oge, %add3A_544, %ge3A_556 : vector<64x128xf32>
    %mul3A_558 = arith.constant 0.00999999977 : f32
    %mul3A_559 = vector.broadcast %mul3A_558 : f32 to vector<64x128xf32>
    %mul3A_560 = arith.mulf %mul3A_559, %add3A_544 : vector<64x128xf32>
    %select_n3A_561 = arith.select %ge3A_557, %add3A_544, %mul3A_560 : vector<64x128xi1>, vector<64x128xf32>
    %swap3A_562 = arith.constant 1728 : index
    %swap3A_563 = arith.constant 0 : index
    %swap3A_564 = vector.load %arg5[%swap3A_562, %swap3A_563] : memref<4096x128xf32, #tpu.memory_space<vmem>>, vector<64x128xf32>
    tpu.vector_store %arg5[%swap3A_562, %swap3A_563], %select_n3A_561 {strides = array<i32>} : memref<4096x128xf32, #tpu.memory_space<vmem>>, vector<64x128xf32>,
    %get3A_565 = arith.constant 896 : index
    %get3A_566 = arith.constant 0 : index
    %get3A_567 = vector.load %arg1[%get3A_565, %get3A_566] : memref<2048x128xi32, #tpu.memory_space<vmem>>, vector<64x128xi32>
    %shift_left3A_568 = arith.constant 16 : i32
    %shift_left3A_569 = vector.broadcast %shift_left3A_568 : i32 to vector<64x128xi32>
    %shift_left3A_570 = arith.shli %get3A_567, %shift_left3A_569 : vector<64x128xi32>
    %bitcast_convert_type3A_571 = tpu.bitcast %shift_left3A_570 : vector<64x128xi32> -> vector<64x128xf32>
    %and3A_572 = arith.constant -65536 : i32
    %and3A_573 = vector.broadcast %and3A_572 : i32 to vector<64x128xi32>
    %and3A_574 = arith.andi %get3A_567, %and3A_573 : vector<64x128xi32>
    %bitcast_convert_type3A_575 = tpu.bitcast %and3A_574 : vector<64x128xi32> -> vector<64x128xf32>
    %mul3A_576 = vector.broadcast %broadcast_in_dim3A : vector<1x128xf32> to vector<64x128xf32>
    %mul3A_577 = arith.mulf %bitcast_convert_type3A_571, %mul3A_576 : vector<64x128xf32>
    %add3A_578 = vector.broadcast %broadcast_in_dim3A_24 : vector<1x128xf32> to vector<64x128xf32>
    %add3A_579 = arith.addf %mul3A_577, %add3A_578 : vector<64x128xf32>
    %mul3A_580 = vector.broadcast %broadcast_in_dim3A : vector<1x128xf32> to vector<64x128xf32>
    %mul3A_581 = arith.mulf %bitcast_convert_type3A_575, %mul3A_580 : vector<64x128xf32>
    %add3A_582 = vector.broadcast %broadcast_in_dim3A_24 : vector<1x128xf32> to vector<64x128xf32>
    %add3A_583 = arith.addf %mul3A_581, %add3A_582 : vector<64x128xf32>
    %ge3A_584 = arith.constant 0.000000e+00 : f32
    %ge3A_585 = vector.broadcast %ge3A_584 : f32 to vector<64x128xf32>
    %ge3A_586 = arith.cmpf oge, %add3A_579, %ge3A_585 : vector<64x128xf32>
    %mul3A_587 = arith.constant 0.00999999977 : f32
    %mul3A_588 = vector.broadcast %mul3A_587 : f32 to vector<64x128xf32>
    %mul3A_589 = arith.mulf %mul3A_588, %add3A_579 : vector<64x128xf32>
    %select_n3A_590 = arith.select %ge3A_586, %add3A_579, %mul3A_589 : vector<64x128xi1>, vector<64x128xf32>
    %swap3A_591 = arith.constant 1792 : index
    %swap3A_592 = arith.constant 0 : index
    %swap3A_593 = vector.load %arg5[%swap3A_591, %swap3A_592] : memref<4096x128xf32, #tpu.memory_space<vmem>>, vector<64x128xf32>
    tpu.vector_store %arg5[%swap3A_591, %swap3A_592], %select_n3A_590 {strides = array<i32>} : memref<4096x128xf32, #tpu.memory_space<vmem>>, vector<64x128xf32>,
    %ge3A_594 = arith.constant 0.000000e+00 : f32
    %ge3A_595 = vector.broadcast %ge3A_594 : f32 to vector<64x128xf32>
    %ge3A_596 = arith.cmpf oge, %add3A_583, %ge3A_595 : vector<64x128xf32>
    %mul3A_597 = arith.constant 0.00999999977 : f32
    %mul3A_598 = vector.broadcast %mul3A_597 : f32 to vector<64x128xf32>
    %mul3A_599 = arith.mulf %mul3A_598, %add3A_583 : vector<64x128xf32>
    %select_n3A_600 = arith.select %ge3A_596, %add3A_583, %mul3A_599 : vector<64x128xi1>, vector<64x128xf32>
    %swap3A_601 = arith.constant 1856 : index
    %swap3A_602 = arith.constant 0 : index
    %swap3A_603 = vector.load %arg5[%swap3A_601, %swap3A_602] : memref<4096x128xf32, #tpu.memory_space<vmem>>, vector<64x128xf32>
    tpu.vector_store %arg5[%swap3A_601, %swap3A_602], %select_n3A_600 {strides = array<i32>} : memref<4096x128xf32, #tpu.memory_space<vmem>>, vector<64x128xf32>,
    %get3A_604 = arith.constant 960 : index
    %get3A_605 = arith.constant 0 : index
    %get3A_606 = vector.load %arg1[%get3A_604, %get3A_605] : memref<2048x128xi32, #tpu.memory_space<vmem>>, vector<64x128xi32>
    %shift_left3A_607 = arith.constant 16 : i32
    %shift_left3A_608 = vector.broadcast %shift_left3A_607 : i32 to vector<64x128xi32>
    %shift_left3A_609 = arith.shli %get3A_606, %shift_left3A_608 : vector<64x128xi32>
    %bitcast_convert_type3A_610 = tpu.bitcast %shift_left3A_609 : vector<64x128xi32> -> vector<64x128xf32>
    %and3A_611 = arith.constant -65536 : i32
    %and3A_612 = vector.broadcast %and3A_611 : i32 to vector<64x128xi32>
    %and3A_613 = arith.andi %get3A_606, %and3A_612 : vector<64x128xi32>
    %bitcast_convert_type3A_614 = tpu.bitcast %and3A_613 : vector<64x128xi32> -> vector<64x128xf32>
    %mul3A_615 = vector.broadcast %broadcast_in_dim3A : vector<1x128xf32> to vector<64x128xf32>
    %mul3A_616 = arith.mulf %bitcast_convert_type3A_610, %mul3A_615 : vector<64x128xf32>
    %add3A_617 = vector.broadcast %broadcast_in_dim3A_24 : vector<1x128xf32> to vector<64x128xf32>
    %add3A_618 = arith.addf %mul3A_616, %add3A_617 : vector<64x128xf32>
    %mul3A_619 = vector.broadcast %broadcast_in_dim3A : vector<1x128xf32> to vector<64x128xf32>
    %mul3A_620 = arith.mulf %bitcast_convert_type3A_614, %mul3A_619 : vector<64x128xf32>
    %add3A_621 = vector.broadcast %broadcast_in_dim3A_24 : vector<1x128xf32> to vector<64x128xf32>
    %add3A_622 = arith.addf %mul3A_620, %add3A_621 : vector<64x128xf32>
    %ge3A_623 = arith.constant 0.000000e+00 : f32
    %ge3A_624 = vector.broadcast %ge3A_623 : f32 to vector<64x128xf32>
    %ge3A_625 = arith.cmpf oge, %add3A_618, %ge3A_624 : vector<64x128xf32>
    %mul3A_626 = arith.constant 0.00999999977 : f32
    %mul3A_627 = vector.broadcast %mul3A_626 : f32 to vector<64x128xf32>
    %mul3A_628 = arith.mulf %mul3A_627, %add3A_618 : vector<64x128xf32>
    %select_n3A_629 = arith.select %ge3A_625, %add3A_618, %mul3A_628 : vector<64x128xi1>, vector<64x128xf32>
    %swap3A_630 = arith.constant 1920 : index
    %swap3A_631 = arith.constant 0 : index
    %swap3A_632 = vector.load %arg5[%swap3A_630, %swap3A_631] : memref<4096x128xf32, #tpu.memory_space<vmem>>, vector<64x128xf32>
    tpu.vector_store %arg5[%swap3A_630, %swap3A_631], %select_n3A_629 {strides = array<i32>} : memref<4096x128xf32, #tpu.memory_space<vmem>>, vector<64x128xf32>,
    %ge3A_633 = arith.constant 0.000000e+00 : f32
    %ge3A_634 = vector.broadcast %ge3A_633 : f32 to vector<64x128xf32>
    %ge3A_635 = arith.cmpf oge, %add3A_622, %ge3A_634 : vector<64x128xf32>
    %mul3A_636 = arith.constant 0.00999999977 : f32
    %mul3A_637 = vector.broadcast %mul3A_636 : f32 to vector<64x128xf32>
    %mul3A_638 = arith.mulf %mul3A_637, %add3A_622 : vector<64x128xf32>
    %select_n3A_639 = arith.select %ge3A_635, %add3A_622, %mul3A_638 : vector<64x128xi1>, vector<64x128xf32>
    %swap3A_640 = arith.constant 1984 : index
    %swap3A_641 = arith.constant 0 : index
    %swap3A_642 = vector.load %arg5[%swap3A_640, %swap3A_641] : memref<4096x128xf32, #tpu.memory_space<vmem>>, vector<64x128xf32>
    tpu.vector_store %arg5[%swap3A_640, %swap3A_641], %select_n3A_639 {strides = array<i32>} : memref<4096x128xf32, #tpu.memory_space<vmem>>, vector<64x128xf32>,
    %get3A_643 = arith.constant 1024 : index
    %get3A_644 = arith.constant 0 : index
    %get3A_645 = vector.load %arg1[%get3A_643, %get3A_644] : memref<2048x128xi32, #tpu.memory_space<vmem>>, vector<64x128xi32>
    %shift_left3A_646 = arith.constant 16 : i32
    %shift_left3A_647 = vector.broadcast %shift_left3A_646 : i32 to vector<64x128xi32>
    %shift_left3A_648 = arith.shli %get3A_645, %shift_left3A_647 : vector<64x128xi32>
    %bitcast_convert_type3A_649 = tpu.bitcast %shift_left3A_648 : vector<64x128xi32> -> vector<64x128xf32>
    %and3A_650 = arith.constant -65536 : i32
    %and3A_651 = vector.broadcast %and3A_650 : i32 to vector<64x128xi32>
    %and3A_652 = arith.andi %get3A_645, %and3A_651 : vector<64x128xi32>
    %bitcast_convert_type3A_653 = tpu.bitcast %and3A_652 : vector<64x128xi32> -> vector<64x128xf32>
    %mul3A_654 = vector.broadcast %broadcast_in_dim3A : vector<1x128xf32> to vector<64x128xf32>
    %mul3A_655 = arith.mulf %bitcast_convert_type3A_649, %mul3A_654 : vector<64x128xf32>
    %add3A_656 = vector.broadcast %broadcast_in_dim3A_24 : vector<1x128xf32> to vector<64x128xf32>
    %add3A_657 = arith.addf %mul3A_655, %add3A_656 : vector<64x128xf32>
    %mul3A_658 = vector.broadcast %broadcast_in_dim3A : vector<1x128xf32> to vector<64x128xf32>
    %mul3A_659 = arith.mulf %bitcast_convert_type3A_653, %mul3A_658 : vector<64x128xf32>
    %add3A_660 = vector.broadcast %broadcast_in_dim3A_24 : vector<1x128xf32> to vector<64x128xf32>
    %add3A_661 = arith.addf %mul3A_659, %add3A_660 : vector<64x128xf32>
    %ge3A_662 = arith.constant 0.000000e+00 : f32
    %ge3A_663 = vector.broadcast %ge3A_662 : f32 to vector<64x128xf32>
    %ge3A_664 = arith.cmpf oge, %add3A_657, %ge3A_663 : vector<64x128xf32>
    %mul3A_665 = arith.constant 0.00999999977 : f32
    %mul3A_666 = vector.broadcast %mul3A_665 : f32 to vector<64x128xf32>
    %mul3A_667 = arith.mulf %mul3A_666, %add3A_657 : vector<64x128xf32>
    %select_n3A_668 = arith.select %ge3A_664, %add3A_657, %mul3A_667 : vector<64x128xi1>, vector<64x128xf32>
    %swap3A_669 = arith.constant 2048 : index
    %swap3A_670 = arith.constant 0 : index
    %swap3A_671 = vector.load %arg5[%swap3A_669, %swap3A_670] : memref<4096x128xf32, #tpu.memory_space<vmem>>, vector<64x128xf32>
    tpu.vector_store %arg5[%swap3A_669, %swap3A_670], %select_n3A_668 {strides = array<i32>} : memref<4096x128xf32, #tpu.memory_space<vmem>>, vector<64x128xf32>,
    %ge3A_672 = arith.constant 0.000000e+00 : f32
    %ge3A_673 = vector.broadcast %ge3A_672 : f32 to vector<64x128xf32>
    %ge3A_674 = arith.cmpf oge, %add3A_661, %ge3A_673 : vector<64x128xf32>
    %mul3A_675 = arith.constant 0.00999999977 : f32
    %mul3A_676 = vector.broadcast %mul3A_675 : f32 to vector<64x128xf32>
    %mul3A_677 = arith.mulf %mul3A_676, %add3A_661 : vector<64x128xf32>
    %select_n3A_678 = arith.select %ge3A_674, %add3A_661, %mul3A_677 : vector<64x128xi1>, vector<64x128xf32>
    %swap3A_679 = arith.constant 2112 : index
    %swap3A_680 = arith.constant 0 : index
    %swap3A_681 = vector.load %arg5[%swap3A_679, %swap3A_680] : memref<4096x128xf32, #tpu.memory_space<vmem>>, vector<64x128xf32>
    tpu.vector_store %arg5[%swap3A_679, %swap3A_680], %select_n3A_678 {strides = array<i32>} : memref<4096x128xf32, #tpu.memory_space<vmem>>, vector<64x128xf32>,
    %get3A_682 = arith.constant 1088 : index
    %get3A_683 = arith.constant 0 : index
    %get3A_684 = vector.load %arg1[%get3A_682, %get3A_683] : memref<2048x128xi32, #tpu.memory_space<vmem>>, vector<64x128xi32>
    %shift_left3A_685 = arith.constant 16 : i32
    %shift_left3A_686 = vector.broadcast %shift_left3A_685 : i32 to vector<64x128xi32>
    %shift_left3A_687 = arith.shli %get3A_684, %shift_left3A_686 : vector<64x128xi32>
    %bitcast_convert_type3A_688 = tpu.bitcast %shift_left3A_687 : vector<64x128xi32> -> vector<64x128xf32>
    %and3A_689 = arith.constant -65536 : i32
    %and3A_690 = vector.broadcast %and3A_689 : i32 to vector<64x128xi32>
    %and3A_691 = arith.andi %get3A_684, %and3A_690 : vector<64x128xi32>
    %bitcast_convert_type3A_692 = tpu.bitcast %and3A_691 : vector<64x128xi32> -> vector<64x128xf32>
    %mul3A_693 = vector.broadcast %broadcast_in_dim3A : vector<1x128xf32> to vector<64x128xf32>
    %mul3A_694 = arith.mulf %bitcast_convert_type3A_688, %mul3A_693 : vector<64x128xf32>
    %add3A_695 = vector.broadcast %broadcast_in_dim3A_24 : vector<1x128xf32> to vector<64x128xf32>
    %add3A_696 = arith.addf %mul3A_694, %add3A_695 : vector<64x128xf32>
    %mul3A_697 = vector.broadcast %broadcast_in_dim3A : vector<1x128xf32> to vector<64x128xf32>
    %mul3A_698 = arith.mulf %bitcast_convert_type3A_692, %mul3A_697 : vector<64x128xf32>
    %add3A_699 = vector.broadcast %broadcast_in_dim3A_24 : vector<1x128xf32> to vector<64x128xf32>
    %add3A_700 = arith.addf %mul3A_698, %add3A_699 : vector<64x128xf32>
    %ge3A_701 = arith.constant 0.000000e+00 : f32
    %ge3A_702 = vector.broadcast %ge3A_701 : f32 to vector<64x128xf32>
    %ge3A_703 = arith.cmpf oge, %add3A_696, %ge3A_702 : vector<64x128xf32>
    %mul3A_704 = arith.constant 0.00999999977 : f32
    %mul3A_705 = vector.broadcast %mul3A_704 : f32 to vector<64x128xf32>
    %mul3A_706 = arith.mulf %mul3A_705, %add3A_696 : vector<64x128xf32>
    %select_n3A_707 = arith.select %ge3A_703, %add3A_696, %mul3A_706 : vector<64x128xi1>, vector<64x128xf32>
    %swap3A_708 = arith.constant 2176 : index
    %swap3A_709 = arith.constant 0 : index
    %swap3A_710 = vector.load %arg5[%swap3A_708, %swap3A_709] : memref<4096x128xf32, #tpu.memory_space<vmem>>, vector<64x128xf32>
    tpu.vector_store %arg5[%swap3A_708, %swap3A_709], %select_n3A_707 {strides = array<i32>} : memref<4096x128xf32, #tpu.memory_space<vmem>>, vector<64x128xf32>,
    %ge3A_711 = arith.constant 0.000000e+00 : f32
    %ge3A_712 = vector.broadcast %ge3A_711 : f32 to vector<64x128xf32>
    %ge3A_713 = arith.cmpf oge, %add3A_700, %ge3A_712 : vector<64x128xf32>
    %mul3A_714 = arith.constant 0.00999999977 : f32
    %mul3A_715 = vector.broadcast %mul3A_714 : f32 to vector<64x128xf32>
    %mul3A_716 = arith.mulf %mul3A_715, %add3A_700 : vector<64x128xf32>
    %select_n3A_717 = arith.select %ge3A_713, %add3A_700, %mul3A_716 : vector<64x128xi1>, vector<64x128xf32>
    %swap3A_718 = arith.constant 2240 : index
    %swap3A_719 = arith.constant 0 : index
    %swap3A_720 = vector.load %arg5[%swap3A_718, %swap3A_719] : memref<4096x128xf32, #tpu.memory_space<vmem>>, vector<64x128xf32>
    tpu.vector_store %arg5[%swap3A_718, %swap3A_719], %select_n3A_717 {strides = array<i32>} : memref<4096x128xf32, #tpu.memory_space<vmem>>, vector<64x128xf32>,
    %get3A_721 = arith.constant 1152 : index
    %get3A_722 = arith.constant 0 : index
    %get3A_723 = vector.load %arg1[%get3A_721, %get3A_722] : memref<2048x128xi32, #tpu.memory_space<vmem>>, vector<64x128xi32>
    %shift_left3A_724 = arith.constant 16 : i32
    %shift_left3A_725 = vector.broadcast %shift_left3A_724 : i32 to vector<64x128xi32>
    %shift_left3A_726 = arith.shli %get3A_723, %shift_left3A_725 : vector<64x128xi32>
    %bitcast_convert_type3A_727 = tpu.bitcast %shift_left3A_726 : vector<64x128xi32> -> vector<64x128xf32>
    %and3A_728 = arith.constant -65536 : i32
    %and3A_729 = vector.broadcast %and3A_728 : i32 to vector<64x128xi32>
    %and3A_730 = arith.andi %get3A_723, %and3A_729 : vector<64x128xi32>
    %bitcast_convert_type3A_731 = tpu.bitcast %and3A_730 : vector<64x128xi32> -> vector<64x128xf32>
    %mul3A_732 = vector.broadcast %broadcast_in_dim3A : vector<1x128xf32> to vector<64x128xf32>
    %mul3A_733 = arith.mulf %bitcast_convert_type3A_727, %mul3A_732 : vector<64x128xf32>
    %add3A_734 = vector.broadcast %broadcast_in_dim3A_24 : vector<1x128xf32> to vector<64x128xf32>
    %add3A_735 = arith.addf %mul3A_733, %add3A_734 : vector<64x128xf32>
    %mul3A_736 = vector.broadcast %broadcast_in_dim3A : vector<1x128xf32> to vector<64x128xf32>
    %mul3A_737 = arith.mulf %bitcast_convert_type3A_731, %mul3A_736 : vector<64x128xf32>
    %add3A_738 = vector.broadcast %broadcast_in_dim3A_24 : vector<1x128xf32> to vector<64x128xf32>
    %add3A_739 = arith.addf %mul3A_737, %add3A_738 : vector<64x128xf32>
    %ge3A_740 = arith.constant 0.000000e+00 : f32
    %ge3A_741 = vector.broadcast %ge3A_740 : f32 to vector<64x128xf32>
    %ge3A_742 = arith.cmpf oge, %add3A_735, %ge3A_741 : vector<64x128xf32>
    %mul3A_743 = arith.constant 0.00999999977 : f32
    %mul3A_744 = vector.broadcast %mul3A_743 : f32 to vector<64x128xf32>
    %mul3A_745 = arith.mulf %mul3A_744, %add3A_735 : vector<64x128xf32>
    %select_n3A_746 = arith.select %ge3A_742, %add3A_735, %mul3A_745 : vector<64x128xi1>, vector<64x128xf32>
    %swap3A_747 = arith.constant 2304 : index
    %swap3A_748 = arith.constant 0 : index
    %swap3A_749 = vector.load %arg5[%swap3A_747, %swap3A_748] : memref<4096x128xf32, #tpu.memory_space<vmem>>, vector<64x128xf32>
    tpu.vector_store %arg5[%swap3A_747, %swap3A_748], %select_n3A_746 {strides = array<i32>} : memref<4096x128xf32, #tpu.memory_space<vmem>>, vector<64x128xf32>,
    %ge3A_750 = arith.constant 0.000000e+00 : f32
    %ge3A_751 = vector.broadcast %ge3A_750 : f32 to vector<64x128xf32>
    %ge3A_752 = arith.cmpf oge, %add3A_739, %ge3A_751 : vector<64x128xf32>
    %mul3A_753 = arith.constant 0.00999999977 : f32
    %mul3A_754 = vector.broadcast %mul3A_753 : f32 to vector<64x128xf32>
    %mul3A_755 = arith.mulf %mul3A_754, %add3A_739 : vector<64x128xf32>
    %select_n3A_756 = arith.select %ge3A_752, %add3A_739, %mul3A_755 : vector<64x128xi1>, vector<64x128xf32>
    %swap3A_757 = arith.constant 2368 : index
    %swap3A_758 = arith.constant 0 : index
    %swap3A_759 = vector.load %arg5[%swap3A_757, %swap3A_758] : memref<4096x128xf32, #tpu.memory_space<vmem>>, vector<64x128xf32>
    tpu.vector_store %arg5[%swap3A_757, %swap3A_758], %select_n3A_756 {strides = array<i32>} : memref<4096x128xf32, #tpu.memory_space<vmem>>, vector<64x128xf32>,
    %get3A_760 = arith.constant 1216 : index
    %get3A_761 = arith.constant 0 : index
    %get3A_762 = vector.load %arg1[%get3A_760, %get3A_761] : memref<2048x128xi32, #tpu.memory_space<vmem>>, vector<64x128xi32>
    %shift_left3A_763 = arith.constant 16 : i32
    %shift_left3A_764 = vector.broadcast %shift_left3A_763 : i32 to vector<64x128xi32>
    %shift_left3A_765 = arith.shli %get3A_762, %shift_left3A_764 : vector<64x128xi32>
    %bitcast_convert_type3A_766 = tpu.bitcast %shift_left3A_765 : vector<64x128xi32> -> vector<64x128xf32>
    %and3A_767 = arith.constant -65536 : i32
    %and3A_768 = vector.broadcast %and3A_767 : i32 to vector<64x128xi32>
    %and3A_769 = arith.andi %get3A_762, %and3A_768 : vector<64x128xi32>
    %bitcast_convert_type3A_770 = tpu.bitcast %and3A_769 : vector<64x128xi32> -> vector<64x128xf32>
    %mul3A_771 = vector.broadcast %broadcast_in_dim3A : vector<1x128xf32> to vector<64x128xf32>
    %mul3A_772 = arith.mulf %bitcast_convert_type3A_766, %mul3A_771 : vector<64x128xf32>
    %add3A_773 = vector.broadcast %broadcast_in_dim3A_24 : vector<1x128xf32> to vector<64x128xf32>
    %add3A_774 = arith.addf %mul3A_772, %add3A_773 : vector<64x128xf32>
    %mul3A_775 = vector.broadcast %broadcast_in_dim3A : vector<1x128xf32> to vector<64x128xf32>
    %mul3A_776 = arith.mulf %bitcast_convert_type3A_770, %mul3A_775 : vector<64x128xf32>
    %add3A_777 = vector.broadcast %broadcast_in_dim3A_24 : vector<1x128xf32> to vector<64x128xf32>
    %add3A_778 = arith.addf %mul3A_776, %add3A_777 : vector<64x128xf32>
    %ge3A_779 = arith.constant 0.000000e+00 : f32
    %ge3A_780 = vector.broadcast %ge3A_779 : f32 to vector<64x128xf32>
    %ge3A_781 = arith.cmpf oge, %add3A_774, %ge3A_780 : vector<64x128xf32>
    %mul3A_782 = arith.constant 0.00999999977 : f32
    %mul3A_783 = vector.broadcast %mul3A_782 : f32 to vector<64x128xf32>
    %mul3A_784 = arith.mulf %mul3A_783, %add3A_774 : vector<64x128xf32>
    %select_n3A_785 = arith.select %ge3A_781, %add3A_774, %mul3A_784 : vector<64x128xi1>, vector<64x128xf32>
    %swap3A_786 = arith.constant 2432 : index
    %swap3A_787 = arith.constant 0 : index
    %swap3A_788 = vector.load %arg5[%swap3A_786, %swap3A_787] : memref<4096x128xf32, #tpu.memory_space<vmem>>, vector<64x128xf32>
    tpu.vector_store %arg5[%swap3A_786, %swap3A_787], %select_n3A_785 {strides = array<i32>} : memref<4096x128xf32, #tpu.memory_space<vmem>>, vector<64x128xf32>,
    %ge3A_789 = arith.constant 0.000000e+00 : f32
    %ge3A_790 = vector.broadcast %ge3A_789 : f32 to vector<64x128xf32>
    %ge3A_791 = arith.cmpf oge, %add3A_778, %ge3A_790 : vector<64x128xf32>
    %mul3A_792 = arith.constant 0.00999999977 : f32
    %mul3A_793 = vector.broadcast %mul3A_792 : f32 to vector<64x128xf32>
    %mul3A_794 = arith.mulf %mul3A_793, %add3A_778 : vector<64x128xf32>
    %select_n3A_795 = arith.select %ge3A_791, %add3A_778, %mul3A_794 : vector<64x128xi1>, vector<64x128xf32>
    %swap3A_796 = arith.constant 2496 : index
    %swap3A_797 = arith.constant 0 : index
    %swap3A_798 = vector.load %arg5[%swap3A_796, %swap3A_797] : memref<4096x128xf32, #tpu.memory_space<vmem>>, vector<64x128xf32>
    tpu.vector_store %arg5[%swap3A_796, %swap3A_797], %select_n3A_795 {strides = array<i32>} : memref<4096x128xf32, #tpu.memory_space<vmem>>, vector<64x128xf32>,
    %get3A_799 = arith.constant 1280 : index
    %get3A_800 = arith.constant 0 : index
    %get3A_801 = vector.load %arg1[%get3A_799, %get3A_800] : memref<2048x128xi32, #tpu.memory_space<vmem>>, vector<64x128xi32>
    %shift_left3A_802 = arith.constant 16 : i32
    %shift_left3A_803 = vector.broadcast %shift_left3A_802 : i32 to vector<64x128xi32>
    %shift_left3A_804 = arith.shli %get3A_801, %shift_left3A_803 : vector<64x128xi32>
    %bitcast_convert_type3A_805 = tpu.bitcast %shift_left3A_804 : vector<64x128xi32> -> vector<64x128xf32>
    %and3A_806 = arith.constant -65536 : i32
    %and3A_807 = vector.broadcast %and3A_806 : i32 to vector<64x128xi32>
    %and3A_808 = arith.andi %get3A_801, %and3A_807 : vector<64x128xi32>
    %bitcast_convert_type3A_809 = tpu.bitcast %and3A_808 : vector<64x128xi32> -> vector<64x128xf32>
    %mul3A_810 = vector.broadcast %broadcast_in_dim3A : vector<1x128xf32> to vector<64x128xf32>
    %mul3A_811 = arith.mulf %bitcast_convert_type3A_805, %mul3A_810 : vector<64x128xf32>
    %add3A_812 = vector.broadcast %broadcast_in_dim3A_24 : vector<1x128xf32> to vector<64x128xf32>
    %add3A_813 = arith.addf %mul3A_811, %add3A_812 : vector<64x128xf32>
    %mul3A_814 = vector.broadcast %broadcast_in_dim3A : vector<1x128xf32> to vector<64x128xf32>
    %mul3A_815 = arith.mulf %bitcast_convert_type3A_809, %mul3A_814 : vector<64x128xf32>
    %add3A_816 = vector.broadcast %broadcast_in_dim3A_24 : vector<1x128xf32> to vector<64x128xf32>
    %add3A_817 = arith.addf %mul3A_815, %add3A_816 : vector<64x128xf32>
    %ge3A_818 = arith.constant 0.000000e+00 : f32
    %ge3A_819 = vector.broadcast %ge3A_818 : f32 to vector<64x128xf32>
    %ge3A_820 = arith.cmpf oge, %add3A_813, %ge3A_819 : vector<64x128xf32>
    %mul3A_821 = arith.constant 0.00999999977 : f32
    %mul3A_822 = vector.broadcast %mul3A_821 : f32 to vector<64x128xf32>
    %mul3A_823 = arith.mulf %mul3A_822, %add3A_813 : vector<64x128xf32>
    %select_n3A_824 = arith.select %ge3A_820, %add3A_813, %mul3A_823 : vector<64x128xi1>, vector<64x128xf32>
    %swap3A_825 = arith.constant 2560 : index
    %swap3A_826 = arith.constant 0 : index
    %swap3A_827 = vector.load %arg5[%swap3A_825, %swap3A_826] : memref<4096x128xf32, #tpu.memory_space<vmem>>, vector<64x128xf32>
    tpu.vector_store %arg5[%swap3A_825, %swap3A_826], %select_n3A_824 {strides = array<i32>} : memref<4096x128xf32, #tpu.memory_space<vmem>>, vector<64x128xf32>,
    %ge3A_828 = arith.constant 0.000000e+00 : f32
    %ge3A_829 = vector.broadcast %ge3A_828 : f32 to vector<64x128xf32>
    %ge3A_830 = arith.cmpf oge, %add3A_817, %ge3A_829 : vector<64x128xf32>
    %mul3A_831 = arith.constant 0.00999999977 : f32
    %mul3A_832 = vector.broadcast %mul3A_831 : f32 to vector<64x128xf32>
    %mul3A_833 = arith.mulf %mul3A_832, %add3A_817 : vector<64x128xf32>
    %select_n3A_834 = arith.select %ge3A_830, %add3A_817, %mul3A_833 : vector<64x128xi1>, vector<64x128xf32>
    %swap3A_835 = arith.constant 2624 : index
    %swap3A_836 = arith.constant 0 : index
    %swap3A_837 = vector.load %arg5[%swap3A_835, %swap3A_836] : memref<4096x128xf32, #tpu.memory_space<vmem>>, vector<64x128xf32>
    tpu.vector_store %arg5[%swap3A_835, %swap3A_836], %select_n3A_834 {strides = array<i32>} : memref<4096x128xf32, #tpu.memory_space<vmem>>, vector<64x128xf32>,
    %get3A_838 = arith.constant 1344 : index
    %get3A_839 = arith.constant 0 : index
    %get3A_840 = vector.load %arg1[%get3A_838, %get3A_839] : memref<2048x128xi32, #tpu.memory_space<vmem>>, vector<64x128xi32>
    %shift_left3A_841 = arith.constant 16 : i32
    %shift_left3A_842 = vector.broadcast %shift_left3A_841 : i32 to vector<64x128xi32>
    %shift_left3A_843 = arith.shli %get3A_840, %shift_left3A_842 : vector<64x128xi32>
    %bitcast_convert_type3A_844 = tpu.bitcast %shift_left3A_843 : vector<64x128xi32> -> vector<64x128xf32>
    %and3A_845 = arith.constant -65536 : i32
    %and3A_846 = vector.broadcast %and3A_845 : i32 to vector<64x128xi32>
    %and3A_847 = arith.andi %get3A_840, %and3A_846 : vector<64x128xi32>
    %bitcast_convert_type3A_848 = tpu.bitcast %and3A_847 : vector<64x128xi32> -> vector<64x128xf32>
    %mul3A_849 = vector.broadcast %broadcast_in_dim3A : vector<1x128xf32> to vector<64x128xf32>
    %mul3A_850 = arith.mulf %bitcast_convert_type3A_844, %mul3A_849 : vector<64x128xf32>
    %add3A_851 = vector.broadcast %broadcast_in_dim3A_24 : vector<1x128xf32> to vector<64x128xf32>
    %add3A_852 = arith.addf %mul3A_850, %add3A_851 : vector<64x128xf32>
    %mul3A_853 = vector.broadcast %broadcast_in_dim3A : vector<1x128xf32> to vector<64x128xf32>
    %mul3A_854 = arith.mulf %bitcast_convert_type3A_848, %mul3A_853 : vector<64x128xf32>
    %add3A_855 = vector.broadcast %broadcast_in_dim3A_24 : vector<1x128xf32> to vector<64x128xf32>
    %add3A_856 = arith.addf %mul3A_854, %add3A_855 : vector<64x128xf32>
    %ge3A_857 = arith.constant 0.000000e+00 : f32
    %ge3A_858 = vector.broadcast %ge3A_857 : f32 to vector<64x128xf32>
    %ge3A_859 = arith.cmpf oge, %add3A_852, %ge3A_858 : vector<64x128xf32>
    %mul3A_860 = arith.constant 0.00999999977 : f32
    %mul3A_861 = vector.broadcast %mul3A_860 : f32 to vector<64x128xf32>
    %mul3A_862 = arith.mulf %mul3A_861, %add3A_852 : vector<64x128xf32>
    %select_n3A_863 = arith.select %ge3A_859, %add3A_852, %mul3A_862 : vector<64x128xi1>, vector<64x128xf32>
    %swap3A_864 = arith.constant 2688 : index
    %swap3A_865 = arith.constant 0 : index
    %swap3A_866 = vector.load %arg5[%swap3A_864, %swap3A_865] : memref<4096x128xf32, #tpu.memory_space<vmem>>, vector<64x128xf32>
    tpu.vector_store %arg5[%swap3A_864, %swap3A_865], %select_n3A_863 {strides = array<i32>} : memref<4096x128xf32, #tpu.memory_space<vmem>>, vector<64x128xf32>,
    %ge3A_867 = arith.constant 0.000000e+00 : f32
    %ge3A_868 = vector.broadcast %ge3A_867 : f32 to vector<64x128xf32>
    %ge3A_869 = arith.cmpf oge, %add3A_856, %ge3A_868 : vector<64x128xf32>
    %mul3A_870 = arith.constant 0.00999999977 : f32
    %mul3A_871 = vector.broadcast %mul3A_870 : f32 to vector<64x128xf32>
    %mul3A_872 = arith.mulf %mul3A_871, %add3A_856 : vector<64x128xf32>
    %select_n3A_873 = arith.select %ge3A_869, %add3A_856, %mul3A_872 : vector<64x128xi1>, vector<64x128xf32>
    %swap3A_874 = arith.constant 2752 : index
    %swap3A_875 = arith.constant 0 : index
    %swap3A_876 = vector.load %arg5[%swap3A_874, %swap3A_875] : memref<4096x128xf32, #tpu.memory_space<vmem>>, vector<64x128xf32>
    tpu.vector_store %arg5[%swap3A_874, %swap3A_875], %select_n3A_873 {strides = array<i32>} : memref<4096x128xf32, #tpu.memory_space<vmem>>, vector<64x128xf32>,
    %get3A_877 = arith.constant 1408 : index
    %get3A_878 = arith.constant 0 : index
    %get3A_879 = vector.load %arg1[%get3A_877, %get3A_878] : memref<2048x128xi32, #tpu.memory_space<vmem>>, vector<64x128xi32>
    %shift_left3A_880 = arith.constant 16 : i32
    %shift_left3A_881 = vector.broadcast %shift_left3A_880 : i32 to vector<64x128xi32>
    %shift_left3A_882 = arith.shli %get3A_879, %shift_left3A_881 : vector<64x128xi32>
    %bitcast_convert_type3A_883 = tpu.bitcast %shift_left3A_882 : vector<64x128xi32> -> vector<64x128xf32>
    %and3A_884 = arith.constant -65536 : i32
    %and3A_885 = vector.broadcast %and3A_884 : i32 to vector<64x128xi32>
    %and3A_886 = arith.andi %get3A_879, %and3A_885 : vector<64x128xi32>
    %bitcast_convert_type3A_887 = tpu.bitcast %and3A_886 : vector<64x128xi32> -> vector<64x128xf32>
    %mul3A_888 = vector.broadcast %broadcast_in_dim3A : vector<1x128xf32> to vector<64x128xf32>
    %mul3A_889 = arith.mulf %bitcast_convert_type3A_883, %mul3A_888 : vector<64x128xf32>
    %add3A_890 = vector.broadcast %broadcast_in_dim3A_24 : vector<1x128xf32> to vector<64x128xf32>
    %add3A_891 = arith.addf %mul3A_889, %add3A_890 : vector<64x128xf32>
    %mul3A_892 = vector.broadcast %broadcast_in_dim3A : vector<1x128xf32> to vector<64x128xf32>
    %mul3A_893 = arith.mulf %bitcast_convert_type3A_887, %mul3A_892 : vector<64x128xf32>
    %add3A_894 = vector.broadcast %broadcast_in_dim3A_24 : vector<1x128xf32> to vector<64x128xf32>
    %add3A_895 = arith.addf %mul3A_893, %add3A_894 : vector<64x128xf32>
    %ge3A_896 = arith.constant 0.000000e+00 : f32
    %ge3A_897 = vector.broadcast %ge3A_896 : f32 to vector<64x128xf32>
    %ge3A_898 = arith.cmpf oge, %add3A_891, %ge3A_897 : vector<64x128xf32>
    %mul3A_899 = arith.constant 0.00999999977 : f32
    %mul3A_900 = vector.broadcast %mul3A_899 : f32 to vector<64x128xf32>
    %mul3A_901 = arith.mulf %mul3A_900, %add3A_891 : vector<64x128xf32>
    %select_n3A_902 = arith.select %ge3A_898, %add3A_891, %mul3A_901 : vector<64x128xi1>, vector<64x128xf32>
    %swap3A_903 = arith.constant 2816 : index
    %swap3A_904 = arith.constant 0 : index
    %swap3A_905 = vector.load %arg5[%swap3A_903, %swap3A_904] : memref<4096x128xf32, #tpu.memory_space<vmem>>, vector<64x128xf32>
    tpu.vector_store %arg5[%swap3A_903, %swap3A_904], %select_n3A_902 {strides = array<i32>} : memref<4096x128xf32, #tpu.memory_space<vmem>>, vector<64x128xf32>,
    %ge3A_906 = arith.constant 0.000000e+00 : f32
    %ge3A_907 = vector.broadcast %ge3A_906 : f32 to vector<64x128xf32>
    %ge3A_908 = arith.cmpf oge, %add3A_895, %ge3A_907 : vector<64x128xf32>
    %mul3A_909 = arith.constant 0.00999999977 : f32
    %mul3A_910 = vector.broadcast %mul3A_909 : f32 to vector<64x128xf32>
    %mul3A_911 = arith.mulf %mul3A_910, %add3A_895 : vector<64x128xf32>
    %select_n3A_912 = arith.select %ge3A_908, %add3A_895, %mul3A_911 : vector<64x128xi1>, vector<64x128xf32>
    %swap3A_913 = arith.constant 2880 : index
    %swap3A_914 = arith.constant 0 : index
    %swap3A_915 = vector.load %arg5[%swap3A_913, %swap3A_914] : memref<4096x128xf32, #tpu.memory_space<vmem>>, vector<64x128xf32>
    tpu.vector_store %arg5[%swap3A_913, %swap3A_914], %select_n3A_912 {strides = array<i32>} : memref<4096x128xf32, #tpu.memory_space<vmem>>, vector<64x128xf32>,
    %get3A_916 = arith.constant 1472 : index
    %get3A_917 = arith.constant 0 : index
    %get3A_918 = vector.load %arg1[%get3A_916, %get3A_917] : memref<2048x128xi32, #tpu.memory_space<vmem>>, vector<64x128xi32>
    %shift_left3A_919 = arith.constant 16 : i32
    %shift_left3A_920 = vector.broadcast %shift_left3A_919 : i32 to vector<64x128xi32>
    %shift_left3A_921 = arith.shli %get3A_918, %shift_left3A_920 : vector<64x128xi32>
    %bitcast_convert_type3A_922 = tpu.bitcast %shift_left3A_921 : vector<64x128xi32> -> vector<64x128xf32>
    %and3A_923 = arith.constant -65536 : i32
    %and3A_924 = vector.broadcast %and3A_923 : i32 to vector<64x128xi32>
    %and3A_925 = arith.andi %get3A_918, %and3A_924 : vector<64x128xi32>
    %bitcast_convert_type3A_926 = tpu.bitcast %and3A_925 : vector<64x128xi32> -> vector<64x128xf32>
    %mul3A_927 = vector.broadcast %broadcast_in_dim3A : vector<1x128xf32> to vector<64x128xf32>
    %mul3A_928 = arith.mulf %bitcast_convert_type3A_922, %mul3A_927 : vector<64x128xf32>
    %add3A_929 = vector.broadcast %broadcast_in_dim3A_24 : vector<1x128xf32> to vector<64x128xf32>
    %add3A_930 = arith.addf %mul3A_928, %add3A_929 : vector<64x128xf32>
    %mul3A_931 = vector.broadcast %broadcast_in_dim3A : vector<1x128xf32> to vector<64x128xf32>
    %mul3A_932 = arith.mulf %bitcast_convert_type3A_926, %mul3A_931 : vector<64x128xf32>
    %add3A_933 = vector.broadcast %broadcast_in_dim3A_24 : vector<1x128xf32> to vector<64x128xf32>
    %add3A_934 = arith.addf %mul3A_932, %add3A_933 : vector<64x128xf32>
    %ge3A_935 = arith.constant 0.000000e+00 : f32
    %ge3A_936 = vector.broadcast %ge3A_935 : f32 to vector<64x128xf32>
    %ge3A_937 = arith.cmpf oge, %add3A_930, %ge3A_936 : vector<64x128xf32>
    %mul3A_938 = arith.constant 0.00999999977 : f32
    %mul3A_939 = vector.broadcast %mul3A_938 : f32 to vector<64x128xf32>
    %mul3A_940 = arith.mulf %mul3A_939, %add3A_930 : vector<64x128xf32>
    %select_n3A_941 = arith.select %ge3A_937, %add3A_930, %mul3A_940 : vector<64x128xi1>, vector<64x128xf32>
    %swap3A_942 = arith.constant 2944 : index
    %swap3A_943 = arith.constant 0 : index
    %swap3A_944 = vector.load %arg5[%swap3A_942, %swap3A_943] : memref<4096x128xf32, #tpu.memory_space<vmem>>, vector<64x128xf32>
    tpu.vector_store %arg5[%swap3A_942, %swap3A_943], %select_n3A_941 {strides = array<i32>} : memref<4096x128xf32, #tpu.memory_space<vmem>>, vector<64x128xf32>,
    %ge3A_945 = arith.constant 0.000000e+00 : f32
    %ge3A_946 = vector.broadcast %ge3A_945 : f32 to vector<64x128xf32>
    %ge3A_947 = arith.cmpf oge, %add3A_934, %ge3A_946 : vector<64x128xf32>
    %mul3A_948 = arith.constant 0.00999999977 : f32
    %mul3A_949 = vector.broadcast %mul3A_948 : f32 to vector<64x128xf32>
    %mul3A_950 = arith.mulf %mul3A_949, %add3A_934 : vector<64x128xf32>
    %select_n3A_951 = arith.select %ge3A_947, %add3A_934, %mul3A_950 : vector<64x128xi1>, vector<64x128xf32>
    %swap3A_952 = arith.constant 3008 : index
    %swap3A_953 = arith.constant 0 : index
    %swap3A_954 = vector.load %arg5[%swap3A_952, %swap3A_953] : memref<4096x128xf32, #tpu.memory_space<vmem>>, vector<64x128xf32>
    tpu.vector_store %arg5[%swap3A_952, %swap3A_953], %select_n3A_951 {strides = array<i32>} : memref<4096x128xf32, #tpu.memory_space<vmem>>, vector<64x128xf32>,
    %get3A_955 = arith.constant 1536 : index
    %get3A_956 = arith.constant 0 : index
    %get3A_957 = vector.load %arg1[%get3A_955, %get3A_956] : memref<2048x128xi32, #tpu.memory_space<vmem>>, vector<64x128xi32>
    %shift_left3A_958 = arith.constant 16 : i32
    %shift_left3A_959 = vector.broadcast %shift_left3A_958 : i32 to vector<64x128xi32>
    %shift_left3A_960 = arith.shli %get3A_957, %shift_left3A_959 : vector<64x128xi32>
    %bitcast_convert_type3A_961 = tpu.bitcast %shift_left3A_960 : vector<64x128xi32> -> vector<64x128xf32>
    %and3A_962 = arith.constant -65536 : i32
    %and3A_963 = vector.broadcast %and3A_962 : i32 to vector<64x128xi32>
    %and3A_964 = arith.andi %get3A_957, %and3A_963 : vector<64x128xi32>
    %bitcast_convert_type3A_965 = tpu.bitcast %and3A_964 : vector<64x128xi32> -> vector<64x128xf32>
    %mul3A_966 = vector.broadcast %broadcast_in_dim3A : vector<1x128xf32> to vector<64x128xf32>
    %mul3A_967 = arith.mulf %bitcast_convert_type3A_961, %mul3A_966 : vector<64x128xf32>
    %add3A_968 = vector.broadcast %broadcast_in_dim3A_24 : vector<1x128xf32> to vector<64x128xf32>
    %add3A_969 = arith.addf %mul3A_967, %add3A_968 : vector<64x128xf32>
    %mul3A_970 = vector.broadcast %broadcast_in_dim3A : vector<1x128xf32> to vector<64x128xf32>
    %mul3A_971 = arith.mulf %bitcast_convert_type3A_965, %mul3A_970 : vector<64x128xf32>
    %add3A_972 = vector.broadcast %broadcast_in_dim3A_24 : vector<1x128xf32> to vector<64x128xf32>
    %add3A_973 = arith.addf %mul3A_971, %add3A_972 : vector<64x128xf32>
    %ge3A_974 = arith.constant 0.000000e+00 : f32
    %ge3A_975 = vector.broadcast %ge3A_974 : f32 to vector<64x128xf32>
    %ge3A_976 = arith.cmpf oge, %add3A_969, %ge3A_975 : vector<64x128xf32>
    %mul3A_977 = arith.constant 0.00999999977 : f32
    %mul3A_978 = vector.broadcast %mul3A_977 : f32 to vector<64x128xf32>
    %mul3A_979 = arith.mulf %mul3A_978, %add3A_969 : vector<64x128xf32>
    %select_n3A_980 = arith.select %ge3A_976, %add3A_969, %mul3A_979 : vector<64x128xi1>, vector<64x128xf32>
    %swap3A_981 = arith.constant 3072 : index
    %swap3A_982 = arith.constant 0 : index
    %swap3A_983 = vector.load %arg5[%swap3A_981, %swap3A_982] : memref<4096x128xf32, #tpu.memory_space<vmem>>, vector<64x128xf32>
    tpu.vector_store %arg5[%swap3A_981, %swap3A_982], %select_n3A_980 {strides = array<i32>} : memref<4096x128xf32, #tpu.memory_space<vmem>>, vector<64x128xf32>,
    %ge3A_984 = arith.constant 0.000000e+00 : f32
    %ge3A_985 = vector.broadcast %ge3A_984 : f32 to vector<64x128xf32>
    %ge3A_986 = arith.cmpf oge, %add3A_973, %ge3A_985 : vector<64x128xf32>
    %mul3A_987 = arith.constant 0.00999999977 : f32
    %mul3A_988 = vector.broadcast %mul3A_987 : f32 to vector<64x128xf32>
    %mul3A_989 = arith.mulf %mul3A_988, %add3A_973 : vector<64x128xf32>
    %select_n3A_990 = arith.select %ge3A_986, %add3A_973, %mul3A_989 : vector<64x128xi1>, vector<64x128xf32>
    %swap3A_991 = arith.constant 3136 : index
    %swap3A_992 = arith.constant 0 : index
    %swap3A_993 = vector.load %arg5[%swap3A_991, %swap3A_992] : memref<4096x128xf32, #tpu.memory_space<vmem>>, vector<64x128xf32>
    tpu.vector_store %arg5[%swap3A_991, %swap3A_992], %select_n3A_990 {strides = array<i32>} : memref<4096x128xf32, #tpu.memory_space<vmem>>, vector<64x128xf32>,
    %get3A_994 = arith.constant 1600 : index
    %get3A_995 = arith.constant 0 : index
    %get3A_996 = vector.load %arg1[%get3A_994, %get3A_995] : memref<2048x128xi32, #tpu.memory_space<vmem>>, vector<64x128xi32>
    %shift_left3A_997 = arith.constant 16 : i32
    %shift_left3A_998 = vector.broadcast %shift_left3A_997 : i32 to vector<64x128xi32>
    %shift_left3A_999 = arith.shli %get3A_996, %shift_left3A_998 : vector<64x128xi32>
    %bitcast_convert_type3A_1000 = tpu.bitcast %shift_left3A_999 : vector<64x128xi32> -> vector<64x128xf32>
    %and3A_1001 = arith.constant -65536 : i32
    %and3A_1002 = vector.broadcast %and3A_1001 : i32 to vector<64x128xi32>
    %and3A_1003 = arith.andi %get3A_996, %and3A_1002 : vector<64x128xi32>
    %bitcast_convert_type3A_1004 = tpu.bitcast %and3A_1003 : vector<64x128xi32> -> vector<64x128xf32>
    %mul3A_1005 = vector.broadcast %broadcast_in_dim3A : vector<1x128xf32> to vector<64x128xf32>
    %mul3A_1006 = arith.mulf %bitcast_convert_type3A_1000, %mul3A_1005 : vector<64x128xf32>
    %add3A_1007 = vector.broadcast %broadcast_in_dim3A_24 : vector<1x128xf32> to vector<64x128xf32>
    %add3A_1008 = arith.addf %mul3A_1006, %add3A_1007 : vector<64x128xf32>
    %mul3A_1009 = vector.broadcast %broadcast_in_dim3A : vector<1x128xf32> to vector<64x128xf32>
    %mul3A_1010 = arith.mulf %bitcast_convert_type3A_1004, %mul3A_1009 : vector<64x128xf32>
    %add3A_1011 = vector.broadcast %broadcast_in_dim3A_24 : vector<1x128xf32> to vector<64x128xf32>
    %add3A_1012 = arith.addf %mul3A_1010, %add3A_1011 : vector<64x128xf32>
    %ge3A_1013 = arith.constant 0.000000e+00 : f32
    %ge3A_1014 = vector.broadcast %ge3A_1013 : f32 to vector<64x128xf32>
    %ge3A_1015 = arith.cmpf oge, %add3A_1008, %ge3A_1014 : vector<64x128xf32>
    %mul3A_1016 = arith.constant 0.00999999977 : f32
    %mul3A_1017 = vector.broadcast %mul3A_1016 : f32 to vector<64x128xf32>
    %mul3A_1018 = arith.mulf %mul3A_1017, %add3A_1008 : vector<64x128xf32>
    %select_n3A_1019 = arith.select %ge3A_1015, %add3A_1008, %mul3A_1018 : vector<64x128xi1>, vector<64x128xf32>
    %swap3A_1020 = arith.constant 3200 : index
    %swap3A_1021 = arith.constant 0 : index
    %swap3A_1022 = vector.load %arg5[%swap3A_1020, %swap3A_1021] : memref<4096x128xf32, #tpu.memory_space<vmem>>, vector<64x128xf32>
    tpu.vector_store %arg5[%swap3A_1020, %swap3A_1021], %select_n3A_1019 {strides = array<i32>} : memref<4096x128xf32, #tpu.memory_space<vmem>>, vector<64x128xf32>,
    %ge3A_1023 = arith.constant 0.000000e+00 : f32
    %ge3A_1024 = vector.broadcast %ge3A_1023 : f32 to vector<64x128xf32>
    %ge3A_1025 = arith.cmpf oge, %add3A_1012, %ge3A_1024 : vector<64x128xf32>
    %mul3A_1026 = arith.constant 0.00999999977 : f32
    %mul3A_1027 = vector.broadcast %mul3A_1026 : f32 to vector<64x128xf32>
    %mul3A_1028 = arith.mulf %mul3A_1027, %add3A_1012 : vector<64x128xf32>
    %select_n3A_1029 = arith.select %ge3A_1025, %add3A_1012, %mul3A_1028 : vector<64x128xi1>, vector<64x128xf32>
    %swap3A_1030 = arith.constant 3264 : index
    %swap3A_1031 = arith.constant 0 : index
    %swap3A_1032 = vector.load %arg5[%swap3A_1030, %swap3A_1031] : memref<4096x128xf32, #tpu.memory_space<vmem>>, vector<64x128xf32>
    tpu.vector_store %arg5[%swap3A_1030, %swap3A_1031], %select_n3A_1029 {strides = array<i32>} : memref<4096x128xf32, #tpu.memory_space<vmem>>, vector<64x128xf32>,
    %get3A_1033 = arith.constant 1664 : index
    %get3A_1034 = arith.constant 0 : index
    %get3A_1035 = vector.load %arg1[%get3A_1033, %get3A_1034] : memref<2048x128xi32, #tpu.memory_space<vmem>>, vector<64x128xi32>
    %shift_left3A_1036 = arith.constant 16 : i32
    %shift_left3A_1037 = vector.broadcast %shift_left3A_1036 : i32 to vector<64x128xi32>
    %shift_left3A_1038 = arith.shli %get3A_1035, %shift_left3A_1037 : vector<64x128xi32>
    %bitcast_convert_type3A_1039 = tpu.bitcast %shift_left3A_1038 : vector<64x128xi32> -> vector<64x128xf32>
    %and3A_1040 = arith.constant -65536 : i32
    %and3A_1041 = vector.broadcast %and3A_1040 : i32 to vector<64x128xi32>
    %and3A_1042 = arith.andi %get3A_1035, %and3A_1041 : vector<64x128xi32>
    %bitcast_convert_type3A_1043 = tpu.bitcast %and3A_1042 : vector<64x128xi32> -> vector<64x128xf32>
    %mul3A_1044 = vector.broadcast %broadcast_in_dim3A : vector<1x128xf32> to vector<64x128xf32>
    %mul3A_1045 = arith.mulf %bitcast_convert_type3A_1039, %mul3A_1044 : vector<64x128xf32>
    %add3A_1046 = vector.broadcast %broadcast_in_dim3A_24 : vector<1x128xf32> to vector<64x128xf32>
    %add3A_1047 = arith.addf %mul3A_1045, %add3A_1046 : vector<64x128xf32>
    %mul3A_1048 = vector.broadcast %broadcast_in_dim3A : vector<1x128xf32> to vector<64x128xf32>
    %mul3A_1049 = arith.mulf %bitcast_convert_type3A_1043, %mul3A_1048 : vector<64x128xf32>
    %add3A_1050 = vector.broadcast %broadcast_in_dim3A_24 : vector<1x128xf32> to vector<64x128xf32>
    %add3A_1051 = arith.addf %mul3A_1049, %add3A_1050 : vector<64x128xf32>
    %ge3A_1052 = arith.constant 0.000000e+00 : f32
    %ge3A_1053 = vector.broadcast %ge3A_1052 : f32 to vector<64x128xf32>
    %ge3A_1054 = arith.cmpf oge, %add3A_1047, %ge3A_1053 : vector<64x128xf32>
    %mul3A_1055 = arith.constant 0.00999999977 : f32
    %mul3A_1056 = vector.broadcast %mul3A_1055 : f32 to vector<64x128xf32>
    %mul3A_1057 = arith.mulf %mul3A_1056, %add3A_1047 : vector<64x128xf32>
    %select_n3A_1058 = arith.select %ge3A_1054, %add3A_1047, %mul3A_1057 : vector<64x128xi1>, vector<64x128xf32>
    %swap3A_1059 = arith.constant 3328 : index
    %swap3A_1060 = arith.constant 0 : index
    %swap3A_1061 = vector.load %arg5[%swap3A_1059, %swap3A_1060] : memref<4096x128xf32, #tpu.memory_space<vmem>>, vector<64x128xf32>
    tpu.vector_store %arg5[%swap3A_1059, %swap3A_1060], %select_n3A_1058 {strides = array<i32>} : memref<4096x128xf32, #tpu.memory_space<vmem>>, vector<64x128xf32>,
    %ge3A_1062 = arith.constant 0.000000e+00 : f32
    %ge3A_1063 = vector.broadcast %ge3A_1062 : f32 to vector<64x128xf32>
    %ge3A_1064 = arith.cmpf oge, %add3A_1051, %ge3A_1063 : vector<64x128xf32>
    %mul3A_1065 = arith.constant 0.00999999977 : f32
    %mul3A_1066 = vector.broadcast %mul3A_1065 : f32 to vector<64x128xf32>
    %mul3A_1067 = arith.mulf %mul3A_1066, %add3A_1051 : vector<64x128xf32>
    %select_n3A_1068 = arith.select %ge3A_1064, %add3A_1051, %mul3A_1067 : vector<64x128xi1>, vector<64x128xf32>
    %swap3A_1069 = arith.constant 3392 : index
    %swap3A_1070 = arith.constant 0 : index
    %swap3A_1071 = vector.load %arg5[%swap3A_1069, %swap3A_1070] : memref<4096x128xf32, #tpu.memory_space<vmem>>, vector<64x128xf32>
    tpu.vector_store %arg5[%swap3A_1069, %swap3A_1070], %select_n3A_1068 {strides = array<i32>} : memref<4096x128xf32, #tpu.memory_space<vmem>>, vector<64x128xf32>,
    %get3A_1072 = arith.constant 1728 : index
    %get3A_1073 = arith.constant 0 : index
    %get3A_1074 = vector.load %arg1[%get3A_1072, %get3A_1073] : memref<2048x128xi32, #tpu.memory_space<vmem>>, vector<64x128xi32>
    %shift_left3A_1075 = arith.constant 16 : i32
    %shift_left3A_1076 = vector.broadcast %shift_left3A_1075 : i32 to vector<64x128xi32>
    %shift_left3A_1077 = arith.shli %get3A_1074, %shift_left3A_1076 : vector<64x128xi32>
    %bitcast_convert_type3A_1078 = tpu.bitcast %shift_left3A_1077 : vector<64x128xi32> -> vector<64x128xf32>
    %and3A_1079 = arith.constant -65536 : i32
    %and3A_1080 = vector.broadcast %and3A_1079 : i32 to vector<64x128xi32>
    %and3A_1081 = arith.andi %get3A_1074, %and3A_1080 : vector<64x128xi32>
    %bitcast_convert_type3A_1082 = tpu.bitcast %and3A_1081 : vector<64x128xi32> -> vector<64x128xf32>
    %mul3A_1083 = vector.broadcast %broadcast_in_dim3A : vector<1x128xf32> to vector<64x128xf32>
    %mul3A_1084 = arith.mulf %bitcast_convert_type3A_1078, %mul3A_1083 : vector<64x128xf32>
    %add3A_1085 = vector.broadcast %broadcast_in_dim3A_24 : vector<1x128xf32> to vector<64x128xf32>
    %add3A_1086 = arith.addf %mul3A_1084, %add3A_1085 : vector<64x128xf32>
    %mul3A_1087 = vector.broadcast %broadcast_in_dim3A : vector<1x128xf32> to vector<64x128xf32>
    %mul3A_1088 = arith.mulf %bitcast_convert_type3A_1082, %mul3A_1087 : vector<64x128xf32>
    %add3A_1089 = vector.broadcast %broadcast_in_dim3A_24 : vector<1x128xf32> to vector<64x128xf32>
    %add3A_1090 = arith.addf %mul3A_1088, %add3A_1089 : vector<64x128xf32>
    %ge3A_1091 = arith.constant 0.000000e+00 : f32
    %ge3A_1092 = vector.broadcast %ge3A_1091 : f32 to vector<64x128xf32>
    %ge3A_1093 = arith.cmpf oge, %add3A_1086, %ge3A_1092 : vector<64x128xf32>
    %mul3A_1094 = arith.constant 0.00999999977 : f32
    %mul3A_1095 = vector.broadcast %mul3A_1094 : f32 to vector<64x128xf32>
    %mul3A_1096 = arith.mulf %mul3A_1095, %add3A_1086 : vector<64x128xf32>
    %select_n3A_1097 = arith.select %ge3A_1093, %add3A_1086, %mul3A_1096 : vector<64x128xi1>, vector<64x128xf32>
    %swap3A_1098 = arith.constant 3456 : index
    %swap3A_1099 = arith.constant 0 : index
    %swap3A_1100 = vector.load %arg5[%swap3A_1098, %swap3A_1099] : memref<4096x128xf32, #tpu.memory_space<vmem>>, vector<64x128xf32>
    tpu.vector_store %arg5[%swap3A_1098, %swap3A_1099], %select_n3A_1097 {strides = array<i32>} : memref<4096x128xf32, #tpu.memory_space<vmem>>, vector<64x128xf32>,
    %ge3A_1101 = arith.constant 0.000000e+00 : f32
    %ge3A_1102 = vector.broadcast %ge3A_1101 : f32 to vector<64x128xf32>
    %ge3A_1103 = arith.cmpf oge, %add3A_1090, %ge3A_1102 : vector<64x128xf32>
    %mul3A_1104 = arith.constant 0.00999999977 : f32
    %mul3A_1105 = vector.broadcast %mul3A_1104 : f32 to vector<64x128xf32>
    %mul3A_1106 = arith.mulf %mul3A_1105, %add3A_1090 : vector<64x128xf32>
    %select_n3A_1107 = arith.select %ge3A_1103, %add3A_1090, %mul3A_1106 : vector<64x128xi1>, vector<64x128xf32>
    %swap3A_1108 = arith.constant 3520 : index
    %swap3A_1109 = arith.constant 0 : index
    %swap3A_1110 = vector.load %arg5[%swap3A_1108, %swap3A_1109] : memref<4096x128xf32, #tpu.memory_space<vmem>>, vector<64x128xf32>
    tpu.vector_store %arg5[%swap3A_1108, %swap3A_1109], %select_n3A_1107 {strides = array<i32>} : memref<4096x128xf32, #tpu.memory_space<vmem>>, vector<64x128xf32>,
    %get3A_1111 = arith.constant 1792 : index
    %get3A_1112 = arith.constant 0 : index
    %get3A_1113 = vector.load %arg1[%get3A_1111, %get3A_1112] : memref<2048x128xi32, #tpu.memory_space<vmem>>, vector<64x128xi32>
    %shift_left3A_1114 = arith.constant 16 : i32
    %shift_left3A_1115 = vector.broadcast %shift_left3A_1114 : i32 to vector<64x128xi32>
    %shift_left3A_1116 = arith.shli %get3A_1113, %shift_left3A_1115 : vector<64x128xi32>
    %bitcast_convert_type3A_1117 = tpu.bitcast %shift_left3A_1116 : vector<64x128xi32> -> vector<64x128xf32>
    %and3A_1118 = arith.constant -65536 : i32
    %and3A_1119 = vector.broadcast %and3A_1118 : i32 to vector<64x128xi32>
    %and3A_1120 = arith.andi %get3A_1113, %and3A_1119 : vector<64x128xi32>
    %bitcast_convert_type3A_1121 = tpu.bitcast %and3A_1120 : vector<64x128xi32> -> vector<64x128xf32>
    %mul3A_1122 = vector.broadcast %broadcast_in_dim3A : vector<1x128xf32> to vector<64x128xf32>
    %mul3A_1123 = arith.mulf %bitcast_convert_type3A_1117, %mul3A_1122 : vector<64x128xf32>
    %add3A_1124 = vector.broadcast %broadcast_in_dim3A_24 : vector<1x128xf32> to vector<64x128xf32>
    %add3A_1125 = arith.addf %mul3A_1123, %add3A_1124 : vector<64x128xf32>
    %mul3A_1126 = vector.broadcast %broadcast_in_dim3A : vector<1x128xf32> to vector<64x128xf32>
    %mul3A_1127 = arith.mulf %bitcast_convert_type3A_1121, %mul3A_1126 : vector<64x128xf32>
    %add3A_1128 = vector.broadcast %broadcast_in_dim3A_24 : vector<1x128xf32> to vector<64x128xf32>
    %add3A_1129 = arith.addf %mul3A_1127, %add3A_1128 : vector<64x128xf32>
    %ge3A_1130 = arith.constant 0.000000e+00 : f32
    %ge3A_1131 = vector.broadcast %ge3A_1130 : f32 to vector<64x128xf32>
    %ge3A_1132 = arith.cmpf oge, %add3A_1125, %ge3A_1131 : vector<64x128xf32>
    %mul3A_1133 = arith.constant 0.00999999977 : f32
    %mul3A_1134 = vector.broadcast %mul3A_1133 : f32 to vector<64x128xf32>
    %mul3A_1135 = arith.mulf %mul3A_1134, %add3A_1125 : vector<64x128xf32>
    %select_n3A_1136 = arith.select %ge3A_1132, %add3A_1125, %mul3A_1135 : vector<64x128xi1>, vector<64x128xf32>
    %swap3A_1137 = arith.constant 3584 : index
    %swap3A_1138 = arith.constant 0 : index
    %swap3A_1139 = vector.load %arg5[%swap3A_1137, %swap3A_1138] : memref<4096x128xf32, #tpu.memory_space<vmem>>, vector<64x128xf32>
    tpu.vector_store %arg5[%swap3A_1137, %swap3A_1138], %select_n3A_1136 {strides = array<i32>} : memref<4096x128xf32, #tpu.memory_space<vmem>>, vector<64x128xf32>,
    %ge3A_1140 = arith.constant 0.000000e+00 : f32
    %ge3A_1141 = vector.broadcast %ge3A_1140 : f32 to vector<64x128xf32>
    %ge3A_1142 = arith.cmpf oge, %add3A_1129, %ge3A_1141 : vector<64x128xf32>
    %mul3A_1143 = arith.constant 0.00999999977 : f32
    %mul3A_1144 = vector.broadcast %mul3A_1143 : f32 to vector<64x128xf32>
    %mul3A_1145 = arith.mulf %mul3A_1144, %add3A_1129 : vector<64x128xf32>
    %select_n3A_1146 = arith.select %ge3A_1142, %add3A_1129, %mul3A_1145 : vector<64x128xi1>, vector<64x128xf32>
    %swap3A_1147 = arith.constant 3648 : index
    %swap3A_1148 = arith.constant 0 : index
    %swap3A_1149 = vector.load %arg5[%swap3A_1147, %swap3A_1148] : memref<4096x128xf32, #tpu.memory_space<vmem>>, vector<64x128xf32>
    tpu.vector_store %arg5[%swap3A_1147, %swap3A_1148], %select_n3A_1146 {strides = array<i32>} : memref<4096x128xf32, #tpu.memory_space<vmem>>, vector<64x128xf32>,
    %get3A_1150 = arith.constant 1856 : index
    %get3A_1151 = arith.constant 0 : index
    %get3A_1152 = vector.load %arg1[%get3A_1150, %get3A_1151] : memref<2048x128xi32, #tpu.memory_space<vmem>>, vector<64x128xi32>
    %shift_left3A_1153 = arith.constant 16 : i32
    %shift_left3A_1154 = vector.broadcast %shift_left3A_1153 : i32 to vector<64x128xi32>
    %shift_left3A_1155 = arith.shli %get3A_1152, %shift_left3A_1154 : vector<64x128xi32>
    %bitcast_convert_type3A_1156 = tpu.bitcast %shift_left3A_1155 : vector<64x128xi32> -> vector<64x128xf32>
    %and3A_1157 = arith.constant -65536 : i32
    %and3A_1158 = vector.broadcast %and3A_1157 : i32 to vector<64x128xi32>
    %and3A_1159 = arith.andi %get3A_1152, %and3A_1158 : vector<64x128xi32>
    %bitcast_convert_type3A_1160 = tpu.bitcast %and3A_1159 : vector<64x128xi32> -> vector<64x128xf32>
    %mul3A_1161 = vector.broadcast %broadcast_in_dim3A : vector<1x128xf32> to vector<64x128xf32>
    %mul3A_1162 = arith.mulf %bitcast_convert_type3A_1156, %mul3A_1161 : vector<64x128xf32>
    %add3A_1163 = vector.broadcast %broadcast_in_dim3A_24 : vector<1x128xf32> to vector<64x128xf32>
    %add3A_1164 = arith.addf %mul3A_1162, %add3A_1163 : vector<64x128xf32>
    %mul3A_1165 = vector.broadcast %broadcast_in_dim3A : vector<1x128xf32> to vector<64x128xf32>
    %mul3A_1166 = arith.mulf %bitcast_convert_type3A_1160, %mul3A_1165 : vector<64x128xf32>
    %add3A_1167 = vector.broadcast %broadcast_in_dim3A_24 : vector<1x128xf32> to vector<64x128xf32>
    %add3A_1168 = arith.addf %mul3A_1166, %add3A_1167 : vector<64x128xf32>
    %ge3A_1169 = arith.constant 0.000000e+00 : f32
    %ge3A_1170 = vector.broadcast %ge3A_1169 : f32 to vector<64x128xf32>
    %ge3A_1171 = arith.cmpf oge, %add3A_1164, %ge3A_1170 : vector<64x128xf32>
    %mul3A_1172 = arith.constant 0.00999999977 : f32
    %mul3A_1173 = vector.broadcast %mul3A_1172 : f32 to vector<64x128xf32>
    %mul3A_1174 = arith.mulf %mul3A_1173, %add3A_1164 : vector<64x128xf32>
    %select_n3A_1175 = arith.select %ge3A_1171, %add3A_1164, %mul3A_1174 : vector<64x128xi1>, vector<64x128xf32>
    %swap3A_1176 = arith.constant 3712 : index
    %swap3A_1177 = arith.constant 0 : index
    %swap3A_1178 = vector.load %arg5[%swap3A_1176, %swap3A_1177] : memref<4096x128xf32, #tpu.memory_space<vmem>>, vector<64x128xf32>
    tpu.vector_store %arg5[%swap3A_1176, %swap3A_1177], %select_n3A_1175 {strides = array<i32>} : memref<4096x128xf32, #tpu.memory_space<vmem>>, vector<64x128xf32>,
    %ge3A_1179 = arith.constant 0.000000e+00 : f32
    %ge3A_1180 = vector.broadcast %ge3A_1179 : f32 to vector<64x128xf32>
    %ge3A_1181 = arith.cmpf oge, %add3A_1168, %ge3A_1180 : vector<64x128xf32>
    %mul3A_1182 = arith.constant 0.00999999977 : f32
    %mul3A_1183 = vector.broadcast %mul3A_1182 : f32 to vector<64x128xf32>
    %mul3A_1184 = arith.mulf %mul3A_1183, %add3A_1168 : vector<64x128xf32>
    %select_n3A_1185 = arith.select %ge3A_1181, %add3A_1168, %mul3A_1184 : vector<64x128xi1>, vector<64x128xf32>
    %swap3A_1186 = arith.constant 3776 : index
    %swap3A_1187 = arith.constant 0 : index
    %swap3A_1188 = vector.load %arg5[%swap3A_1186, %swap3A_1187] : memref<4096x128xf32, #tpu.memory_space<vmem>>, vector<64x128xf32>
    tpu.vector_store %arg5[%swap3A_1186, %swap3A_1187], %select_n3A_1185 {strides = array<i32>} : memref<4096x128xf32, #tpu.memory_space<vmem>>, vector<64x128xf32>,
    %get3A_1189 = arith.constant 1920 : index
    %get3A_1190 = arith.constant 0 : index
    %get3A_1191 = vector.load %arg1[%get3A_1189, %get3A_1190] : memref<2048x128xi32, #tpu.memory_space<vmem>>, vector<64x128xi32>
    %shift_left3A_1192 = arith.constant 16 : i32
    %shift_left3A_1193 = vector.broadcast %shift_left3A_1192 : i32 to vector<64x128xi32>
    %shift_left3A_1194 = arith.shli %get3A_1191, %shift_left3A_1193 : vector<64x128xi32>
    %bitcast_convert_type3A_1195 = tpu.bitcast %shift_left3A_1194 : vector<64x128xi32> -> vector<64x128xf32>
    %and3A_1196 = arith.constant -65536 : i32
    %and3A_1197 = vector.broadcast %and3A_1196 : i32 to vector<64x128xi32>
    %and3A_1198 = arith.andi %get3A_1191, %and3A_1197 : vector<64x128xi32>
    %bitcast_convert_type3A_1199 = tpu.bitcast %and3A_1198 : vector<64x128xi32> -> vector<64x128xf32>
    %mul3A_1200 = vector.broadcast %broadcast_in_dim3A : vector<1x128xf32> to vector<64x128xf32>
    %mul3A_1201 = arith.mulf %bitcast_convert_type3A_1195, %mul3A_1200 : vector<64x128xf32>
    %add3A_1202 = vector.broadcast %broadcast_in_dim3A_24 : vector<1x128xf32> to vector<64x128xf32>
    %add3A_1203 = arith.addf %mul3A_1201, %add3A_1202 : vector<64x128xf32>
    %mul3A_1204 = vector.broadcast %broadcast_in_dim3A : vector<1x128xf32> to vector<64x128xf32>
    %mul3A_1205 = arith.mulf %bitcast_convert_type3A_1199, %mul3A_1204 : vector<64x128xf32>
    %add3A_1206 = vector.broadcast %broadcast_in_dim3A_24 : vector<1x128xf32> to vector<64x128xf32>
    %add3A_1207 = arith.addf %mul3A_1205, %add3A_1206 : vector<64x128xf32>
    %ge3A_1208 = arith.constant 0.000000e+00 : f32
    %ge3A_1209 = vector.broadcast %ge3A_1208 : f32 to vector<64x128xf32>
    %ge3A_1210 = arith.cmpf oge, %add3A_1203, %ge3A_1209 : vector<64x128xf32>
    %mul3A_1211 = arith.constant 0.00999999977 : f32
    %mul3A_1212 = vector.broadcast %mul3A_1211 : f32 to vector<64x128xf32>
    %mul3A_1213 = arith.mulf %mul3A_1212, %add3A_1203 : vector<64x128xf32>
    %select_n3A_1214 = arith.select %ge3A_1210, %add3A_1203, %mul3A_1213 : vector<64x128xi1>, vector<64x128xf32>
    %swap3A_1215 = arith.constant 3840 : index
    %swap3A_1216 = arith.constant 0 : index
    %swap3A_1217 = vector.load %arg5[%swap3A_1215, %swap3A_1216] : memref<4096x128xf32, #tpu.memory_space<vmem>>, vector<64x128xf32>
    tpu.vector_store %arg5[%swap3A_1215, %swap3A_1216], %select_n3A_1214 {strides = array<i32>} : memref<4096x128xf32, #tpu.memory_space<vmem>>, vector<64x128xf32>,
    %ge3A_1218 = arith.constant 0.000000e+00 : f32
    %ge3A_1219 = vector.broadcast %ge3A_1218 : f32 to vector<64x128xf32>
    %ge3A_1220 = arith.cmpf oge, %add3A_1207, %ge3A_1219 : vector<64x128xf32>
    %mul3A_1221 = arith.constant 0.00999999977 : f32
    %mul3A_1222 = vector.broadcast %mul3A_1221 : f32 to vector<64x128xf32>
    %mul3A_1223 = arith.mulf %mul3A_1222, %add3A_1207 : vector<64x128xf32>
    %select_n3A_1224 = arith.select %ge3A_1220, %add3A_1207, %mul3A_1223 : vector<64x128xi1>, vector<64x128xf32>
    %swap3A_1225 = arith.constant 3904 : index
    %swap3A_1226 = arith.constant 0 : index
    %swap3A_1227 = vector.load %arg5[%swap3A_1225, %swap3A_1226] : memref<4096x128xf32, #tpu.memory_space<vmem>>, vector<64x128xf32>
    tpu.vector_store %arg5[%swap3A_1225, %swap3A_1226], %select_n3A_1224 {strides = array<i32>} : memref<4096x128xf32, #tpu.memory_space<vmem>>, vector<64x128xf32>,
    %get3A_1228 = arith.constant 1984 : index
    %get3A_1229 = arith.constant 0 : index
    %get3A_1230 = vector.load %arg1[%get3A_1228, %get3A_1229] : memref<2048x128xi32, #tpu.memory_space<vmem>>, vector<64x128xi32>
    %shift_left3A_1231 = arith.constant 16 : i32
    %shift_left3A_1232 = vector.broadcast %shift_left3A_1231 : i32 to vector<64x128xi32>
    %shift_left3A_1233 = arith.shli %get3A_1230, %shift_left3A_1232 : vector<64x128xi32>
    %bitcast_convert_type3A_1234 = tpu.bitcast %shift_left3A_1233 : vector<64x128xi32> -> vector<64x128xf32>
    %and3A_1235 = arith.constant -65536 : i32
    %and3A_1236 = vector.broadcast %and3A_1235 : i32 to vector<64x128xi32>
    %and3A_1237 = arith.andi %get3A_1230, %and3A_1236 : vector<64x128xi32>
    %bitcast_convert_type3A_1238 = tpu.bitcast %and3A_1237 : vector<64x128xi32> -> vector<64x128xf32>
    %mul3A_1239 = vector.broadcast %broadcast_in_dim3A : vector<1x128xf32> to vector<64x128xf32>
    %mul3A_1240 = arith.mulf %bitcast_convert_type3A_1234, %mul3A_1239 : vector<64x128xf32>
    %add3A_1241 = vector.broadcast %broadcast_in_dim3A_24 : vector<1x128xf32> to vector<64x128xf32>
    %add3A_1242 = arith.addf %mul3A_1240, %add3A_1241 : vector<64x128xf32>
    %mul3A_1243 = vector.broadcast %broadcast_in_dim3A : vector<1x128xf32> to vector<64x128xf32>
    %mul3A_1244 = arith.mulf %bitcast_convert_type3A_1238, %mul3A_1243 : vector<64x128xf32>
    %add3A_1245 = vector.broadcast %broadcast_in_dim3A_24 : vector<1x128xf32> to vector<64x128xf32>
    %add3A_1246 = arith.addf %mul3A_1244, %add3A_1245 : vector<64x128xf32>
    %ge3A_1247 = arith.constant 0.000000e+00 : f32
    %ge3A_1248 = vector.broadcast %ge3A_1247 : f32 to vector<64x128xf32>
    %ge3A_1249 = arith.cmpf oge, %add3A_1242, %ge3A_1248 : vector<64x128xf32>
    %mul3A_1250 = arith.constant 0.00999999977 : f32
    %mul3A_1251 = vector.broadcast %mul3A_1250 : f32 to vector<64x128xf32>
    %mul3A_1252 = arith.mulf %mul3A_1251, %add3A_1242 : vector<64x128xf32>
    %select_n3A_1253 = arith.select %ge3A_1249, %add3A_1242, %mul3A_1252 : vector<64x128xi1>, vector<64x128xf32>
    %swap3A_1254 = arith.constant 3968 : index
    %swap3A_1255 = arith.constant 0 : index
    %swap3A_1256 = vector.load %arg5[%swap3A_1254, %swap3A_1255] : memref<4096x128xf32, #tpu.memory_space<vmem>>, vector<64x128xf32>
    tpu.vector_store %arg5[%swap3A_1254, %swap3A_1255], %select_n3A_1253 {strides = array<i32>} : memref<4096x128xf32, #tpu.memory_space<vmem>>, vector<64x128xf32>,
    %ge3A_1257 = arith.constant 0.000000e+00 : f32
    %ge3A_1258 = vector.broadcast %ge3A_1257 : f32 to vector<64x128xf32>
    %ge3A_1259 = arith.cmpf oge, %add3A_1246, %ge3A_1258 : vector<64x128xf32>
    %mul3A_1260 = arith.constant 0.00999999977 : f32
    %mul3A_1261 = vector.broadcast %mul3A_1260 : f32 to vector<64x128xf32>
    %mul3A_1262 = arith.mulf %mul3A_1261, %add3A_1246 : vector<64x128xf32>
    %select_n3A_1263 = arith.select %ge3A_1259, %add3A_1246, %mul3A_1262 : vector<64x128xi1>, vector<64x128xf32>
    %swap3A_1264 = arith.constant 4032 : index
    %swap3A_1265 = arith.constant 0 : index
    %swap3A_1266 = vector.load %arg5[%swap3A_1264, %swap3A_1265] : memref<4096x128xf32, #tpu.memory_space<vmem>>, vector<64x128xf32>
    tpu.vector_store %arg5[%swap3A_1264, %swap3A_1265], %select_n3A_1263 {strides = array<i32>} : memref<4096x128xf32, #tpu.memory_space<vmem>>, vector<64x128xf32>,
    return
  }
  func.func @transform_0(%arg0: i32) -> (i32, i32) {
    %c0_i32 = arith.constant 0 : i32
    %c0_i32_0 = arith.constant 0 : i32
    return %arg0, %c0_i32 : i32, i32
  }
  func.func @transform_1(%arg0: i32) -> (i32, i32) {
    %c0_i32 = arith.constant 0 : i32
    %c0_i32_0 = arith.constant 0 : i32
    %c0_i32_1 = arith.constant 0 : i32
    return %c0_i32, %c0_i32_0 : i32, i32
  }
  func.func @transform_2(%arg0: i32) -> (i32, i32) {
    %c0_i32 = arith.constant 0 : i32
    %c0_i32_0 = arith.constant 0 : i32
    %c0_i32_1 = arith.constant 0 : i32
    return %c0_i32, %c0_i32_0 : i32, i32
  }
  func.func @transform_3(%arg0: i32) -> (i32, i32) {
    %c0_i32 = arith.constant 0 : i32
    %c0_i32_0 = arith.constant 0 : i32
    %c0_i32_1 = arith.constant 0 : i32
    return %c0_i32, %c0_i32_0 : i32, i32
  }
  func.func @transform_4(%arg0: i32) -> (i32, i32) {
    %c0_i32 = arith.constant 0 : i32
    %c0_i32_0 = arith.constant 0 : i32
    return %arg0, %c0_i32 : i32, i32
  }
}

</mosaic_0001>

<sc_bundles>
// kernel: kernel.6.cloned.1.call-start
scs
__scs_entry_jumppad:
0x0: {  	(pc) =	sbr.rel $0x88, $3  }
0x1: {  	(tag) =	ssettag $0x0;
	lr =	simm.s32 $0x1  }
0x2: {  	[smem:$0x3F95] =	sst lr;
	_ =	strace $0xD0000000  }
0x3: {  	_ = 	snop  }
0x4: {  	_ = 	snop  }
0x5: {  	_ = 	snop  }
0x6: {  	_ = 	snop  }
0x7: {  	_ = 	snop  }
__scs_overlays_trampoline_lowered:
0x8: {  	[smem:$0x3FA4] =	sst s0  }
0x9: {  	[smem:$0x3FA5] =	sst s1  }
0xa: {  	[smem:$0x3FA6] =	sst s2  }
0xb: {  	[smem:$0x3FA7] =	sst s3  }
0xc: {  	[smem:$0x3FA8] =	sst s4  }
0xd: {  	[smem:$0x3FA9] =	sst s5  }
0xe: {  	[smem:$0x3FAA] =	sst s6  }
0xf: {  	[smem:$0x3FAB] =	sst s7  }
0x10: {  	[smem:$0x3FAC] =	sst s8  }
0x11: {  	[smem:$0x3FAD] =	sst s9;
	s0 =	simm.s32 @!p0 $0x0  }
0x12: {  	s1 =	sld [smem:$0x3F93];
	s0 =	simm.s32 @p0 $0x1  }
0x13: {  	[smem:$0x3FAE] =	sst s0;
	s0 =	simm.s32 @!p1 $0x0  }
0x14: {  	s2 =	sld [smem:$0x3F92];
	s0 =	simm.s32 @p1 $0x1  }
0x15: {  	[smem:$0x3FAF] =	sst s0;
	s0 =	simm.s32 @!p2 $0x0  }
0x16: {  	s3 =	sld [smem:$0x3FDB];
	s0 =	simm.s32 @p2 $0x1  }
0x17: {  	s4 =	simm.s32 $0x1BF5;
	[smem:$0x3FB1] =	sst s0  }
0x18: {  	s0 =	sld [smem:$0x3F94];
	_ =	swait.ge [sflag:s4], $0x0  }
0x19: {  	s7 =	sld [smem:$0x3F95]  }
0x1a: {  	s8 =	sadd.s32 $0xFFFFE003, lr  }
0x1b: {  	s9 =	sadd.s32 $0xFFFFFEF7, lr;
	s5 =	simm.s32 $0xFFFFFFFF;
	p2 =	slt.u32 s8, $0xFFFFF086  }
0x1c: {  	p1 =	slt.u32 s9, $0xF7A;
	s5 =	simm.s32 @!p2 $0x0  }
0x1d: {  	s5 =	simm.s32 @p1 $0x1;
	p0 =	seq.s32 s7, s2  }
0x1e: {  	s7 =	smul.u32 @!p0 $0xF7A, s2;
	p2 =	seq.s32 @!p0 s5, $0x0  }
0x1f: {  	s9 =	smul.u32 $0xF7A, s1;
	s8 =	simm.s32 @!p0 $0x1BF5;
	p2 =	por !p2, p0  }
0x20: {  	[sflag:s8] =	ssyncset.s32 @!p0 $0xFFFFF086;
	s6 =	sadd.s32 @!p0 s3, s7;
	s7 =	simm.s32 @!p0 $0x108  }
0x21: {  	s3 =	sadd.s32 s3, s9;
	s6 =	sadd.s32 @!p0 $0x88, s6;
	s7 =	simm.s32 @p2 $0x1082  }
0x22: {  	[simem:s7], [sflag:s8] =	dma.local @!p0 [hbm:s6], $0xF7A  }
0x23: {  	s9 =	sor.u32 $0xD0000000, s2;
	s6 =	simm.s32 $0x108;
	_ =	swait.ge @!p0 [sflag:s8], $0x0  }
0x24: {  	s3 =	sadd.s32 $0x88, s3;
	s6 =	simm.s32 @!p1 $0x1082;
	[sflag:s4] =	ssyncset.s32 $0xFFFFF086  }
0x25: {  	[simem:s6], [sflag:s4] =	dma.local [hbm:s3], $0xF7A  }
0x26: {  	[smem:$0x3F95] =	sst s1;
	(tag) =	ssettag s2;
	_ =	strace s9  }
0x27: {  	s1 =	sld [smem:$0x3FA5]  }
0x28: {  	s2 =	sld [smem:$0x3FA6]  }
0x29: {  	s4 =	sld [smem:$0x3FA8]  }
0x2a: {  	p0 =	seq.s32 s5, $0x0;
	s5 =	sld [smem:$0x3FA9]  }
0x2b: {  	s6 =	sld [smem:$0x3FAA]  }
0x2c: {  	s7 =	sld [smem:$0x3FAB]  }
0x2d: {  	s3 =	simm.s32 $0x108;
	s8 =	sld [smem:$0x3FAC]  }
0x2e: {  	s3 =	simm.s32 @!p0 $0x1082;
	s9 =	sld [smem:$0x3FAD]  }
0x2f: {  	lr =	sadd.s32 s0, s3;
	s0 =	sld [smem:$0x3FA4]  }
0x30: {  	s3 =	sld [smem:$0x3FA7]  }
0x31: {  	[smem:$0x3FB0] =	sst s10  }
0x32: {  	s10 =	sld [smem:$0x3FAE];
	_ =	sdelay $0x3  }
0x33: {  	p0 =	seq.s32 s10, $0x1;
	s10 =	sld [smem:$0x3FB0];
	_ =	sdelay $0x3  }
0x34: {  	[smem:$0x3FB0] =	sst s10  }
0x35: {  	s10 =	sld [smem:$0x3FAF];
	_ =	sdelay $0x3  }
0x36: {  	p1 =	seq.s32 s10, $0x1;
	s10 =	sld [smem:$0x3FB0];
	_ =	sdelay $0x3  }
0x37: {  	[smem:$0x3FB0] =	sst s10  }
0x38: {  	s10 =	sld [smem:$0x3FB1]  }
0x39: {  	_ = 	snop;
	(pc) =	sbr.ind lr, $3  }
0x3a: {  	_ = 	snop  }
0x3b: {  	_ = 	snop  }
0x3c: {  	p2 =	seq.s32 s10, $0x1;
	s10 =	sld [smem:$0x3FB0]  }
0x3d: {  	_ =	shalt  }
0x3e: {  	_ =	shalt  }
0x3f: {  	_ =	shalt  }
0x40: {  	_ =	shalt  }
0x41: {  	_ =	shalt  }
0x42: {  	_ =	shalt  }
0x43: {  	_ =	shalt  }
0x44: {  	_ =	shalt  }
0x45: {  	_ =	shalt  }
0x46: {  	_ =	shalt  }
0x47: {  	_ =	shalt  }
0x48: {  	_ =	shalt  }
0x49: {  	_ =	shalt  }
0x4a: {  	_ =	shalt  }
0x4b: {  	_ =	shalt  }
0x4c: {  	_ =	shalt  }
0x4d: {  	_ =	shalt  }
0x4e: {  	_ =	shalt  }
0x4f: {  	_ =	shalt  }
0x50: {  	_ =	shalt  }
0x51: {  	_ =	shalt  }
0x52: {  	_ =	shalt  }
0x53: {  	_ =	shalt  }
0x54: {  	_ =	shalt  }
0x55: {  	_ =	shalt  }
0x56: {  	_ =	shalt  }
0x57: {  	_ =	shalt  }
0x58: {  	_ =	shalt  }
0x59: {  	_ =	shalt  }
0x5a: {  	_ =	shalt  }
0x5b: {  	_ =	shalt  }
0x5c: {  	_ =	shalt  }
0x5d: {  	_ =	shalt  }
0x5e: {  	_ =	shalt  }
0x5f: {  	_ =	shalt  }
0x60: {  	_ =	shalt  }
0x61: {  	_ =	shalt  }
0x62: {  	_ =	shalt  }
0x63: {  	_ =	shalt  }
0x64: {  	_ =	shalt  }
0x65: {  	_ =	shalt  }
0x66: {  	_ =	shalt  }
0x67: {  	_ =	shalt  }
0x68: {  	_ =	shalt  }
0x69: {  	_ =	shalt  }
0x6a: {  	_ =	shalt  }
0x6b: {  	_ =	shalt  }
0x6c: {  	_ =	shalt  }
0x6d: {  	_ =	shalt  }
0x6e: {  	_ =	shalt  }
0x6f: {  	_ =	shalt  }
0x70: {  	_ =	shalt  }
0x71: {  	_ =	shalt  }
0x72: {  	_ =	shalt  }
0x73: {  	_ =	shalt  }
0x74: {  	_ =	shalt  }
0x75: {  	_ =	shalt  }
0x76: {  	_ =	shalt  }
0x77: {  	_ =	shalt  }
0x78: {  	_ =	shalt  }
0x79: {  	_ =	shalt  }
0x7a: {  	_ =	shalt  }
0x7b: {  	_ =	shalt  }
0x7c: {  	_ =	shalt  }
0x7d: {  	_ =	shalt  }
0x7e: {  	_ =	shalt  }
0x7f: {  	_ =	shalt  }
0x80: {  	_ =	shalt  }
0x81: {  	_ =	shalt  }
0x82: {  	_ =	shalt  }
0x83: {  	_ =	shalt  }
0x84: {  	_ =	shalt  }
0x85: {  	_ =	shalt  }
0x86: {  	_ =	shalt  }
0x87: {  	_ =	shalt  }
.Lfunc_end0:
.L_simem_size_0:
called_computation_lowered:
.L_overlay_start_0:
0x88: {  	s2 =	sld [smem:$0x3FD9]  }
0x89: {  	s3 =	sld [smem:$0x3FFE];
	_ =	sdelay $0x1  }
0x8a: {  	s1 =	srdreg.scid  }
0x8b: {  	s0 =	sand.u32 $0x1, s1  }
0x8c: {  	s14 =	sshll.u32 s0, $0xA;
	s2 =	sadd.s32 s3, s2  }
0x8d: {  	s2 =	sadd.s32 s2, s14  }
0x8e: {  	[smem:$0x3FBC] =	sst s2  }
0x8f: {  	_ = 	snop  }
0x90: {  	s2 =	sld [smem:$0x3FD0];
	_ =	sdelay $0x2  }
0x91: {  	s15 =	simm.s32 $0xA;
	s4 =	simm.s32 $0x10  }
0x92: {  	[smem:s4], [sflag:s15] =	dma.local [hbm:s2], $0x1  }
0x93: {  	_ =	swait.eq [sflag:s15], $0x1  }
0x94: {  	[sflag:s15] =	ssyncset.done $0x0  }
0x95: {  	[sflag:s15] =	ssyncadd.s32 $0xFFFFFFFF  }
0x96: {  	s16 =	sld [smem:$0x11];
	(tm) =	ssettm $0x1  }
0x97: {  	s17 =	sld [smem:$0x3FFB];
	_ =	sdelay $0x3  }
0x98: {  	_ =	strace s17  }
0x99: {  	s3 =	sld [smem:$0x3FFC];
	_ =	sdelay $0x3  }
0x9a: {  	_ =	strace s3  }
0x9b: {  	s3 =	sld [smem:$0x3FFD];
	_ =	sdelay $0x3  }
0x9c: {  	_ =	strace s3  }
0x9d: {  	_ =	strace $0x8FFFFFFF  }
0x9e: {  	s18 =	sld [smem:$0x3FDB];
	_ =	sdelay $0x1  }
0x9f: {  	s19 =	simm.s32 $_scs_section_size  }
0xa0: {  	s5 =	simm.s32 $_size__tile_overlayer_lowered;
	s6 =	simm.s32 $_tile_overlayer_lowered  }
0xa1: {  	s22 =	simm.s32 $0x1BFF;
	s21 =	sshll.u32 s6, $0x1;
	s3 =	sadd.s32 s19, s18  }
0xa2: {  	s7 =	simm.s32 $0x0;
	s20 =	sshll.u32 s5, $0x1;
	s5 =	sadd.s32 s21, s3  }
0xa3: {  	[timem:s7], [sflag:s22] =	dma.local [hbm:s5], s20  }
0xa4: {  	_ =	swait.ge [sflag:s22], s20  }
0xa5: {  	s4 =	ssub.s32 $0x0, s20;
	[sflag:s22] =	ssyncset.done $0x0  }
0xa6: {  	[sflag:s22] =	ssyncadd.s32 s4;
	_ =	sdelay $0x1  }
0xa7: {  	s23 =	simm.s32 $0x1B8B  }
0xa8: {  	_ =	swait.ge [sflag:s23], $0x1  }
0xa9: {  	[sflag:s23] =	ssyncset.done $0x0  }
0xaa: {  	s25 =	simm.s32 $0x1B8E;
	s24 =	sld [smem:$0x3FFE];
	[sflag:s23] =	ssyncadd.s32 $0xFFFFFFFF  }
0xab: {  	s26 =	simm.s32 $execute0_lowered;
	[smem:$0x3FD2] =	sst s25  }
0xac: {  	s5 =	sshll.u32 s26, $0x1;
	_ =	strace $0x80000046;
	[dreg:$0x1] =	wrdreg $0xFFFFFFFF  }
0xad: {  	s28 =	simm.s32 $_size_execute0_lowered;
	s3 =	sadd.s32 s3, s5;
	[dreg:$0x0] =	wrdreg $0x0  }
0xae: {  	s5 =	sshll.u32 s28, $0x1;
	[dreg:$0x2] =	wrdreg s3  }
0xaf: {  	[dreg:$0x3] =	wrdreg s5  }
0xb0: {  	[dreg:$0x4] =	wrdreg $0xC0  }
0xb1: {  	_ =	task [dreg:s7], $0x5FFFF  }
0xb2: {  	[dreg:$0x1] =	wrdreg $0xFFFFFFFF  }
0xb3: {  	[dreg:$0x0] =	wrdreg $0x60  }
0xb4: {  	[dreg:$0x2] =	wrdreg s16  }
0xb5: {  	[dreg:$0x3] =	wrdreg s24  }
0xb6: {  	[dreg:$0x4] =	wrdreg $0x9  }
0xb7: {  	_ =	task.clear_ibuf [dreg:s7], $0x5FFFF;
	_ =	strace $0x90000046  }
0xb8: {  	s29 =	simm.s32 $0x9;
	_ =	strace $0x80000048  }
0xb9: {  	_ =	swait.ge [sflag:s29], $0x1  }
0xba: {  	[sflag:s29] =	ssyncadd.s32 $0xFFFFFFFF  }
0xbb: {  	_ =	strace $0x90000048  }
0xbc: {  	_ =	sfence  }
0xbd: {  	s30 =	sld [smem:$0x0];
	_ =	sdelay $0x2  }
0xbe: {  	s31 =	sshll.u32 s1, $0xD;
	s1 =	sshrl.u32 s1, $0x2  }
0xbf: {  	s3 =	sand.u32 $0x4000, s31;
	s1 =	sadd.s32 s1, s30  }
0xc0: {  	s0 =	sor.u32 s3, s0;
	s1 =	sshll.u32 s1, $0x11  }
0xc1: {  	s0 =	sor.u32 s1, s0  }
0xc2: {  	s0 =	sadd.s32 $0x8F2B, s0  }
0xc3: {  	[sflag:s0] =	ssyncadd.remote.s32 $0x1  }
0xc4: {  	_ =	sfence.sel $0xFFFF  }
0xc5: {  	[dreg:$0x0] =	wrdreg $0xFFFFFFFF;
	(pc) =	sbr.abs _section_cstart, $3  }
0xc6: {  	[dreg:$0x1] =	wrdreg $0xFFFFFFFF  }
0xc7: {  	_ =	task.clear_ibuf [dreg:s7], $0x2FFFF;
	_ =	strace $0x9FFFFFFF  }
0xc8: {  	(tm) =	ssettm $0x7FFFFFFF  }
0xc9: {  	_ =	shalt  }
tec
execute0_lowered:
.L_overlay_start_1:
0x0: {  	(tag) =	ssettag $0x1  }
0x1: {  	s2 =	rddreg [dreg:$0x0]  }
0x2: {  	s0 =	rddreg [dreg:$0x1]  }
0x3: {  	s1 =	srdreg.scid;
	s8 =	stileid.u32  }
0x4: {  	s3 =	simm.s32 $0x0;
	s10 =	simm.s32 $0x7;
	s11 =	simm.s32 $0x2000  }
0x5: {  	s12 =	simm.s32 $0x80;
	s15 =	simm.s32 $0xC000;
	s16 =	simm.s32 $0x2080  }
0x6: {  	s17 =	simm.s32 $0x10000;
	s18 =	simm.s32 $0x1;
	s19 =	simm.s32 $0x2  }
0x7: {  	s20 =	simm.s32 $0x14000;
	s21 =	simm.s32 $0x3;
	s22 =	simm.s32 $0x4  }
0x8: {  	s23 =	simm.s32 $0x16000;
	s24 =	simm.s32 $0x5;
	s25 =	simm.s32 $0x6  }
0x9: {  	s26 =	simm.s32 $0x400;
	s28 =	simm.s32 $0x18000;
	s29 =	simm.s32 $0x0  }
0xa: {  	s1 =	sand.u32 $0x1, s1;
	s4 =	sshll.u32 s8, $0x1;
	[smem:$0x7FF] =	sst s3  }
0xb: {  	s8 =	sshll.u32 s8, $0x6;
	s5 =	sor.u32 s1, s4;
	_ =	strace $0x80000047  }
0xc: {  	s4 =	sadd.s32 $0x2200, s0;
	s8 =	sand.u32 $0x300, s8;
	s1 =	ssub.s32 $0x2, s1  }
0xd: {  	s6 =	sshll.u32 s5, $0xA;
	s7 =	sshll.u32 s5, $0x10;
	s30 =	sshrl.u32 s1, $0x1  }
0xe: {  	s9 =	sshll.u32 s5, $0x4;
	s6 =	sadd.s32 s6, s0;
	s7 =	sadd.s32 s7, s0  }
0xf: {  	s0 =	sadd.s32 s8, s0;
	s1 =	ssub.s32 s1, s30;
	s31 =	sand.u32 $0x70, s9  }
0x10: {  	s5 =	sadd.s32 $0x82200, s6;
	s6 =	sadd.s32 $0x8A200, s6;
	s0 =	sadd.s32 s31, s0  }
0x11: {  	s7 =	sadd.s32 $0x92600, s7;
	s9 =	smax.u32 s1, $0x1;
	s8 =	sadd.s32 $0x92200, s0  }
.LBB2_1:
0x12: {  	[tilespmem:s3], [sflag:$0x7] =	stream.linear.gather [hbm4b:s5+s3], $0x2000, $0x38;
	[tilespmem:$0x18100] =	vst v63  }
0x13: {  	_ =	swait.ge [sflag:s10], $0x2000  }
0x14: {  	[sflag:s10] =	ssyncset.done $0x0  }
0x15: {  	[sflag:s10] =	ssyncadd.s32 $0xFFFFE000  }
0x16: {  	[tilespmem:s11], [sflag:$0x7] =	stream.linear.gather [hbm4b:s6+s3], $0x2000, $0x38;
	[tilespmem:$0x18100] =	vst v63  }
0x17: {  	_ =	swait.ge [sflag:s10], $0x2000  }
0x18: {  	[sflag:s10] =	ssyncset.done $0x0  }
0x19: {  	s0 =	simm.s32 $0x4000;
	[sflag:s10] =	ssyncadd.s32 $0xFFFFE000  }
0x1a: {  	[tilespmem:s0], [sflag:$0x1] =	stream.indirect.gather [hbm4b:s2+s12], $0x80, s3, s12, $0xb8;
	[tilespmem:$0x18100] =	vst v63  }
0x1b: {  	s31 =	simm.s32 $0x8000;
	v14 =	vimm.f32 $0.0e+00  }
0x1c: {  	v20 =	vimm.f32 $0.0e+00;
	v17 =	vimm.f32 $0.0e+00;
	v1 =	vimm.f32 $0.0e+00;
	[tilespmem:s31], [sflag:$0x2] =	stream.indirect.gather [hbm4b:s4+s12], $0x80, s11, s12, $0xb8;
	[tilespmem:$0x18100] =	vst v63  }
0x1d: {  	v15 =	vimm.f32 $0.0e+00;
	v0 =	vimm.f32 $0.0e+00;
	v3 =	vimm.f32 $0.0e+00  }
0x1e: {  	v2 =	vimm.f32 $0.0e+00;
	v4 =	vimm.f32 $0.0e+00;
	v16 =	vimm.f32 $0.0e+00;
	[tilespmem:s15], [sflag:$0x3] =	stream.indirect.gather [hbm4b:s2+s12], $0x80, s12, s12, $0xb8;
	[tilespmem:$0x18100] =	vst v63  }
0x1f: {  	v8 =	vimm.f32 $0.0e+00;
	v5 =	vimm.f32 $0.0e+00;
	v7 =	vimm.f32 $0.0e+00;
	s30 =	simm.s32 $0x0  }
0x20: {  	v9 =	vimm.f32 $0.0e+00;
	v10 =	vimm.f32 $0.0e+00;
	v6 =	vimm.f32 $0.0e+00;
	[tilespmem:s17], [sflag:$0x4] =	stream.indirect.gather [hbm4b:s4+s12], $0x80, s16, s12, $0xb8;
	[tilespmem:$0x18100] =	vst v63  }
.LBB2_2:
0x21: {  	_ =	swait.ge [sflag:s18], $0x4000  }
0x22: {  	[sflag:s18] =	ssyncset.done $0x0  }
0x23: {  	[sflag:s18] =	ssyncadd.s32 $0xFFFFC000  }
0x24: {  	_ =	swait.ge [sflag:s19], $0x4000  }
0x25: {  	p1 =	seq.s32 s30, $0x0;
	[sflag:s19] =	ssyncset.done $0x0  }
0x26: {  	s0 =	simm.s32 @!p1 $0x5;
	[sflag:s19] =	ssyncadd.s32 $0xFFFFC000  }
0x27: {  	_ =	swait.ge @!p1 [sflag:s0], $0x2000  }
0x28: {  	[sflag:s0] =	ssyncset.done @!p1 $0x0  }
0x29: {  	[sflag:s0] =	ssyncadd.s32 @!p1 $0xFFFFE000;
	s0 =	simm.s32 $0x0  }
0x2a: {  	v23 =	vld [tilespmem:s0+$0x6030]  }
0x2b: {  	v24 =	vld [tilespmem:s0+$0xA020]  }
0x2c: {  	v27 =	vld [tilespmem:s0+$0xA030]  }
0x2d: {  	v28 =	vld [tilespmem:s0+$0x6020]  }
0x2e: {  	v11 =	vld [tilespmem:s0+$0xA050]  }
0x2f: {  	v12 =	vld [tilespmem:s0+$0x8030]  }
0x30: {  	v13 =	vld [tilespmem:s0+$0xA010]  }
0x31: {  	v18 =	vld [tilespmem:s0+$0x6050]  }
0x32: {  	v19 =	vld [tilespmem:s0+$0x6010]  }
0x33: {  	v21 =	vld [tilespmem:s0+$0xA000]  }
0x34: {  	v25 =	vld [tilespmem:s0+$0x6000]  }
0x35: {  	v29 =	vld [tilespmem:s0+$0x8070]  }
0x36: {  	v30 =	vld [tilespmem:s0+$0x4070]  }
0x37: {  	v22 =	vld [tilespmem:s0+$0x4030]  }
0x38: {  	v31 =	vld [tilespmem:s0+$0x8050]  }
0x39: {  	v32 =	vld [tilespmem:s0+$0x8060]  }
0x3a: {  	v33 =	vld [tilespmem:s0+$0x4050]  }
0x3b: {  	v34 =	vld [tilespmem:s0+$0x4060]  }
0x3c: {  	v37 =	vld [tilespmem:s0+$0x8020]  }
0x3d: {  	v26 =	vld [tilespmem:s0+$0xA060];
	v38 =	vadd.f32 v12, v22  }
0x3e: {  	v39 =	vld [tilespmem:s0+$0x8010];
	v36 =	vadd.f32 v11, v18;
	v18 =	vadd.f32 v29, v30  }
0x3f: {  	v63 =	vld [tilespmem:s0+$0x4010];
	v30 =	vadd.f32 v31, v33;
	v11 =	vadd.f32 v21, v25  }
0x40: {  	v40 =	vld [tilespmem:s0+$0x4020];
	v25 =	vadd.f32 v32, v34;
	v42 =	vadd.f32 v27, v23  }
0x41: {  	v35 =	vld [tilespmem:s0+$0x6060];
	v12 =	vmul.f32 v38, v38;
	v31 =	vpack.i.f32.bf16 v36, v30;
	v41 =	vmul.f32 v30, v30  }
0x42: {  	v22 =	vld [tilespmem:s0+$0x8000];
	v8 =	vadd.f32 v30, v8;
	v30 =	vmul.f32 v25, v25;
	v16 =	vadd.f32 v25, v16  }
0x43: {  	v29 =	vld [tilespmem:s0+$0xA070];
	v7 =	vadd.f32 v38, v7;
	v27 =	vmul.f32 v36, v36;
	v21 =	vadd.f32 v12, v15  }
0x44: {  	v32 =	vld [tilespmem:s0+$0x6040];
	v15 =	vmul.f32 v18, v18;
	v12 =	vadd.f32 v13, v19;
	v8 =	vadd.f32 v36, v8  }
0x45: {  	v33 =	vpack.i.f32.bf16 v42, v38;
	[tilespmem:s0+$0x14050] =	vst v31;
	v31 =	vld [tilespmem:s0+$0x6070];
	v23 =	vadd.f32 v30, v20;
	v20 =	vadd.f32 v39, v63  }
0x46: {  	v34 =	vld [tilespmem:s0+$0xA040];
	v13 =	vmul.f32 v11, v11;
	v19 =	vadd.f32 v15, v14;
	v14 =	vadd.f32 v24, v28  }
0x47: {  	v36 =	vld [tilespmem:s0+$0x8040];
	v7 =	vadd.f32 v42, v7;
	v30 =	vmul.f32 v42, v42;
	v17 =	vadd.f32 v41, v17  }
0x48: {  	s31 =	sshll.u32 s30, $0x8;
	s1 =	simm.s32 $0x200;
	v15 =	vmul.f32 v12, v12;
	v28 =	vadd.f32 v37, v40;
	v37 =	vld [tilespmem:s0+$0x4040];
	v24 =	vmul.f32 v14, v14  }
.LBB2_3:
0x49: {  	s13 =	sshra.s32 s1, $0x2;
	p0 =	sne.s32 s1, $0x7E00;
	s1 =	sadd.s32 $0x200, s1;
	v38 =	vld [tilespmem:s0+$0x4000];
	v26 =	vadd.f32 v26, v35;
	v4 =	vadd.f32 v18, v4  }
0x4a: {  	v29 =	vadd.f32 v29, v31;
	v39 =	vld [tilespmem:s13+$0x6030];
	v31 =	vmul.f32 v28, v28;
	v17 =	vadd.f32 v27, v17  }
0x4b: {  	v10 =	vadd.f32 v20, v10;
	v21 =	vadd.f32 v30, v21;
	v27 =	vld [tilespmem:s13+$0xA020]  }
0x4c: {  	v32 =	vadd.f32 v34, v32;
	v18 =	vpack.i.f32.bf16 v29, v18;
	v34 =	vmul.f32 v29, v29;
	v30 =	vld [tilespmem:s13+$0xA030]  }
0x4d: {  	v9 =	vadd.f32 v28, v9;
	v35 =	vld [tilespmem:s13+$0x6020];
	v36 =	vadd.f32 v36, v37;
	v37 =	vmul.f32 v26, v26  }
0x4e: {  	v28 =	vpack.i.f32.bf16 v14, v28;
	v4 =	vadd.f32 v29, v4;
	v0 =	vadd.f32 v31, v0;
	v40 =	vld [tilespmem:s13+$0xA050];
	[tilespmem:s0+$0x14070] =	vst v18  }
0x4f: {  	v19 =	vadd.f32 v34, v19;
	v22 =	vadd.f32 v22, v38;
	v18 =	vld [tilespmem:s13+$0x8030];
	[tilespmem:s0+$0x14020] =	vst v28;
	v28 =	vmul.f32 v20, v20  }
0x50: {  	v0 =	vadd.f32 v24, v0;
	v24 =	vmul.f32 v36, v36;
	v23 =	vadd.f32 v37, v23;
	v31 =	vld [tilespmem:s13+$0xA010]  }
0x51: {  	v25 =	vpack.i.f32.bf16 v26, v25;
	v5 =	vadd.f32 v36, v5;
	v29 =	vld [tilespmem:s13+$0x6050];
	[tilespmem:s0+$0x14030] =	vst v33;
	v3 =	vadd.f32 v28, v3  }
0x52: {  	v16 =	vadd.f32 v26, v16;
	v26 =	vmul.f32 v32, v32;
	v28 =	vld [tilespmem:s13+$0x6010];
	[tilespmem:s0+$0x14060] =	vst v25;
	v25 =	vmul.f32 v22, v22  }
0x53: {  	v34 =	vpack.i.f32.bf16 v11, v22;
	v6 =	vadd.f32 v22, v6;
	v1 =	vadd.f32 v24, v1;
	v33 =	vld [tilespmem:s13+$0xA000]  }
0x54: {  	v20 =	vpack.i.f32.bf16 v12, v20;
	v5 =	vadd.f32 v32, v5;
	v3 =	vadd.f32 v15, v3;
	v24 =	vld [tilespmem:s13+$0x6000];
	[tilespmem:s0+$0x14000] =	vst v34  }
0x55: {  	v6 =	vadd.f32 v11, v6;
	v1 =	vadd.f32 v26, v1;
	v15 =	vld [tilespmem:s13+$0x8070];
	[tilespmem:s0+$0x14010] =	vst v20;
	v20 =	vpack.i.f32.bf16 v32, v36  }
0x56: {  	v2 =	vadd.f32 v25, v2;
	v36 =	vadd.f32 v40, v29;
	v11 =	vld [tilespmem:s13+$0x4070];
	[tilespmem:s0+$0x14040] =	vst v20;
	s0 =	smov.u32 s13  }
0x57: {  	v10 =	vadd.f32 v12, v10;
	v9 =	vadd.f32 v14, v9;
	v20 =	vld [tilespmem:s0+$0x4030]  }
0x58: {  	v2 =	vadd.f32 v13, v2;
	v12 =	vld [tilespmem:s0+$0x8050]  }
0x59: {  	v13 =	vld [tilespmem:s0+$0x8060]  }
0x5a: {  	v14 =	vld [tilespmem:s0+$0x4050]  }
0x5b: {  	v37 =	vld [tilespmem:s0+$0x8020]  }
0x5c: {  	v38 =	vadd.f32 v18, v20;
	v20 =	vld [tilespmem:s0+$0x4060]  }
0x5d: {  	v22 =	vld [tilespmem:s0+$0x8000]  }
0x5e: {  	v18 =	vadd.f32 v15, v11;
	v26 =	vld [tilespmem:s0+$0xA060];
	v15 =	vmul.f32 v38, v38  }
0x5f: {  	v40 =	vld [tilespmem:s0+$0x8010];
	v14 =	vadd.f32 v12, v14  }
0x60: {  	v11 =	vadd.f32 v33, v24;
	v29 =	vld [tilespmem:s0+$0xA070];
	v21 =	vadd.f32 v15, v21;
	v15 =	vmul.f32 v18, v18  }
0x61: {  	v33 =	vld [tilespmem:s0+$0x4010];
	v25 =	vadd.f32 v13, v20;
	v13 =	vpack.i.f32.bf16 v36, v14;
	v41 =	vmul.f32 v14, v14  }
0x62: {  	v12 =	vadd.f32 v31, v28;
	v8 =	vadd.f32 v14, v8;
	v28 =	vld [tilespmem:s0+$0x4020];
	[tilespmem:s0+$0x14050] =	vst v13  }
0x63: {  	v13 =	vmul.f32 v11, v11;
	v19 =	vadd.f32 v15, v19;
	v31 =	vld [tilespmem:s0+$0x6070];
	v20 =	vmul.f32 v25, v25  }
.Ltmp0:
0x64: {  	v14 =	vadd.f32 v27, v35;
	v15 =	vmul.f32 v12, v12;
	v16 =	vadd.f32 v25, v16;
	v35 =	vld [tilespmem:s0+$0x6060];
	(pc) =	sbr.rel @p0 .LBB2_3-.Ltmp0, $4  }
0x65: {  	v39 =	vadd.f32 v30, v39;
	v7 =	vadd.f32 v38, v7;
	v27 =	vmul.f32 v36, v36;
	v32 =	vld [tilespmem:s0+$0x6040]  }
0x66: {  	v8 =	vadd.f32 v36, v8;
	v24 =	vmul.f32 v14, v14;
	v23 =	vadd.f32 v20, v23;
	v34 =	vld [tilespmem:s0+$0xA040]  }
0x67: {  	v30 =	vmul.f32 v39, v39;
	v7 =	vadd.f32 v39, v7;
	v20 =	vadd.f32 v40, v33;
	v36 =	vld [tilespmem:s0+$0x8040]  }
0x68: {  	v17 =	vadd.f32 v41, v17;
	v33 =	vpack.i.f32.bf16 v39, v38;
	v28 =	vadd.f32 v37, v28;
	v37 =	vld [tilespmem:s0+$0x4040]  }
0x69: {  	v38 =	vld [tilespmem:s0+$0x4000];
	_ =	sdelay $0x2  }
0x6a: {  	v29 =	vadd.f32 v29, v31  }
0x6b: {  	v26 =	vadd.f32 v26, v35;
	[tilespmem:s0+$0x14030] =	vst v33;
	v51 =	vpack.i.f32.bf16 v14, v28  }
0x6c: {  	v31 =	vpack.i.f32.bf16 v29, v18;
	[tilespmem:s0+$0x14020] =	vst v51;
	v22 =	vadd.f32 v22, v38  }
0x6d: {  	v25 =	vpack.i.f32.bf16 v26, v25;
	[tilespmem:s0+$0x14070] =	vst v31  }
0x6e: {  	v31 =	vadd.f32 v34, v32;
	[tilespmem:s0+$0x14060] =	vst v25;
	v52 =	vadd.f32 v36, v37;
	v25 =	vpack.i.f32.bf16 v11, v22  }
0x6f: {  	[tilespmem:s0+$0x14000] =	vst v25;
	v25 =	vpack.i.f32.bf16 v12, v20  }
0x70: {  	p0 =	seq.s32 s30, $0x1F;
	[tilespmem:s0+$0x14010] =	vst v25;
	v25 =	vpack.i.f32.bf16 v31, v52  }
0x71: {  	s1 =	simm.s32 @!p0 $0x80;
	s13 =	simm.s32 @!p0 $0x4000;
	[tilespmem:s0+$0x14040] =	vst v25;
	s0 =	sadd.s32 @!p0 $0x100, s31  }
0x72: {  	[tilespmem:s13], [sflag:$0x1] =	stream.indirect.gather @!p0 [hbm4b:s2+s1], $0x80, s0, s1, $0xb8;
	[tilespmem:$0x18100] =	vst v63  }
0x73: {  	s14 =	sshll.u32 s30, $0xB;
	s0 =	sadd.s32 @!p0 $0x2100, s31;
	s13 =	simm.s32 @!p0 $0x8000  }
0x74: {  	[tilespmem:s13], [sflag:$0x2] =	stream.indirect.gather @!p0 [hbm4b:s4+s1], $0x80, s0, s1, $0xb8;
	[tilespmem:$0x18100] =	vst v63  }
0x75: {  	s0 =	sadd.s32 s14, s7  }
0x76: {  	[hbm4b:s0+s3] =	stream.linear.scatter [tilespmem:s20], [sflag:$0x5], $0x2000, $0x38;
	[tilespmem:$0x18100] =	vst v63  }
0x77: {  	_ =	swait.ge [sflag:s21], $0x4000  }
0x78: {  	[sflag:s21] =	ssyncset.done $0x0  }
0x79: {  	[sflag:s21] =	ssyncadd.s32 $0xFFFFC000  }
0x7a: {  	_ =	swait.ge [sflag:s22], $0x4000  }
0x7b: {  	[sflag:s22] =	ssyncset.done $0x0  }
0x7c: {  	s1 =	simm.s32 @!p1 $0x6;
	[sflag:s22] =	ssyncadd.s32 $0xFFFFC000  }
0x7d: {  	_ =	swait.ge @!p1 [sflag:s1], $0x2000  }
0x7e: {  	[sflag:s1] =	ssyncset.done @!p1 $0x0  }
0x7f: {  	[sflag:s1] =	ssyncadd.s32 @!p1 $0xFFFFE000;
	s1 =	simm.s32 $0x0  }
0x80: {  	v25 =	vld [tilespmem:s1+$0xE030]  }
0x81: {  	v53 =	vld [tilespmem:s1+$0x12020]  }
0x82: {  	v54 =	vld [tilespmem:s1+$0x12030]  }
0x83: {  	v55 =	vld [tilespmem:s1+$0xE020]  }
0x84: {  	v56 =	vld [tilespmem:s1+$0x12050]  }
0x85: {  	v57 =	vld [tilespmem:s1+$0x10030]  }
0x86: {  	v58 =	vld [tilespmem:s1+$0x12010]  }
0x87: {  	v4 =	vadd.f32 v18, v4;
	v30 =	vadd.f32 v30, v21;
	v39 =	vld [tilespmem:s1+$0xE050]  }
0x88: {  	v10 =	vadd.f32 v20, v10;
	v17 =	vadd.f32 v27, v17;
	v40 =	vld [tilespmem:s1+$0xE010]  }
0x89: {  	v27 =	vadd.f32 v28, v9;
	v18 =	vmul.f32 v28, v28;
	v21 =	vmul.f32 v29, v29;
	v41 =	vld [tilespmem:s1+$0x12000]  }
0x8a: {  	v4 =	vadd.f32 v29, v4;
	v9 =	vmul.f32 v26, v26;
	v26 =	vadd.f32 v26, v16;
	v42 =	vld [tilespmem:s1+$0xE000]  }
0x8b: {  	v0 =	vadd.f32 v18, v0;
	v28 =	vadd.f32 v21, v19;
	v18 =	vld [tilespmem:s1+$0x10070]  }
0x8c: {  	v43 =	vadd.f32 v9, v23;
	v16 =	vmul.f32 v31, v31;
	v9 =	vmul.f32 v52, v52;
	v19 =	vld [tilespmem:s1+$0xC070]  }
0x8d: {  	v0 =	vadd.f32 v24, v0;
	v5 =	vadd.f32 v52, v5;
	v20 =	vmul.f32 v20, v20;
	v21 =	vld [tilespmem:s1+$0xC030]  }
0x8e: {  	v24 =	vadd.f32 v22, v6;
	v22 =	vmul.f32 v22, v22;
	v1 =	vadd.f32 v9, v1;
	v23 =	vld [tilespmem:s1+$0x10050]  }
0x8f: {  	v9 =	vadd.f32 v31, v5;
	v3 =	vadd.f32 v20, v3;
	v20 =	vld [tilespmem:s1+$0x10060]  }
0x90: {  	v5 =	vadd.f32 v16, v1;
	v1 =	vadd.f32 v22, v2;
	v29 =	vld [tilespmem:s1+$0xC050]  }
0x91: {  	v6 =	vadd.f32 v15, v3;
	v3 =	vadd.f32 v11, v24;
	v11 =	vld [tilespmem:s1+$0xC060]  }
0x92: {  	v14 =	vadd.f32 v14, v27;
	v15 =	vadd.f32 v12, v10;
	v31 =	vld [tilespmem:s1+$0x10020]  }
0x93: {  	v1 =	vadd.f32 v13, v1;
	v16 =	vld [tilespmem:s1+$0x10000];
	v44 =	vadd.f32 v57, v21  }
0x94: {  	v24 =	vld [tilespmem:s1+$0x12060];
	v22 =	vadd.f32 v56, v39;
	v21 =	vadd.f32 v18, v19  }
0x95: {  	v59 =	vld [tilespmem:s1+$0x10010];
	v12 =	vadd.f32 v23, v29;
	v2 =	vadd.f32 v41, v42  }
0x96: {  	v27 =	vld [tilespmem:s1+$0x12070];
	v19 =	vadd.f32 v20, v11;
	v63 =	vadd.f32 v54, v25  }
0x97: {  	v60 =	vld [tilespmem:s1+$0xC020];
	v10 =	vmul.f32 v44, v44;
	v13 =	vmul.f32 v21, v21;
	v11 =	vpack.i.f32.bf16 v22, v12  }
0x98: {  	v34 =	vld [tilespmem:s1+$0xE060];
	v61 =	vmul.f32 v12, v12;
	v8 =	vadd.f32 v12, v8;
	v12 =	vadd.f32 v53, v55  }
0x99: {  	v62 =	vmul.f32 v19, v19;
	v18 =	vadd.f32 v19, v26;
	v23 =	vadd.f32 v10, v30;
	v30 =	vld [tilespmem:s1+$0xC010]  }
0x9a: {  	v32 =	vld [tilespmem:s1+$0x12040];
	v7 =	vadd.f32 v44, v7;
	v35 =	vmul.f32 v22, v22;
	v36 =	vmul.f32 v63, v63  }
0x9b: {  	v29 =	vld [tilespmem:s1+$0xE070];
	[tilespmem:s1+$0x16050] =	vst v11;
	v11 =	vmul.f32 v2, v2;
	v10 =	vadd.f32 v58, v40;
	v20 =	vadd.f32 v13, v28  }
0x9c: {  	v33 =	vld [tilespmem:s1+$0x10040];
	v8 =	vadd.f32 v22, v8;
	v26 =	vmul.f32 v12, v12;
	v25 =	vadd.f32 v62, v43  }
0x9d: {  	v28 =	vld [tilespmem:s1+$0xE040];
	v7 =	vadd.f32 v63, v7;
	v17 =	vadd.f32 v61, v17;
	v13 =	vmul.f32 v10, v10  }
0x9e: {  	s13 =	simm.s32 $0x200;
	v37 =	vld [tilespmem:s1+$0xC040];
	v22 =	vadd.f32 v59, v30;
	v30 =	vadd.f32 v31, v60;
	v31 =	vpack.i.f32.bf16 v63, v44  }
.LBB2_5:
0x9f: {  	s14 =	sshra.s32 s13, $0x2;
	p1 =	sne.s32 s13, $0x7E00;
	s13 =	sadd.s32 $0x200, s13;
	v38 =	vld [tilespmem:s1+$0xC000];
	v24 =	vadd.f32 v24, v34;
	v4 =	vadd.f32 v21, v4  }
0xa0: {  	v27 =	vadd.f32 v27, v29;
	v39 =	vld [tilespmem:s14+$0xE030];
	v29 =	vmul.f32 v30, v30;
	v17 =	vadd.f32 v35, v17  }
0xa1: {  	v15 =	vadd.f32 v22, v15;
	v23 =	vadd.f32 v36, v23;
	v34 =	vld [tilespmem:s14+$0x12020]  }
0xa2: {  	v28 =	vadd.f32 v32, v28;
	v21 =	vpack.i.f32.bf16 v27, v21;
	v32 =	vmul.f32 v27, v27;
	v35 =	vld [tilespmem:s14+$0x12030]  }
0xa3: {  	v14 =	vadd.f32 v30, v14;
	v36 =	vld [tilespmem:s14+$0xE020];
	v33 =	vadd.f32 v33, v37;
	v37 =	vmul.f32 v24, v24  }
0xa4: {  	v30 =	vpack.i.f32.bf16 v12, v30;
	v4 =	vadd.f32 v27, v4;
	v0 =	vadd.f32 v29, v0;
	v40 =	vld [tilespmem:s14+$0x12050];
	[tilespmem:s1+$0x16070] =	vst v21  }
0xa5: {  	v27 =	vmul.f32 v22, v22;
	v20 =	vadd.f32 v32, v20;
	v16 =	vadd.f32 v16, v38;
	v21 =	vld [tilespmem:s14+$0x10030];
	[tilespmem:s1+$0x16020] =	vst v30  }
0xa6: {  	v0 =	vadd.f32 v26, v0;
	v26 =	vmul.f32 v33, v33;
	v25 =	vadd.f32 v37, v25;
	v29 =	vld [tilespmem:s14+$0x12010]  }
0xa7: {  	v19 =	vpack.i.f32.bf16 v24, v19;
	v6 =	vadd.f32 v27, v6;
	v9 =	vadd.f32 v33, v9;
	v30 =	vld [tilespmem:s14+$0xE050];
	[tilespmem:s1+$0x16030] =	vst v31  }
0xa8: {  	v18 =	vadd.f32 v24, v18;
	v24 =	vmul.f32 v28, v28;
	v31 =	vld [tilespmem:s14+$0xE010];
	[tilespmem:s1+$0x16060] =	vst v19;
	v19 =	vmul.f32 v16, v16  }
0xa9: {  	v32 =	vpack.i.f32.bf16 v2, v16;
	v3 =	vadd.f32 v16, v3;
	v5 =	vadd.f32 v26, v5;
	v27 =	vld [tilespmem:s14+$0x12000]  }
0xaa: {  	v6 =	vadd.f32 v13, v6;
	v9 =	vadd.f32 v28, v9;
	v16 =	vpack.i.f32.bf16 v10, v22;
	v26 =	vld [tilespmem:s14+$0xE000];
	[tilespmem:s1+$0x16000] =	vst v32  }
0xab: {  	v3 =	vadd.f32 v2, v3;
	v5 =	vadd.f32 v24, v5;
	v13 =	vld [tilespmem:s14+$0x10070];
	[tilespmem:s1+$0x16010] =	vst v16;
	v16 =	vpack.i.f32.bf16 v28, v33  }
0xac: {  	v1 =	vadd.f32 v19, v1;
	v22 =	vadd.f32 v40, v30;
	v2 =	vld [tilespmem:s14+$0xC070];
	[tilespmem:s1+$0x16040] =	vst v16;
	s1 =	smov.u32 s14  }
0xad: {  	v15 =	vadd.f32 v10, v15;
	v14 =	vadd.f32 v12, v14;
	v16 =	vld [tilespmem:s1+$0xC030]  }
0xae: {  	v1 =	vadd.f32 v11, v1;
	v10 =	vld [tilespmem:s1+$0x10050]  }
0xaf: {  	v11 =	vld [tilespmem:s1+$0x10060]  }
0xb0: {  	v12 =	vld [tilespmem:s1+$0xC050]  }
0xb1: {  	v30 =	vld [tilespmem:s1+$0x10020]  }
0xb2: {  	v38 =	vadd.f32 v21, v16;
	v19 =	vld [tilespmem:s1+$0xC060]  }
0xb3: {  	v16 =	vld [tilespmem:s1+$0x10000]  }
0xb4: {  	v21 =	vadd.f32 v13, v2;
	v24 =	vld [tilespmem:s1+$0x12060];
	v13 =	vmul.f32 v38, v38  }
0xb5: {  	v33 =	vld [tilespmem:s1+$0x10010];
	v12 =	vadd.f32 v10, v12  }
0xb6: {  	v2 =	vadd.f32 v27, v26;
	v27 =	vld [tilespmem:s1+$0x12070];
	v23 =	vadd.f32 v13, v23;
	v13 =	vmul.f32 v21, v21  }
0xb7: {  	v37 =	vld [tilespmem:s1+$0xC010];
	v19 =	vadd.f32 v11, v19;
	v11 =	vpack.i.f32.bf16 v22, v12;
	v40 =	vmul.f32 v12, v12  }
0xb8: {  	v10 =	vadd.f32 v29, v31;
	v8 =	vadd.f32 v12, v8;
	v31 =	vld [tilespmem:s1+$0xC020];
	[tilespmem:s1+$0x16050] =	vst v11  }
0xb9: {  	v11 =	vmul.f32 v2, v2;
	v20 =	vadd.f32 v13, v20;
	v29 =	vld [tilespmem:s1+$0xE070];
	v41 =	vmul.f32 v19, v19  }
.Ltmp1:
0xba: {  	v12 =	vadd.f32 v34, v36;
	v13 =	vmul.f32 v10, v10;
	v18 =	vadd.f32 v19, v18;
	v34 =	vld [tilespmem:s1+$0xE060];
	(pc) =	sbr.rel @p1 .LBB2_5-.Ltmp1, $4  }
0xbb: {  	v39 =	vadd.f32 v35, v39;
	v35 =	vmul.f32 v22, v22;
	v7 =	vadd.f32 v38, v7;
	v28 =	vld [tilespmem:s1+$0xE040]  }
0xbc: {  	v8 =	vadd.f32 v22, v8;
	v26 =	vmul.f32 v12, v12;
	v25 =	vadd.f32 v41, v25;
	v32 =	vld [tilespmem:s1+$0x12040]  }
0xbd: {  	v7 =	vadd.f32 v39, v7;
	v36 =	vmul.f32 v39, v39;
	v22 =	vadd.f32 v33, v37;
	v33 =	vld [tilespmem:s1+$0x10040]  }
0xbe: {  	v17 =	vadd.f32 v40, v17;
	v30 =	vadd.f32 v30, v31;
	v31 =	vpack.i.f32.bf16 v39, v38;
	v37 =	vld [tilespmem:s1+$0xC040]  }
0xbf: {  	v38 =	vld [tilespmem:s1+$0xC000];
	_ =	sdelay $0x2  }
0xc0: {  	v27 =	vadd.f32 v27, v29;
	v24 =	vadd.f32 v24, v34  }
0xc1: {  	v4 =	vadd.f32 v21, v4;
	[tilespmem:s1+$0x16030] =	vst v31;
	v60 =	vpack.i.f32.bf16 v12, v30  }
0xc2: {  	v29 =	vpack.i.f32.bf16 v27, v21;
	[tilespmem:s1+$0x16020] =	vst v60;
	v19 =	vpack.i.f32.bf16 v24, v19;
	v21 =	vadd.f32 v16, v38  }
0xc3: {  	v28 =	vadd.f32 v32, v28;
	[tilespmem:s1+$0x16070] =	vst v29;
	v61 =	vadd.f32 v33, v37;
	v16 =	vmul.f32 v30, v30  }
0xc4: {  	[tilespmem:s1+$0x16060] =	vst v19;
	v19 =	vpack.i.f32.bf16 v2, v21  }
0xc5: {  	v0 =	vadd.f32 v16, v0;
	v16 =	vpack.i.f32.bf16 v28, v61;
	[tilespmem:s1+$0x16000] =	vst v19  }
0xc6: {  	v62 =	vadd.f32 v22, v15;
	v19 =	vpack.i.f32.bf16 v10, v22;
	[tilespmem:s1+$0x16040] =	vst v16  }
0xc7: {  	v15 =	vadd.f32 v36, v23;
	s13 =	simm.s32 @!p0 $0x80;
	s14 =	simm.s32 @!p0 $0xC000;
	v17 =	vadd.f32 v35, v17;
	v23 =	vmul.f32 v27, v27;
	[tilespmem:s1+$0x16010] =	vst v19;
	s1 =	sadd.s32 @!p0 $0x180, s31  }
0xc8: {  	v63 =	vmul.f32 v24, v24;
	v4 =	vadd.f32 v27, v4;
	v9 =	vadd.f32 v61, v9;
	[tilespmem:s14], [sflag:$0x3] =	stream.indirect.gather @!p0 [hbm4b:s2+s13], $0x80, s1, s13, $0xb8;
	[tilespmem:$0x18100] =	vst v63  }
0xc9: {  	s30 =	sadd.s32 $0x1, s30;
	v16 =	vmul.f32 v22, v22;
	v10 =	vadd.f32 v10, v62;
	v19 =	vadd.f32 v30, v14;
	s1 =	sadd.s32 @!p0 $0x2180, s31;
	s14 =	simm.s32 @!p0 $0x10000  }
0xca: {  	v14 =	vadd.f32 v23, v20;
	v0 =	vadd.f32 v26, v0;
	[tilespmem:s14], [sflag:$0x4] =	stream.indirect.gather @!p0 [hbm4b:s4+s13], $0x80, s1, s13, $0xb8;
	[tilespmem:$0x18100] =	vst v63  }
0xcb: {  	v22 =	vmul.f32 v61, v61;
	v20 =	vadd.f32 v63, v25;
	v6 =	vadd.f32 v16, v6;
	p0 =	sne.s32 s30, $0x20  }
.Ltmp2:
0xcc: {  	v16 =	vadd.f32 v24, v18;
	v18 =	vmul.f32 v21, v21;
	v21 =	vadd.f32 v21, v3;
	(pc) =	sbr.rel @p0 .LBB2_2-.Ltmp2, $4  }
0xcd: {  	v22 =	vadd.f32 v22, v5;
	v3 =	vadd.f32 v13, v6  }
0xce: {  	v23 =	vmul.f32 v28, v28;
	v6 =	vadd.f32 v2, v21;
	v2 =	vadd.f32 v18, v1  }
0xcf: {  	s0 =	sadd.s32 $0x400, s0;
	v5 =	vadd.f32 v28, v9;
	v9 =	vadd.f32 v12, v19  }
0xd0: {  	v1 =	vadd.f32 v23, v22;
	[hbm4b:s0+s3] =	stream.linear.scatter [tilespmem:s23], [sflag:$0x6], $0x2000, $0x38;
	v2 =	vadd.f32 v11, v2;
	[tilespmem:$0x18100] =	vst v63  }
0xd1: {  	_ =	swait.ge [sflag:s24], $0x2000  }
0xd2: {  	[sflag:s24] =	ssyncset.done $0x0  }
0xd3: {  	[sflag:s24] =	ssyncadd.s32 $0xFFFFE000  }
0xd4: {  	_ =	swait.ge [sflag:s25], $0x2000  }
0xd5: {  	[sflag:s25] =	ssyncset.done $0x0  }
0xd6: {  	[sflag:s25] =	ssyncadd.s32 $0xFFFFE000  }
0xd7: {  	[tilespmem:$0x18000] =	vst v6  }
0xd8: {  	[tilespmem:$0x18010] =	vst v10  }
0xd9: {  	[tilespmem:$0x18020] =	vst v9  }
0xda: {  	[tilespmem:$0x18030] =	vst v7  }
0xdb: {  	[tilespmem:$0x18040] =	vst v5  }
0xdc: {  	[tilespmem:$0x18050] =	vst v8  }
0xdd: {  	[tilespmem:$0x18060] =	vst v16  }
0xde: {  	[tilespmem:$0x18070] =	vst v4  }
0xdf: {  	[tilespmem:$0x18080] =	vst v2  }
0xe0: {  	[tilespmem:$0x18090] =	vst v3  }
0xe1: {  	[tilespmem:$0x180A0] =	vst v0  }
0xe2: {  	[tilespmem:$0x180B0] =	vst v15  }
0xe3: {  	[tilespmem:$0x180C0] =	vst v1  }
0xe4: {  	s29 =	sadd.s32 $0x1, s29;
	[tilespmem:$0x180D0] =	vst v17  }
0xe5: {  	p0 =	sne.s32 s29, s9;
	[tilespmem:$0x180E0] =	vst v20  }
.Ltmp3:
0xe6: {  	[tilespmem:$0x180F0] =	vst v14;
	(pc) =	sbr.rel @p0 .LBB2_1-.Ltmp3, $4  }
0xe7: {  	[hbm4b:s8+s12] =	stream.strided.scatter [tilespmem:s28], [sflag:$0x7], $0x100, s26, s12, $0x38;
	[tilespmem:$0x18100] =	vst v63  }
0xe8: {  	_ =	swait.ge [sflag:s10], $0x100  }
0xe9: {  	[sflag:s10] =	ssyncset.done $0x0  }
0xea: {  	[sflag:s10] =	ssyncadd.s32 $0xFFFFFF00  }
0xeb: {  	_ =	sfence.sel $0x180000  }
0xec: {  	[bflag:$0x0] =	sbarrier.arrive $0xFFFF  }
0xed: {  	_ =	strace $0x90000047  }
0xee: {  	s0 =	stileid.u32;
	[bflag:$0x2] =	sbarrier.arrive $0xFFFF  }
0xef: {  	p0 =	sne.s32 s0, $0x0;
	s0 =	rddreg [dreg:$0x2]  }
0xf0: {  	s0 =	sadd.s32 @!p0 $0x100000, s0  }
0xf1: {  	[sflag:s0] =	ssyncadd.tile.s32 @!p0 $0x1;
	_ =	shalt  }
.Lfunc_end2:
_tile_overlayer_lowered:
.L_overlay_start_2:
0xf2: {  	(tag) =	ssettag $0x2  }
0xf3: {  	s0 =	rddreg [dreg:$0x0];
	s2 =	stileid.u32  }
0xf4: {  	s1 =	rddreg [dreg:$0x1];
	p0 =	sne.s32 s2, $0x0  }
0xf5: {  	s3 =	rddreg [dreg:$0x2];
	[bflag:$0x3] =	sbarrier.arrive $0xFFFF;
	s2 =	simm.s32 @!p0 $0x1C07  }
0xf6: {  	[timem:s3], [sflag:s2] =	dma.local @!p0 [hbm:s0], s1  }
0xf7: {  	s0 =	simm.s32 @!p0 $0x7  }
0xf8: {  	_ =	swait.ge @!p0 [sflag:s0], s1  }
0xf9: {  	s1 =	ssub.s32 @!p0 $0x0, s1;
	[sflag:s0] =	ssyncset.done @!p0 $0x0  }
0xfa: {  	[sflag:s0] =	ssyncadd.s32 @!p0 s1  }
0xfb: {  	[bflag:$0x3] =	sbarrier.arrive $0xFFFF  }
0xfc: {  	_ =	shalt  }

</sc_bundles>
